<compile_context>
chip_gen: v7x
topology: tpu7x:2x2x1
jax: 0.10.2.dev20260603
libtpu: 0.0.44.dev20260713+nightly
codegen_flags: <defaults>
</compile_context>

<pallas_src>
import functools

import jax
import jax.numpy as jnp
from jax import lax
from jax.experimental import pallas as pl
from jax.experimental.pallas import tpu as pltpu
from jax.experimental.pallas import tpu_sc as plsc

PW = 16


def _sc_gather(xflat, ppad, xidx, pidx, rows_per_worker, chunk):
    rows, c = xidx.shape[0], xflat.shape[1]
    nw = 32
    assert rows == nw * rows_per_worker
    nfull = rows_per_worker // chunk
    tail = rows_per_worker - nfull * chunk
    assert chunk <= 128 and chunk % 8 == 0
    assert nfull % 2 == 0 and tail % 8 == 0 and tail < chunk

    mesh = plsc.VectorSubcoreMesh(core_axis_name="c", subcore_axis_name="s")

    @functools.partial(
        pl.kernel,
        out_type=[
            jax.ShapeDtypeStruct((rows, c), jnp.float32),
            jax.ShapeDtypeStruct((rows, PW), jnp.float32),
        ],
        mesh=mesh,
        compiler_params=pltpu.CompilerParams(use_tc_tiling_on_sc=False),
        scratch_types=[
            pltpu.VMEM((rows_per_worker,), jnp.int32),
            pltpu.VMEM((rows_per_worker,), jnp.int32),
            pltpu.VMEM((chunk, c), jnp.float32),
            pltpu.VMEM((chunk, c), jnp.float32),
            pltpu.VMEM((chunk, PW), jnp.float32),
            pltpu.VMEM((chunk, PW), jnp.float32),
            pltpu.SemaphoreType.DMA,
            pltpu.SemaphoreType.DMA,
            pltpu.SemaphoreType.DMA,
            pltpu.SemaphoreType.DMA,
        ],
    )
    def k(xflat_hbm, ppad_hbm, xidx_hbm, pidx_hbm, nbrx_hbm, nbrp_hbm,
          xidx_v, pidx_v, xr0, xr1, pr0, pr1, sx0, sx1, sp0, sp1):
        wid = lax.axis_index("s") * 2 + lax.axis_index("c")
        base = wid * rows_per_worker
        pltpu.sync_copy(xidx_hbm.at[pl.ds(base, rows_per_worker)], xidx_v)
        pltpu.sync_copy(pidx_hbm.at[pl.ds(base, rows_per_worker)], pidx_v)

        def start(g, xr, pr, sx, sp, nrows=chunk):
            off = pl.multiple_of(g * chunk, chunk)
            pltpu.async_copy(
                xflat_hbm.at[xidx_v.at[pl.ds(off, nrows)]],
                xr.at[pl.ds(0, nrows)], sx)
            pltpu.async_copy(
                ppad_hbm.at[pidx_v.at[pl.ds(off, nrows)]],
                pr.at[pl.ds(0, nrows)], sp)

        def drain(xr, pr, sx, sp, nrows=chunk):
            pltpu.make_async_copy(
                xflat_hbm.at[pl.ds(0, nrows)], xr.at[pl.ds(0, nrows)],
                sx).wait()
            pltpu.make_async_copy(
                ppad_hbm.at[pl.ds(0, nrows)], pr.at[pl.ds(0, nrows)],
                sp).wait()

        def write(g, xr, pr, nrows=chunk):
            off = pl.multiple_of(g * chunk, chunk)
            pltpu.sync_copy(xr.at[pl.ds(0, nrows)],
                            nbrx_hbm.at[pl.ds(base + off, nrows)])
            pltpu.sync_copy(pr.at[pl.ds(0, nrows)],
                            nbrp_hbm.at[pl.ds(base + off, nrows)])

        start(0, xr0, pr0, sx0, sp0)

        def body(go, carry):
            g0 = pl.multiple_of(go * 2, 2)
            start(g0 + 1, xr1, pr1, sx1, sp1)
            drain(xr0, pr0, sx0, sp0)
            write(g0, xr0, pr0)
            start(g0 + 2, xr0, pr0, sx0, sp0)
            drain(xr1, pr1, sx1, sp1)
            write(g0 + 1, xr1, pr1)
            return carry

        lax.fori_loop(0, nfull // 2 - 1, body, 0)
        g0 = nfull - 2
        start(g0 + 1, xr1, pr1, sx1, sp1)
        drain(xr0, pr0, sx0, sp0)
        write(g0, xr0, pr0)
        if tail:
            start(nfull, xr0, pr0, sx0, sp0, nrows=tail)
        drain(xr1, pr1, sx1, sp1)
        write(g0 + 1, xr1, pr1)
        if tail:
            drain(xr0, pr0, sx0, sp0, nrows=tail)
            write(nfull, xr0, pr0, nrows=tail)

    return k(xflat, ppad, xidx, pidx)


def _tc_body(nbrp_ref, nbrx_ref, pp_ref, a_ref, w1p_ref, g1_ref,
             be1_ref, w2_ref, b2_ref, g2_ref, be2_ref, out_ref):
    b, kk, tn, c = nbrx_ref.shape
    hid = w1p_ref.shape[1]
    out = w2_ref.shape[0]

    pp = pp_ref[...].reshape(b * tn, PW)
    hi = nbrp_ref[:, 0].reshape(b * tn, c).astype(jnp.bfloat16)
    lo = nbrp_ref[:, 1].reshape(b * tn, c).astype(jnp.bfloat16)
    h = (jnp.dot(pp, a_ref[...], preferred_element_type=jnp.float32)
         - (jnp.dot(hi, w1p_ref[0:c], preferred_element_type=jnp.float32)
            + jnp.dot(lo, w1p_ref[c:2 * c],
                      preferred_element_type=jnp.float32)))
    h3 = h.reshape(b, tn, hid)
    m1 = jnp.mean(h3, axis=(0, 2), keepdims=True)
    q1 = jnp.mean(h3 * h3, axis=(0, 2), keepdims=True)
    rs1 = lax.rsqrt(q1 - m1 * m1 + 1e-5)
    sc1 = rs1 * g1_ref[...][None]
    sh1 = be1_ref[...][None] - m1 * sc1
    hr = jnp.maximum(h3 * sc1 + sh1, 0.0)
    hrb = hr.astype(jnp.bfloat16).reshape(b * tn, hid)

    o = lax.dot_general(hrb, w2_ref[...], (((1,), (1,)), ((), ())),
                        preferred_element_type=jnp.float32) + b2_ref[...]
    o3 = o.reshape(b, tn, out)
    m2 = jnp.mean(o3, axis=(0, 2), keepdims=True)
    q2 = jnp.mean(o3 * o3, axis=(0, 2), keepdims=True)
    rs2 = lax.rsqrt(q2 - m2 * m2 + 1e-5)
    sc2 = rs2 * g2_ref[...][None]
    sh2 = be2_ref[...][None] - m2 * sc2

    acc = jnp.zeros((b, tn, c), jnp.float32)
    for j in range(kk):
        yj = jnp.maximum(o3[:, :, j * c:(j + 1) * c] * sc2 + sh2, 0.0)
        acc = acc + yj * nbrx_ref[:, j].astype(jnp.float32)
    out_ref[...] = acc


def _tc_mlp(nbrp4, nbrx4, ppad3, a, w1p, g1c, be1c, w2, b2r, g2c, be2c, tn):
    b, kk, n, c = nbrx4.shape
    hid = w1p.shape[1]
    out = w2.shape[0]
    grid = (n // tn,)
    return pl.pallas_call(
        _tc_body,
        grid=grid,
        in_specs=[
            pl.BlockSpec((b, 2, tn, c), lambda i: (0, 0, i, 0)),
            pl.BlockSpec((b, kk, tn, c), lambda i: (0, 0, i, 0)),
            pl.BlockSpec((b, tn, PW), lambda i: (0, i, 0)),
            pl.BlockSpec((PW, hid), lambda i: (0, 0)),
            pl.BlockSpec((2 * c, hid), lambda i: (0, 0)),
            pl.BlockSpec((tn, 1), lambda i: (i, 0)),
            pl.BlockSpec((tn, 1), lambda i: (i, 0)),
            pl.BlockSpec((out, hid), lambda i: (0, 0)),
            pl.BlockSpec((1, out), lambda i: (0, 0)),
            pl.BlockSpec((tn, 1), lambda i: (i, 0)),
            pl.BlockSpec((tn, 1), lambda i: (i, 0)),
        ],
        out_specs=pl.BlockSpec((b, tn, c), lambda i: (0, i, 0)),
        out_shape=jax.ShapeDtypeStruct((b, n, c), jnp.float32),
    )(nbrp4, nbrx4, ppad3, a, w1p, g1c, be1c, w2, b2r, g2c, be2c)


def kernel(x, points, indices, W1, b1, g1, be1, W2, b2, g2, be2):
    b, n, c = x.shape
    k = indices.shape[2]
    hid = W1.shape[0]
    out = W2.shape[0]

    xflat = x.reshape(b * n, c)
    ppad = jnp.concatenate(
        [points, jnp.ones((b, n, 1), points.dtype),
         jnp.zeros((b, n, PW - 4), points.dtype)], axis=-1).reshape(b * n, PW)
    boff = (jnp.arange(b, dtype=jnp.int32) * n)
    idx32 = indices.astype(jnp.int32)
    kh = k // 2

    w1r = W1.reshape(hid, k, points.shape[2])
    w1pad = jnp.pad(w1r, ((0, 0), (0, 0), (0, PW - points.shape[2])))
    w1p = w1pad.transpose(1, 2, 0).reshape(k * PW, hid)
    a = w1p.reshape(k, PW, hid).sum(axis=0).at[3].set(b1)
    w1pb = w1p.astype(jnp.bfloat16)
    w2b = W2.astype(jnp.bfloat16)
    b2r = b2.reshape(1, out)
    ppad3 = ppad.reshape(b, n, PW)

    if n == 10000:
        splits, chunks, tn = (2800, 3600, 3600), (56, 72, 72), 400
    else:
        splits, chunks, tn = (n,), (None,), n
    outs = []
    n0 = 0
    for na, chunk in zip(splits, chunks):
        sl = slice(n0, n0 + na)
        idx_h = idx32[:, sl]
        xidx = (idx_h.transpose(0, 2, 1) + boff[:, None, None]).reshape(-1)
        pidx = (jnp.stack([idx_h[:, :, 0:kh], idx_h[:, :, kh:k]], axis=1)
                + boff[:, None, None, None]).reshape(-1)
        rows = b * na * k
        if chunk is None:
            chunk = 128
        nbrx, nbrp = _sc_gather(xflat, ppad, xidx, pidx,
                                rows_per_worker=rows // 32, chunk=chunk)
        nbrx4 = nbrx.reshape(b, k, na, c)
        nbrp4 = nbrp.reshape(b, 2, na, c)
        outs.append(_tc_mlp(nbrp4, nbrx4, ppad3[:, sl], a, w1pb,
                            g1[sl].reshape(na, 1), be1[sl].reshape(na, 1),
                            w2b, b2r, g2[sl].reshape(na, 1),
                            be2[sl].reshape(na, 1), tn))
        n0 += na
    res = outs[0] if len(outs) == 1 else jnp.concatenate(outs, axis=1)
    return (res, points, indices)

# --- scband reference (transcript-rebuilt; emitter-appended) ---
"""Pipeline reference for scband-continuous-convolution-16870631539556 (READ-ONLY COPY).

The authoritative reference and input builder live on the scoring server;
editing this copy changes nothing except your own understanding.
"""

import jax, jax.numpy as jnp
import numpy as np

B = 2
N = 10000
N_FEAT = 128
K = 16
HID = N_FEAT // 2 * K
OUT = N_FEAT * K


def setup_inputs(seed: int = 0) -> dict:
    key = jax.random.key(seed)
    ks = jax.random.split(key, 8)
    x = jax.random.normal(ks[0], (B, N, N_FEAT), dtype=jnp.float32)
    points = jax.random.uniform(ks[1], (B, N, 3), dtype=jnp.float32)
    indices = jax.random.randint(ks[2], (B, N, K), 0, N)
    W1 = jax.random.normal(ks[3], (HID, 3 * K), dtype=jnp.float32) * 0.05
    b1 = jnp.zeros((HID,), dtype=jnp.float32)
    g1 = jnp.ones((N,), dtype=jnp.float32)
    be1 = jnp.zeros((N,), dtype=jnp.float32)
    W2 = jax.random.normal(ks[4], (OUT, HID), dtype=jnp.float32) * 0.02
    b2 = jnp.zeros((OUT,), dtype=jnp.float32)
    g2 = jnp.ones((N,), dtype=jnp.float32)
    be2 = jnp.zeros((N,), dtype=jnp.float32)
    return {"x": x, "points": points, "indices": indices,
            "W1": W1, "b1": b1, "g1": g1, "be1": be1,
            "W2": W2, "b2": b2, "g2": g2, "be2": be2}


def _batch_norm(y, gamma, beta):
    # BatchNorm1d(N, track_running_stats=False) on input [B, N, L]:
    # channels = N, normalized over batch and length dims, biased variance.
    mean = jnp.mean(y, axis=(0, 2), keepdims=True)
    var = jnp.var(y, axis=(0, 2), keepdims=True)
    yn = (y - mean) / jnp.sqrt(var + 1e-5)
    return yn * gamma[None, :, None] + beta[None, :, None]


def reference(x, points, indices, W1, b1, g1, be1, W2, b2, g2, be2):
    B_, N_, C = x.shape
    K_ = indices.shape[2]
    # gather neighbor coordinates: points[i, indices[i]] per batch element
    nbr_pts = jax.vmap(lambda p, idx: p[idx])(points, indices)  # B,N,K,3
    y1 = points[:, :, None, :] - nbr_pts
    y1 = y1.reshape(B_, N_, K_ * 3)
    y1 = y1 @ W1.T + b1
    y1 = jax.nn.relu(_batch_norm(y1, g1, be1))
    y1 = y1 @ W2.T + b2
    y1 = jax.nn.relu(_batch_norm(y1, g2, be2)).reshape(B_, N_, K_, C)
    # gather neighbor features: x[i, indices[i]]
    y2 = jax.vmap(lambda f, idx: f[idx])(x, indices)  # B,N,K,C
    out = jnp.sum(y1 * y2, axis=2)
    return (out, points, indices)

if __name__ == "__main__":
    import jax
    _d = setup_inputs()
    print(jax.jit(kernel)(*tuple(_d.values())))

</pallas_src>

<mosaic_0001>
#map = affine_map<(d0, d1) -> (0, 0)>
#map1 = affine_map<(d0, d1) -> (0)>
module attributes {stable_mosaic.version = 14 : i64} {
  func.func @k(%arg0: i32, %arg1: i32, %arg2: memref<20000x128xf32, #tpu.memory_space<hbm>>, %arg3: memref<20000x16xf32, #tpu.memory_space<hbm>>, %arg4: memref<115200xi32, #tpu.memory_space<hbm>>, %arg5: memref<115200xi32, #tpu.memory_space<hbm>>, %arg6: memref<115200x128xf32, #tpu.memory_space<hbm>>, %arg7: memref<115200x16xf32, #tpu.memory_space<hbm>>, %arg8: memref<3600xi32, #tpu.memory_space<vmem>>, %arg9: memref<3600xi32, #tpu.memory_space<vmem>>, %arg10: memref<72x128xf32, #tpu.memory_space<vmem>>, %arg11: memref<72x128xf32, #tpu.memory_space<vmem>>, %arg12: memref<72x16xf32, #tpu.memory_space<vmem>>, %arg13: memref<72x16xf32, #tpu.memory_space<vmem>>, %arg14: memref<!tpu.dma_semaphore, #tpu.memory_space<semaphore_mem>>, %arg15: memref<!tpu.dma_semaphore, #tpu.memory_space<semaphore_mem>>, %arg16: memref<!tpu.dma_semaphore, #tpu.memory_space<semaphore_mem>>, %arg17: memref<!tpu.dma_semaphore, #tpu.memory_space<semaphore_mem>>) attributes {dimension_semantics = [#tpu.dimension_semantics<core_parallel>, #tpu.dimension_semantics<subcore_parallel>], iteration_bounds = array<i64: 2, 16>, scalar_prefetch = 0 : i64, scratch_operands = 10 : i64, tpu.core_type = #tpu.core_type<sc_vector_subcore>, window_params = [{transform_indices = #map}, {transform_indices = #map}, {transform_indices = #map1}, {transform_indices = #map1}, {transform_indices = #map}, {transform_indices = #map}]} {
    %mul3A = arith.constant 2 : i32
    %mul3A_0 = arith.muli %arg1, %mul3A : i32
    %add3A = arith.addi %mul3A_0, %arg0 : i32
    %mul3A_1 = arith.constant 3600 : i32
    %mul3A_2 = arith.muli %add3A, %mul3A_1 : i32
    "tpu.region"() ({
      %run_scoped3A = tpu.sem_alloc : memref<!tpu.dma_semaphore, #tpu.memory_space<semaphore_mem>>
      %dma_start3A_93 = tpu.memref_slice %arg4[%mul3A_2] : memref<115200xi32, #tpu.memory_space<hbm>> -> memref<3600xi32, #tpu.memory_space<hbm>>
      %dma_start3A_94 = tpu.memref_slice %arg4[%mul3A_2] : memref<115200xi32, #tpu.memory_space<hbm>> -> memref<3600xi32, #tpu.memory_space<hbm>>
      tpu.enqueue_dma source(%dma_start3A_94 : memref<3600xi32, #tpu.memory_space<hbm>>) target(%arg8 : memref<3600xi32, #tpu.memory_space<vmem>>) target_semaphore(%run_scoped3A : memref<!tpu.dma_semaphore, #tpu.memory_space<semaphore_mem>>)
      %dma_wait3A_95 = tpu.memref_slice %arg4[%mul3A_2] : memref<115200xi32, #tpu.memory_space<hbm>> -> memref<3600xi32, #tpu.memory_space<hbm>>
      %dma_wait3A_96 = tpu.memref_slice %arg4[%mul3A_2] : memref<115200xi32, #tpu.memory_space<hbm>> -> memref<3600xi32, #tpu.memory_space<hbm>>
      tpu.wait_dma2 semaphore(%run_scoped3A : memref<!tpu.dma_semaphore, #tpu.memory_space<semaphore_mem>>) src(%dma_wait3A_96 : memref<3600xi32, #tpu.memory_space<hbm>>) dst(%arg8 : memref<3600xi32, #tpu.memory_space<vmem>>)
      tpu.yield
    }) : () -> ()
    "tpu.region"() ({
      %run_scoped3A = tpu.sem_alloc : memref<!tpu.dma_semaphore, #tpu.memory_space<semaphore_mem>>
      %dma_start3A_93 = tpu.memref_slice %arg5[%mul3A_2] : memref<115200xi32, #tpu.memory_space<hbm>> -> memref<3600xi32, #tpu.memory_space<hbm>>
      %dma_start3A_94 = tpu.memref_slice %arg5[%mul3A_2] : memref<115200xi32, #tpu.memory_space<hbm>> -> memref<3600xi32, #tpu.memory_space<hbm>>
      tpu.enqueue_dma source(%dma_start3A_94 : memref<3600xi32, #tpu.memory_space<hbm>>) target(%arg9 : memref<3600xi32, #tpu.memory_space<vmem>>) target_semaphore(%run_scoped3A : memref<!tpu.dma_semaphore, #tpu.memory_space<semaphore_mem>>)
      %dma_wait3A_95 = tpu.memref_slice %arg5[%mul3A_2] : memref<115200xi32, #tpu.memory_space<hbm>> -> memref<3600xi32, #tpu.memory_space<hbm>>
      %dma_wait3A_96 = tpu.memref_slice %arg5[%mul3A_2] : memref<115200xi32, #tpu.memory_space<hbm>> -> memref<3600xi32, #tpu.memory_space<hbm>>
      tpu.wait_dma2 semaphore(%run_scoped3A : memref<!tpu.dma_semaphore, #tpu.memory_space<semaphore_mem>>) src(%dma_wait3A_96 : memref<3600xi32, #tpu.memory_space<hbm>>) dst(%arg9 : memref<3600xi32, #tpu.memory_space<vmem>>)
      tpu.yield
    }) : () -> ()
    %multiple_of3A = arith.constant 0 : i32
    %multiple_of3A_3 = tpu.assume_multiple %multiple_of3A, 72 : i32
    %dma_start3A = arith.constant 0 : i32
    %dma_start3A_4 = arith.constant 0 : i32
    %dma_start3A_5 = tpu.memref_slice %arg10[%dma_start3A, %dma_start3A_4] : memref<72x128xf32, #tpu.memory_space<vmem>> -> memref<72x128xf32, #tpu.memory_space<vmem>>
    %dma_start3A_6 = tpu.memref_slice %arg8[%multiple_of3A_3] : memref<3600xi32, #tpu.memory_space<vmem>> -> memref<72xi32, #tpu.memory_space<vmem>>
    %dma_start3A_7 = arith.constant 0 : i32
    %dma_start3A_8 = arith.constant 0 : i32
    %dma_start3A_9 = tpu.memref_slice %arg2[%dma_start3A_7, %dma_start3A_8] : memref<20000x128xf32, #tpu.memory_space<hbm>> -> memref<20000x128xf32, #tpu.memory_space<hbm>>
    tpu.enqueue_indirect_dma source(%dma_start3A_9 : memref<20000x128xf32, #tpu.memory_space<hbm>>) target(%dma_start3A_5 : memref<72x128xf32, #tpu.memory_space<vmem>>) offsets(%dma_start3A_6 : memref<72xi32, #tpu.memory_space<vmem>>) semaphore(%arg14 : memref<!tpu.dma_semaphore, #tpu.memory_space<semaphore_mem>>)
    %dma_start3A_10 = arith.constant 0 : i32
    %dma_start3A_11 = arith.constant 0 : i32
    %dma_start3A_12 = tpu.memref_slice %arg12[%dma_start3A_10, %dma_start3A_11] : memref<72x16xf32, #tpu.memory_space<vmem>> -> memref<72x16xf32, #tpu.memory_space<vmem>>
    %dma_start3A_13 = tpu.memref_slice %arg9[%multiple_of3A_3] : memref<3600xi32, #tpu.memory_space<vmem>> -> memref<72xi32, #tpu.memory_space<vmem>>
    %dma_start3A_14 = arith.constant 0 : i32
    %dma_start3A_15 = arith.constant 0 : i32
    %dma_start3A_16 = tpu.memref_slice %arg3[%dma_start3A_14, %dma_start3A_15] : memref<20000x16xf32, #tpu.memory_space<hbm>> -> memref<20000x16xf32, #tpu.memory_space<hbm>>
    tpu.enqueue_indirect_dma source(%dma_start3A_16 : memref<20000x16xf32, #tpu.memory_space<hbm>>) target(%dma_start3A_12 : memref<72x16xf32, #tpu.memory_space<vmem>>) offsets(%dma_start3A_13 : memref<72xi32, #tpu.memory_space<vmem>>) semaphore(%arg16 : memref<!tpu.dma_semaphore, #tpu.memory_space<semaphore_mem>>)
    %scan3A = arith.constant 0 : i32
    %scan3A_17 = arith.constant 0 : i32
    %scan3A_18 = arith.constant 24 : i32
    %scan3A_19 = arith.addi %scan3A_17, %scan3A_18 : i32
    %scan3A_20 = arith.constant 1 : i32
    scf.for %scan3A_93 = %scan3A_17 to %scan3A_19 step %scan3A_20  : i32 {
      %mul3A_94 = arith.constant 2 : i32
      %mul3A_95 = arith.muli %scan3A_93, %mul3A_94 : i32
      %multiple_of3A_96 = tpu.assume_multiple %mul3A_95, 2 : i32
      %add3A_97 = arith.constant 1 : i32
      %add3A_98 = arith.addi %multiple_of3A_96, %add3A_97 : i32
      %mul3A_99 = arith.constant 72 : i32
      %mul3A_100 = arith.muli %add3A_98, %mul3A_99 : i32
      %multiple_of3A_101 = tpu.assume_multiple %mul3A_100, 72 : i32
      %dma_start3A_102 = arith.constant 0 : i32
      %dma_start3A_103 = arith.constant 0 : i32
      %dma_start3A_104 = tpu.memref_slice %arg11[%dma_start3A_102, %dma_start3A_103] : memref<72x128xf32, #tpu.memory_space<vmem>> -> memref<72x128xf32, #tpu.memory_space<vmem>>
      %dma_start3A_105 = tpu.memref_slice %arg8[%multiple_of3A_101] : memref<3600xi32, #tpu.memory_space<vmem>> -> memref<72xi32, #tpu.memory_space<vmem>>
      %dma_start3A_106 = arith.constant 0 : i32
      %dma_start3A_107 = arith.constant 0 : i32
      %dma_start3A_108 = tpu.memref_slice %arg2[%dma_start3A_106, %dma_start3A_107] : memref<20000x128xf32, #tpu.memory_space<hbm>> -> memref<20000x128xf32, #tpu.memory_space<hbm>>
      tpu.enqueue_indirect_dma source(%dma_start3A_108 : memref<20000x128xf32, #tpu.memory_space<hbm>>) target(%dma_start3A_104 : memref<72x128xf32, #tpu.memory_space<vmem>>) offsets(%dma_start3A_105 : memref<72xi32, #tpu.memory_space<vmem>>) semaphore(%arg15 : memref<!tpu.dma_semaphore, #tpu.memory_space<semaphore_mem>>)
      %dma_start3A_109 = arith.constant 0 : i32
      %dma_start3A_110 = arith.constant 0 : i32
      %dma_start3A_111 = tpu.memref_slice %arg13[%dma_start3A_109, %dma_start3A_110] : memref<72x16xf32, #tpu.memory_space<vmem>> -> memref<72x16xf32, #tpu.memory_space<vmem>>
      %dma_start3A_112 = tpu.memref_slice %arg9[%multiple_of3A_101] : memref<3600xi32, #tpu.memory_space<vmem>> -> memref<72xi32, #tpu.memory_space<vmem>>
      %dma_start3A_113 = arith.constant 0 : i32
      %dma_start3A_114 = arith.constant 0 : i32
      %dma_start3A_115 = tpu.memref_slice %arg3[%dma_start3A_113, %dma_start3A_114] : memref<20000x16xf32, #tpu.memory_space<hbm>> -> memref<20000x16xf32, #tpu.memory_space<hbm>>
      tpu.enqueue_indirect_dma source(%dma_start3A_115 : memref<20000x16xf32, #tpu.memory_space<hbm>>) target(%dma_start3A_111 : memref<72x16xf32, #tpu.memory_space<vmem>>) offsets(%dma_start3A_112 : memref<72xi32, #tpu.memory_space<vmem>>) semaphore(%arg17 : memref<!tpu.dma_semaphore, #tpu.memory_space<semaphore_mem>>)
      %dma_wait3A_116 = arith.constant 0 : i32
      %dma_wait3A_117 = arith.constant 0 : i32
      %dma_wait3A_118 = tpu.memref_slice %arg10[%dma_wait3A_116, %dma_wait3A_117] : memref<72x128xf32, #tpu.memory_space<vmem>> -> memref<72x128xf32, #tpu.memory_space<vmem>>
      %dma_wait3A_119 = arith.constant 0 : i32
      %dma_wait3A_120 = arith.constant 0 : i32
      %dma_wait3A_121 = tpu.memref_slice %arg2[%dma_wait3A_119, %dma_wait3A_120] : memref<20000x128xf32, #tpu.memory_space<hbm>> -> memref<72x128xf32, #tpu.memory_space<hbm>>
      %dma_wait3A_122 = arith.constant 0 : i32
      %dma_wait3A_123 = arith.constant 0 : i32
      %dma_wait3A_124 = tpu.memref_slice %arg10[%dma_wait3A_122, %dma_wait3A_123] : memref<72x128xf32, #tpu.memory_space<vmem>> -> memref<72x128xf32, #tpu.memory_space<vmem>>
      %dma_wait3A_125 = arith.constant 0 : i32
      %dma_wait3A_126 = arith.constant 0 : i32
      %dma_wait3A_127 = tpu.memref_slice %arg2[%dma_wait3A_125, %dma_wait3A_126] : memref<20000x128xf32, #tpu.memory_space<hbm>> -> memref<72x128xf32, #tpu.memory_space<hbm>>
      tpu.wait_dma2 semaphore(%arg14 : memref<!tpu.dma_semaphore, #tpu.memory_space<semaphore_mem>>) src(%dma_wait3A_127 : memref<72x128xf32, #tpu.memory_space<hbm>>) dst(%dma_wait3A_124 : memref<72x128xf32, #tpu.memory_space<vmem>>)
      %dma_wait3A_128 = arith.constant 0 : i32
      %dma_wait3A_129 = arith.constant 0 : i32
      %dma_wait3A_130 = tpu.memref_slice %arg12[%dma_wait3A_128, %dma_wait3A_129] : memref<72x16xf32, #tpu.memory_space<vmem>> -> memref<72x16xf32, #tpu.memory_space<vmem>>
      %dma_wait3A_131 = arith.constant 0 : i32
      %dma_wait3A_132 = arith.constant 0 : i32
      %dma_wait3A_133 = tpu.memref_slice %arg3[%dma_wait3A_131, %dma_wait3A_132] : memref<20000x16xf32, #tpu.memory_space<hbm>> -> memref<72x16xf32, #tpu.memory_space<hbm>>
      %dma_wait3A_134 = arith.constant 0 : i32
      %dma_wait3A_135 = arith.constant 0 : i32
      %dma_wait3A_136 = tpu.memref_slice %arg12[%dma_wait3A_134, %dma_wait3A_135] : memref<72x16xf32, #tpu.memory_space<vmem>> -> memref<72x16xf32, #tpu.memory_space<vmem>>
      %dma_wait3A_137 = arith.constant 0 : i32
      %dma_wait3A_138 = arith.constant 0 : i32
      %dma_wait3A_139 = tpu.memref_slice %arg3[%dma_wait3A_137, %dma_wait3A_138] : memref<20000x16xf32, #tpu.memory_space<hbm>> -> memref<72x16xf32, #tpu.memory_space<hbm>>
      tpu.wait_dma2 semaphore(%arg16 : memref<!tpu.dma_semaphore, #tpu.memory_space<semaphore_mem>>) src(%dma_wait3A_139 : memref<72x16xf32, #tpu.memory_space<hbm>>) dst(%dma_wait3A_136 : memref<72x16xf32, #tpu.memory_space<vmem>>)
      %mul3A_140 = arith.constant 72 : i32
      %mul3A_141 = arith.muli %multiple_of3A_96, %mul3A_140 : i32
      %multiple_of3A_142 = tpu.assume_multiple %mul3A_141, 72 : i32
      %add3A_143 = arith.addi %mul3A_2, %multiple_of3A_142 : i32
      "tpu.region"() ({
        %run_scoped3A = tpu.sem_alloc : memref<!tpu.dma_semaphore, #tpu.memory_space<semaphore_mem>>
        %dma_start3A_195 = arith.constant 0 : i32
        %dma_start3A_196 = arith.constant 0 : i32
        %dma_start3A_197 = tpu.memref_slice %arg10[%dma_start3A_195, %dma_start3A_196] : memref<72x128xf32, #tpu.memory_space<vmem>> -> memref<72x128xf32, #tpu.memory_space<vmem>>
        %dma_start3A_198 = arith.constant 0 : i32
        %dma_start3A_199 = tpu.memref_slice %arg6[%add3A_143, %dma_start3A_198] : memref<115200x128xf32, #tpu.memory_space<hbm>> -> memref<72x128xf32, #tpu.memory_space<hbm>>
        %dma_start3A_200 = arith.constant 0 : i32
        %dma_start3A_201 = tpu.memref_slice %arg6[%add3A_143, %dma_start3A_200] : memref<115200x128xf32, #tpu.memory_space<hbm>> -> memref<72x128xf32, #tpu.memory_space<hbm>>
        %dma_start3A_202 = arith.constant 0 : i32
        %dma_start3A_203 = arith.constant 0 : i32
        %dma_start3A_204 = tpu.memref_slice %arg10[%dma_start3A_202, %dma_start3A_203] : memref<72x128xf32, #tpu.memory_space<vmem>> -> memref<72x128xf32, #tpu.memory_space<vmem>>
        tpu.enqueue_dma source(%dma_start3A_204 : memref<72x128xf32, #tpu.memory_space<vmem>>) target(%dma_start3A_201 : memref<72x128xf32, #tpu.memory_space<hbm>>) target_semaphore(%run_scoped3A : memref<!tpu.dma_semaphore, #tpu.memory_space<semaphore_mem>>)
        %dma_wait3A_205 = arith.constant 0 : i32
        %dma_wait3A_206 = arith.constant 0 : i32
        %dma_wait3A_207 = tpu.memref_slice %arg10[%dma_wait3A_205, %dma_wait3A_206] : memref<72x128xf32, #tpu.memory_space<vmem>> -> memref<72x128xf32, #tpu.memory_space<vmem>>
        %dma_wait3A_208 = arith.constant 0 : i32
        %dma_wait3A_209 = tpu.memref_slice %arg6[%add3A_143, %dma_wait3A_208] : memref<115200x128xf32, #tpu.memory_space<hbm>> -> memref<72x128xf32, #tpu.memory_space<hbm>>
        %dma_wait3A_210 = arith.constant 0 : i32
        %dma_wait3A_211 = tpu.memref_slice %arg6[%add3A_143, %dma_wait3A_210] : memref<115200x128xf32, #tpu.memory_space<hbm>> -> memref<72x128xf32, #tpu.memory_space<hbm>>
        %dma_wait3A_212 = arith.constant 0 : i32
        %dma_wait3A_213 = arith.constant 0 : i32
        %dma_wait3A_214 = tpu.memref_slice %arg10[%dma_wait3A_212, %dma_wait3A_213] : memref<72x128xf32, #tpu.memory_space<vmem>> -> memref<72x128xf32, #tpu.memory_space<vmem>>
        tpu.wait_dma2 semaphore(%run_scoped3A : memref<!tpu.dma_semaphore, #tpu.memory_space<semaphore_mem>>) src(%dma_wait3A_214 : memref<72x128xf32, #tpu.memory_space<vmem>>) dst(%dma_wait3A_211 : memref<72x128xf32, #tpu.memory_space<hbm>>)
        tpu.yield
      }) : () -> ()
      %add3A_144 = arith.addi %mul3A_2, %multiple_of3A_142 : i32
      "tpu.region"() ({
        %run_scoped3A = tpu.sem_alloc : memref<!tpu.dma_semaphore, #tpu.memory_space<semaphore_mem>>
        %dma_start3A_195 = arith.constant 0 : i32
        %dma_start3A_196 = arith.constant 0 : i32
        %dma_start3A_197 = tpu.memref_slice %arg12[%dma_start3A_195, %dma_start3A_196] : memref<72x16xf32, #tpu.memory_space<vmem>> -> memref<72x16xf32, #tpu.memory_space<vmem>>
        %dma_start3A_198 = arith.constant 0 : i32
        %dma_start3A_199 = tpu.memref_slice %arg7[%add3A_144, %dma_start3A_198] : memref<115200x16xf32, #tpu.memory_space<hbm>> -> memref<72x16xf32, #tpu.memory_space<hbm>>
        %dma_start3A_200 = arith.constant 0 : i32
        %dma_start3A_201 = tpu.memref_slice %arg7[%add3A_144, %dma_start3A_200] : memref<115200x16xf32, #tpu.memory_space<hbm>> -> memref<72x16xf32, #tpu.memory_space<hbm>>
        %dma_start3A_202 = arith.constant 0 : i32
        %dma_start3A_203 = arith.constant 0 : i32
        %dma_start3A_204 = tpu.memref_slice %arg12[%dma_start3A_202, %dma_start3A_203] : memref<72x16xf32, #tpu.memory_space<vmem>> -> memref<72x16xf32, #tpu.memory_space<vmem>>
        tpu.enqueue_dma source(%dma_start3A_204 : memref<72x16xf32, #tpu.memory_space<vmem>>) target(%dma_start3A_201 : memref<72x16xf32, #tpu.memory_space<hbm>>) target_semaphore(%run_scoped3A : memref<!tpu.dma_semaphore, #tpu.memory_space<semaphore_mem>>)
        %dma_wait3A_205 = arith.constant 0 : i32
        %dma_wait3A_206 = arith.constant 0 : i32
        %dma_wait3A_207 = tpu.memref_slice %arg12[%dma_wait3A_205, %dma_wait3A_206] : memref<72x16xf32, #tpu.memory_space<vmem>> -> memref<72x16xf32, #tpu.memory_space<vmem>>
        %dma_wait3A_208 = arith.constant 0 : i32
        %dma_wait3A_209 = tpu.memref_slice %arg7[%add3A_144, %dma_wait3A_208] : memref<115200x16xf32, #tpu.memory_space<hbm>> -> memref<72x16xf32, #tpu.memory_space<hbm>>
        %dma_wait3A_210 = arith.constant 0 : i32
        %dma_wait3A_211 = tpu.memref_slice %arg7[%add3A_144, %dma_wait3A_210] : memref<115200x16xf32, #tpu.memory_space<hbm>> -> memref<72x16xf32, #tpu.memory_space<hbm>>
        %dma_wait3A_212 = arith.constant 0 : i32
        %dma_wait3A_213 = arith.constant 0 : i32
        %dma_wait3A_214 = tpu.memref_slice %arg12[%dma_wait3A_212, %dma_wait3A_213] : memref<72x16xf32, #tpu.memory_space<vmem>> -> memref<72x16xf32, #tpu.memory_space<vmem>>
        tpu.wait_dma2 semaphore(%run_scoped3A : memref<!tpu.dma_semaphore, #tpu.memory_space<semaphore_mem>>) src(%dma_wait3A_214 : memref<72x16xf32, #tpu.memory_space<vmem>>) dst(%dma_wait3A_211 : memref<72x16xf32, #tpu.memory_space<hbm>>)
        tpu.yield
      }) : () -> ()
      %add3A_145 = arith.constant 2 : i32
      %add3A_146 = arith.addi %multiple_of3A_96, %add3A_145 : i32
      %mul3A_147 = arith.constant 72 : i32
      %mul3A_148 = arith.muli %add3A_146, %mul3A_147 : i32
      %multiple_of3A_149 = tpu.assume_multiple %mul3A_148, 72 : i32
      %dma_start3A_150 = arith.constant 0 : i32
      %dma_start3A_151 = arith.constant 0 : i32
      %dma_start3A_152 = tpu.memref_slice %arg10[%dma_start3A_150, %dma_start3A_151] : memref<72x128xf32, #tpu.memory_space<vmem>> -> memref<72x128xf32, #tpu.memory_space<vmem>>
      %dma_start3A_153 = tpu.memref_slice %arg8[%multiple_of3A_149] : memref<3600xi32, #tpu.memory_space<vmem>> -> memref<72xi32, #tpu.memory_space<vmem>>
      %dma_start3A_154 = arith.constant 0 : i32
      %dma_start3A_155 = arith.constant 0 : i32
      %dma_start3A_156 = tpu.memref_slice %arg2[%dma_start3A_154, %dma_start3A_155] : memref<20000x128xf32, #tpu.memory_space<hbm>> -> memref<20000x128xf32, #tpu.memory_space<hbm>>
      tpu.enqueue_indirect_dma source(%dma_start3A_156 : memref<20000x128xf32, #tpu.memory_space<hbm>>) target(%dma_start3A_152 : memref<72x128xf32, #tpu.memory_space<vmem>>) offsets(%dma_start3A_153 : memref<72xi32, #tpu.memory_space<vmem>>) semaphore(%arg14 : memref<!tpu.dma_semaphore, #tpu.memory_space<semaphore_mem>>)
      %dma_start3A_157 = arith.constant 0 : i32
      %dma_start3A_158 = arith.constant 0 : i32
      %dma_start3A_159 = tpu.memref_slice %arg12[%dma_start3A_157, %dma_start3A_158] : memref<72x16xf32, #tpu.memory_space<vmem>> -> memref<72x16xf32, #tpu.memory_space<vmem>>
      %dma_start3A_160 = tpu.memref_slice %arg9[%multiple_of3A_149] : memref<3600xi32, #tpu.memory_space<vmem>> -> memref<72xi32, #tpu.memory_space<vmem>>
      %dma_start3A_161 = arith.constant 0 : i32
      %dma_start3A_162 = arith.constant 0 : i32
      %dma_start3A_163 = tpu.memref_slice %arg3[%dma_start3A_161, %dma_start3A_162] : memref<20000x16xf32, #tpu.memory_space<hbm>> -> memref<20000x16xf32, #tpu.memory_space<hbm>>
      tpu.enqueue_indirect_dma source(%dma_start3A_163 : memref<20000x16xf32, #tpu.memory_space<hbm>>) target(%dma_start3A_159 : memref<72x16xf32, #tpu.memory_space<vmem>>) offsets(%dma_start3A_160 : memref<72xi32, #tpu.memory_space<vmem>>) semaphore(%arg16 : memref<!tpu.dma_semaphore, #tpu.memory_space<semaphore_mem>>)
      %dma_wait3A_164 = arith.constant 0 : i32
      %dma_wait3A_165 = arith.constant 0 : i32
      %dma_wait3A_166 = tpu.memref_slice %arg11[%dma_wait3A_164, %dma_wait3A_165] : memref<72x128xf32, #tpu.memory_space<vmem>> -> memref<72x128xf32, #tpu.memory_space<vmem>>
      %dma_wait3A_167 = arith.constant 0 : i32
      %dma_wait3A_168 = arith.constant 0 : i32
      %dma_wait3A_169 = tpu.memref_slice %arg2[%dma_wait3A_167, %dma_wait3A_168] : memref<20000x128xf32, #tpu.memory_space<hbm>> -> memref<72x128xf32, #tpu.memory_space<hbm>>
      %dma_wait3A_170 = arith.constant 0 : i32
      %dma_wait3A_171 = arith.constant 0 : i32
      %dma_wait3A_172 = tpu.memref_slice %arg11[%dma_wait3A_170, %dma_wait3A_171] : memref<72x128xf32, #tpu.memory_space<vmem>> -> memref<72x128xf32, #tpu.memory_space<vmem>>
      %dma_wait3A_173 = arith.constant 0 : i32
      %dma_wait3A_174 = arith.constant 0 : i32
      %dma_wait3A_175 = tpu.memref_slice %arg2[%dma_wait3A_173, %dma_wait3A_174] : memref<20000x128xf32, #tpu.memory_space<hbm>> -> memref<72x128xf32, #tpu.memory_space<hbm>>
      tpu.wait_dma2 semaphore(%arg15 : memref<!tpu.dma_semaphore, #tpu.memory_space<semaphore_mem>>) src(%dma_wait3A_175 : memref<72x128xf32, #tpu.memory_space<hbm>>) dst(%dma_wait3A_172 : memref<72x128xf32, #tpu.memory_space<vmem>>)
      %dma_wait3A_176 = arith.constant 0 : i32
      %dma_wait3A_177 = arith.constant 0 : i32
      %dma_wait3A_178 = tpu.memref_slice %arg13[%dma_wait3A_176, %dma_wait3A_177] : memref<72x16xf32, #tpu.memory_space<vmem>> -> memref<72x16xf32, #tpu.memory_space<vmem>>
      %dma_wait3A_179 = arith.constant 0 : i32
      %dma_wait3A_180 = arith.constant 0 : i32
      %dma_wait3A_181 = tpu.memref_slice %arg3[%dma_wait3A_179, %dma_wait3A_180] : memref<20000x16xf32, #tpu.memory_space<hbm>> -> memref<72x16xf32, #tpu.memory_space<hbm>>
      %dma_wait3A_182 = arith.constant 0 : i32
      %dma_wait3A_183 = arith.constant 0 : i32
      %dma_wait3A_184 = tpu.memref_slice %arg13[%dma_wait3A_182, %dma_wait3A_183] : memref<72x16xf32, #tpu.memory_space<vmem>> -> memref<72x16xf32, #tpu.memory_space<vmem>>
      %dma_wait3A_185 = arith.constant 0 : i32
      %dma_wait3A_186 = arith.constant 0 : i32
      %dma_wait3A_187 = tpu.memref_slice %arg3[%dma_wait3A_185, %dma_wait3A_186] : memref<20000x16xf32, #tpu.memory_space<hbm>> -> memref<72x16xf32, #tpu.memory_space<hbm>>
      tpu.wait_dma2 semaphore(%arg17 : memref<!tpu.dma_semaphore, #tpu.memory_space<semaphore_mem>>) src(%dma_wait3A_187 : memref<72x16xf32, #tpu.memory_space<hbm>>) dst(%dma_wait3A_184 : memref<72x16xf32, #tpu.memory_space<vmem>>)
      %add3A_188 = arith.constant 1 : i32
      %add3A_189 = arith.addi %multiple_of3A_96, %add3A_188 : i32
      %mul3A_190 = arith.constant 72 : i32
      %mul3A_191 = arith.muli %add3A_189, %mul3A_190 : i32
      %multiple_of3A_192 = tpu.assume_multiple %mul3A_191, 72 : i32
      %add3A_193 = arith.addi %mul3A_2, %multiple_of3A_192 : i32
      "tpu.region"() ({
        %run_scoped3A = tpu.sem_alloc : memref<!tpu.dma_semaphore, #tpu.memory_space<semaphore_mem>>
        %dma_start3A_195 = arith.constant 0 : i32
        %dma_start3A_196 = arith.constant 0 : i32
        %dma_start3A_197 = tpu.memref_slice %arg11[%dma_start3A_195, %dma_start3A_196] : memref<72x128xf32, #tpu.memory_space<vmem>> -> memref<72x128xf32, #tpu.memory_space<vmem>>
        %dma_start3A_198 = arith.constant 0 : i32
        %dma_start3A_199 = tpu.memref_slice %arg6[%add3A_193, %dma_start3A_198] : memref<115200x128xf32, #tpu.memory_space<hbm>> -> memref<72x128xf32, #tpu.memory_space<hbm>>
        %dma_start3A_200 = arith.constant 0 : i32
        %dma_start3A_201 = tpu.memref_slice %arg6[%add3A_193, %dma_start3A_200] : memref<115200x128xf32, #tpu.memory_space<hbm>> -> memref<72x128xf32, #tpu.memory_space<hbm>>
        %dma_start3A_202 = arith.constant 0 : i32
        %dma_start3A_203 = arith.constant 0 : i32
        %dma_start3A_204 = tpu.memref_slice %arg11[%dma_start3A_202, %dma_start3A_203] : memref<72x128xf32, #tpu.memory_space<vmem>> -> memref<72x128xf32, #tpu.memory_space<vmem>>
        tpu.enqueue_dma source(%dma_start3A_204 : memref<72x128xf32, #tpu.memory_space<vmem>>) target(%dma_start3A_201 : memref<72x128xf32, #tpu.memory_space<hbm>>) target_semaphore(%run_scoped3A : memref<!tpu.dma_semaphore, #tpu.memory_space<semaphore_mem>>)
        %dma_wait3A_205 = arith.constant 0 : i32
        %dma_wait3A_206 = arith.constant 0 : i32
        %dma_wait3A_207 = tpu.memref_slice %arg11[%dma_wait3A_205, %dma_wait3A_206] : memref<72x128xf32, #tpu.memory_space<vmem>> -> memref<72x128xf32, #tpu.memory_space<vmem>>
        %dma_wait3A_208 = arith.constant 0 : i32
        %dma_wait3A_209 = tpu.memref_slice %arg6[%add3A_193, %dma_wait3A_208] : memref<115200x128xf32, #tpu.memory_space<hbm>> -> memref<72x128xf32, #tpu.memory_space<hbm>>
        %dma_wait3A_210 = arith.constant 0 : i32
        %dma_wait3A_211 = tpu.memref_slice %arg6[%add3A_193, %dma_wait3A_210] : memref<115200x128xf32, #tpu.memory_space<hbm>> -> memref<72x128xf32, #tpu.memory_space<hbm>>
        %dma_wait3A_212 = arith.constant 0 : i32
        %dma_wait3A_213 = arith.constant 0 : i32
        %dma_wait3A_214 = tpu.memref_slice %arg11[%dma_wait3A_212, %dma_wait3A_213] : memref<72x128xf32, #tpu.memory_space<vmem>> -> memref<72x128xf32, #tpu.memory_space<vmem>>
        tpu.wait_dma2 semaphore(%run_scoped3A : memref<!tpu.dma_semaphore, #tpu.memory_space<semaphore_mem>>) src(%dma_wait3A_214 : memref<72x128xf32, #tpu.memory_space<vmem>>) dst(%dma_wait3A_211 : memref<72x128xf32, #tpu.memory_space<hbm>>)
        tpu.yield
      }) : () -> ()
      %add3A_194 = arith.addi %mul3A_2, %multiple_of3A_192 : i32
      "tpu.region"() ({
        %run_scoped3A = tpu.sem_alloc : memref<!tpu.dma_semaphore, #tpu.memory_space<semaphore_mem>>
        %dma_start3A_195 = arith.constant 0 : i32
        %dma_start3A_196 = arith.constant 0 : i32
        %dma_start3A_197 = tpu.memref_slice %arg13[%dma_start3A_195, %dma_start3A_196] : memref<72x16xf32, #tpu.memory_space<vmem>> -> memref<72x16xf32, #tpu.memory_space<vmem>>
        %dma_start3A_198 = arith.constant 0 : i32
        %dma_start3A_199 = tpu.memref_slice %arg7[%add3A_194, %dma_start3A_198] : memref<115200x16xf32, #tpu.memory_space<hbm>> -> memref<72x16xf32, #tpu.memory_space<hbm>>
        %dma_start3A_200 = arith.constant 0 : i32
        %dma_start3A_201 = tpu.memref_slice %arg7[%add3A_194, %dma_start3A_200] : memref<115200x16xf32, #tpu.memory_space<hbm>> -> memref<72x16xf32, #tpu.memory_space<hbm>>
        %dma_start3A_202 = arith.constant 0 : i32
        %dma_start3A_203 = arith.constant 0 : i32
        %dma_start3A_204 = tpu.memref_slice %arg13[%dma_start3A_202, %dma_start3A_203] : memref<72x16xf32, #tpu.memory_space<vmem>> -> memref<72x16xf32, #tpu.memory_space<vmem>>
        tpu.enqueue_dma source(%dma_start3A_204 : memref<72x16xf32, #tpu.memory_space<vmem>>) target(%dma_start3A_201 : memref<72x16xf32, #tpu.memory_space<hbm>>) target_semaphore(%run_scoped3A : memref<!tpu.dma_semaphore, #tpu.memory_space<semaphore_mem>>)
        %dma_wait3A_205 = arith.constant 0 : i32
        %dma_wait3A_206 = arith.constant 0 : i32
        %dma_wait3A_207 = tpu.memref_slice %arg13[%dma_wait3A_205, %dma_wait3A_206] : memref<72x16xf32, #tpu.memory_space<vmem>> -> memref<72x16xf32, #tpu.memory_space<vmem>>
        %dma_wait3A_208 = arith.constant 0 : i32
        %dma_wait3A_209 = tpu.memref_slice %arg7[%add3A_194, %dma_wait3A_208] : memref<115200x16xf32, #tpu.memory_space<hbm>> -> memref<72x16xf32, #tpu.memory_space<hbm>>
        %dma_wait3A_210 = arith.constant 0 : i32
        %dma_wait3A_211 = tpu.memref_slice %arg7[%add3A_194, %dma_wait3A_210] : memref<115200x16xf32, #tpu.memory_space<hbm>> -> memref<72x16xf32, #tpu.memory_space<hbm>>
        %dma_wait3A_212 = arith.constant 0 : i32
        %dma_wait3A_213 = arith.constant 0 : i32
        %dma_wait3A_214 = tpu.memref_slice %arg13[%dma_wait3A_212, %dma_wait3A_213] : memref<72x16xf32, #tpu.memory_space<vmem>> -> memref<72x16xf32, #tpu.memory_space<vmem>>
        tpu.wait_dma2 semaphore(%run_scoped3A : memref<!tpu.dma_semaphore, #tpu.memory_space<semaphore_mem>>) src(%dma_wait3A_214 : memref<72x16xf32, #tpu.memory_space<vmem>>) dst(%dma_wait3A_211 : memref<72x16xf32, #tpu.memory_space<hbm>>)
        tpu.yield
      }) : () -> ()
    }
    %scan3A_21 = arith.constant 24 : i32
    %multiple_of3A_22 = arith.constant 3528 : i32
    %multiple_of3A_23 = tpu.assume_multiple %multiple_of3A_22, 72 : i32
    %dma_start3A_24 = arith.constant 0 : i32
    %dma_start3A_25 = arith.constant 0 : i32
    %dma_start3A_26 = tpu.memref_slice %arg11[%dma_start3A_24, %dma_start3A_25] : memref<72x128xf32, #tpu.memory_space<vmem>> -> memref<72x128xf32, #tpu.memory_space<vmem>>
    %dma_start3A_27 = tpu.memref_slice %arg8[%multiple_of3A_23] : memref<3600xi32, #tpu.memory_space<vmem>> -> memref<72xi32, #tpu.memory_space<vmem>>
    %dma_start3A_28 = arith.constant 0 : i32
    %dma_start3A_29 = arith.constant 0 : i32
    %dma_start3A_30 = tpu.memref_slice %arg2[%dma_start3A_28, %dma_start3A_29] : memref<20000x128xf32, #tpu.memory_space<hbm>> -> memref<20000x128xf32, #tpu.memory_space<hbm>>
    tpu.enqueue_indirect_dma source(%dma_start3A_30 : memref<20000x128xf32, #tpu.memory_space<hbm>>) target(%dma_start3A_26 : memref<72x128xf32, #tpu.memory_space<vmem>>) offsets(%dma_start3A_27 : memref<72xi32, #tpu.memory_space<vmem>>) semaphore(%arg15 : memref<!tpu.dma_semaphore, #tpu.memory_space<semaphore_mem>>)
    %dma_start3A_31 = arith.constant 0 : i32
    %dma_start3A_32 = arith.constant 0 : i32
    %dma_start3A_33 = tpu.memref_slice %arg13[%dma_start3A_31, %dma_start3A_32] : memref<72x16xf32, #tpu.memory_space<vmem>> -> memref<72x16xf32, #tpu.memory_space<vmem>>
    %dma_start3A_34 = tpu.memref_slice %arg9[%multiple_of3A_23] : memref<3600xi32, #tpu.memory_space<vmem>> -> memref<72xi32, #tpu.memory_space<vmem>>
    %dma_start3A_35 = arith.constant 0 : i32
    %dma_start3A_36 = arith.constant 0 : i32
    %dma_start3A_37 = tpu.memref_slice %arg3[%dma_start3A_35, %dma_start3A_36] : memref<20000x16xf32, #tpu.memory_space<hbm>> -> memref<20000x16xf32, #tpu.memory_space<hbm>>
    tpu.enqueue_indirect_dma source(%dma_start3A_37 : memref<20000x16xf32, #tpu.memory_space<hbm>>) target(%dma_start3A_33 : memref<72x16xf32, #tpu.memory_space<vmem>>) offsets(%dma_start3A_34 : memref<72xi32, #tpu.memory_space<vmem>>) semaphore(%arg17 : memref<!tpu.dma_semaphore, #tpu.memory_space<semaphore_mem>>)
    %dma_wait3A = arith.constant 0 : i32
    %dma_wait3A_38 = arith.constant 0 : i32
    %dma_wait3A_39 = tpu.memref_slice %arg10[%dma_wait3A, %dma_wait3A_38] : memref<72x128xf32, #tpu.memory_space<vmem>> -> memref<72x128xf32, #tpu.memory_space<vmem>>
    %dma_wait3A_40 = arith.constant 0 : i32
    %dma_wait3A_41 = arith.constant 0 : i32
    %dma_wait3A_42 = tpu.memref_slice %arg2[%dma_wait3A_40, %dma_wait3A_41] : memref<20000x128xf32, #tpu.memory_space<hbm>> -> memref<72x128xf32, #tpu.memory_space<hbm>>
    %dma_wait3A_43 = arith.constant 0 : i32
    %dma_wait3A_44 = arith.constant 0 : i32
    %dma_wait3A_45 = tpu.memref_slice %arg10[%dma_wait3A_43, %dma_wait3A_44] : memref<72x128xf32, #tpu.memory_space<vmem>> -> memref<72x128xf32, #tpu.memory_space<vmem>>
    %dma_wait3A_46 = arith.constant 0 : i32
    %dma_wait3A_47 = arith.constant 0 : i32
    %dma_wait3A_48 = tpu.memref_slice %arg2[%dma_wait3A_46, %dma_wait3A_47] : memref<20000x128xf32, #tpu.memory_space<hbm>> -> memref<72x128xf32, #tpu.memory_space<hbm>>
    tpu.wait_dma2 semaphore(%arg14 : memref<!tpu.dma_semaphore, #tpu.memory_space<semaphore_mem>>) src(%dma_wait3A_48 : memref<72x128xf32, #tpu.memory_space<hbm>>) dst(%dma_wait3A_45 : memref<72x128xf32, #tpu.memory_space<vmem>>)
    %dma_wait3A_49 = arith.constant 0 : i32
    %dma_wait3A_50 = arith.constant 0 : i32
    %dma_wait3A_51 = tpu.memref_slice %arg12[%dma_wait3A_49, %dma_wait3A_50] : memref<72x16xf32, #tpu.memory_space<vmem>> -> memref<72x16xf32, #tpu.memory_space<vmem>>
    %dma_wait3A_52 = arith.constant 0 : i32
    %dma_wait3A_53 = arith.constant 0 : i32
    %dma_wait3A_54 = tpu.memref_slice %arg3[%dma_wait3A_52, %dma_wait3A_53] : memref<20000x16xf32, #tpu.memory_space<hbm>> -> memref<72x16xf32, #tpu.memory_space<hbm>>
    %dma_wait3A_55 = arith.constant 0 : i32
    %dma_wait3A_56 = arith.constant 0 : i32
    %dma_wait3A_57 = tpu.memref_slice %arg12[%dma_wait3A_55, %dma_wait3A_56] : memref<72x16xf32, #tpu.memory_space<vmem>> -> memref<72x16xf32, #tpu.memory_space<vmem>>
    %dma_wait3A_58 = arith.constant 0 : i32
    %dma_wait3A_59 = arith.constant 0 : i32
    %dma_wait3A_60 = tpu.memref_slice %arg3[%dma_wait3A_58, %dma_wait3A_59] : memref<20000x16xf32, #tpu.memory_space<hbm>> -> memref<72x16xf32, #tpu.memory_space<hbm>>
    tpu.wait_dma2 semaphore(%arg16 : memref<!tpu.dma_semaphore, #tpu.memory_space<semaphore_mem>>) src(%dma_wait3A_60 : memref<72x16xf32, #tpu.memory_space<hbm>>) dst(%dma_wait3A_57 : memref<72x16xf32, #tpu.memory_space<vmem>>)
    %multiple_of3A_61 = arith.constant 3456 : i32
    %multiple_of3A_62 = tpu.assume_multiple %multiple_of3A_61, 72 : i32
    %add3A_63 = arith.addi %mul3A_2, %multiple_of3A_62 : i32
    "tpu.region"() ({
      %run_scoped3A = tpu.sem_alloc : memref<!tpu.dma_semaphore, #tpu.memory_space<semaphore_mem>>
      %dma_start3A_93 = arith.constant 0 : i32
      %dma_start3A_94 = arith.constant 0 : i32
      %dma_start3A_95 = tpu.memref_slice %arg10[%dma_start3A_93, %dma_start3A_94] : memref<72x128xf32, #tpu.memory_space<vmem>> -> memref<72x128xf32, #tpu.memory_space<vmem>>
      %dma_start3A_96 = arith.constant 0 : i32
      %dma_start3A_97 = tpu.memref_slice %arg6[%add3A_63, %dma_start3A_96] : memref<115200x128xf32, #tpu.memory_space<hbm>> -> memref<72x128xf32, #tpu.memory_space<hbm>>
      %dma_start3A_98 = arith.constant 0 : i32
      %dma_start3A_99 = tpu.memref_slice %arg6[%add3A_63, %dma_start3A_98] : memref<115200x128xf32, #tpu.memory_space<hbm>> -> memref<72x128xf32, #tpu.memory_space<hbm>>
      %dma_start3A_100 = arith.constant 0 : i32
      %dma_start3A_101 = arith.constant 0 : i32
      %dma_start3A_102 = tpu.memref_slice %arg10[%dma_start3A_100, %dma_start3A_101] : memref<72x128xf32, #tpu.memory_space<vmem>> -> memref<72x128xf32, #tpu.memory_space<vmem>>
      tpu.enqueue_dma source(%dma_start3A_102 : memref<72x128xf32, #tpu.memory_space<vmem>>) target(%dma_start3A_99 : memref<72x128xf32, #tpu.memory_space<hbm>>) target_semaphore(%run_scoped3A : memref<!tpu.dma_semaphore, #tpu.memory_space<semaphore_mem>>)
      %dma_wait3A_103 = arith.constant 0 : i32
      %dma_wait3A_104 = arith.constant 0 : i32
      %dma_wait3A_105 = tpu.memref_slice %arg10[%dma_wait3A_103, %dma_wait3A_104] : memref<72x128xf32, #tpu.memory_space<vmem>> -> memref<72x128xf32, #tpu.memory_space<vmem>>
      %dma_wait3A_106 = arith.constant 0 : i32
      %dma_wait3A_107 = tpu.memref_slice %arg6[%add3A_63, %dma_wait3A_106] : memref<115200x128xf32, #tpu.memory_space<hbm>> -> memref<72x128xf32, #tpu.memory_space<hbm>>
      %dma_wait3A_108 = arith.constant 0 : i32
      %dma_wait3A_109 = tpu.memref_slice %arg6[%add3A_63, %dma_wait3A_108] : memref<115200x128xf32, #tpu.memory_space<hbm>> -> memref<72x128xf32, #tpu.memory_space<hbm>>
      %dma_wait3A_110 = arith.constant 0 : i32
      %dma_wait3A_111 = arith.constant 0 : i32
      %dma_wait3A_112 = tpu.memref_slice %arg10[%dma_wait3A_110, %dma_wait3A_111] : memref<72x128xf32, #tpu.memory_space<vmem>> -> memref<72x128xf32, #tpu.memory_space<vmem>>
      tpu.wait_dma2 semaphore(%run_scoped3A : memref<!tpu.dma_semaphore, #tpu.memory_space<semaphore_mem>>) src(%dma_wait3A_112 : memref<72x128xf32, #tpu.memory_space<vmem>>) dst(%dma_wait3A_109 : memref<72x128xf32, #tpu.memory_space<hbm>>)
      tpu.yield
    }) : () -> ()
    %add3A_64 = arith.addi %mul3A_2, %multiple_of3A_62 : i32
    "tpu.region"() ({
      %run_scoped3A = tpu.sem_alloc : memref<!tpu.dma_semaphore, #tpu.memory_space<semaphore_mem>>
      %dma_start3A_93 = arith.constant 0 : i32
      %dma_start3A_94 = arith.constant 0 : i32
      %dma_start3A_95 = tpu.memref_slice %arg12[%dma_start3A_93, %dma_start3A_94] : memref<72x16xf32, #tpu.memory_space<vmem>> -> memref<72x16xf32, #tpu.memory_space<vmem>>
      %dma_start3A_96 = arith.constant 0 : i32
      %dma_start3A_97 = tpu.memref_slice %arg7[%add3A_64, %dma_start3A_96] : memref<115200x16xf32, #tpu.memory_space<hbm>> -> memref<72x16xf32, #tpu.memory_space<hbm>>
      %dma_start3A_98 = arith.constant 0 : i32
      %dma_start3A_99 = tpu.memref_slice %arg7[%add3A_64, %dma_start3A_98] : memref<115200x16xf32, #tpu.memory_space<hbm>> -> memref<72x16xf32, #tpu.memory_space<hbm>>
      %dma_start3A_100 = arith.constant 0 : i32
      %dma_start3A_101 = arith.constant 0 : i32
      %dma_start3A_102 = tpu.memref_slice %arg12[%dma_start3A_100, %dma_start3A_101] : memref<72x16xf32, #tpu.memory_space<vmem>> -> memref<72x16xf32, #tpu.memory_space<vmem>>
      tpu.enqueue_dma source(%dma_start3A_102 : memref<72x16xf32, #tpu.memory_space<vmem>>) target(%dma_start3A_99 : memref<72x16xf32, #tpu.memory_space<hbm>>) target_semaphore(%run_scoped3A : memref<!tpu.dma_semaphore, #tpu.memory_space<semaphore_mem>>)
      %dma_wait3A_103 = arith.constant 0 : i32
      %dma_wait3A_104 = arith.constant 0 : i32
      %dma_wait3A_105 = tpu.memref_slice %arg12[%dma_wait3A_103, %dma_wait3A_104] : memref<72x16xf32, #tpu.memory_space<vmem>> -> memref<72x16xf32, #tpu.memory_space<vmem>>
      %dma_wait3A_106 = arith.constant 0 : i32
      %dma_wait3A_107 = tpu.memref_slice %arg7[%add3A_64, %dma_wait3A_106] : memref<115200x16xf32, #tpu.memory_space<hbm>> -> memref<72x16xf32, #tpu.memory_space<hbm>>
      %dma_wait3A_108 = arith.constant 0 : i32
      %dma_wait3A_109 = tpu.memref_slice %arg7[%add3A_64, %dma_wait3A_108] : memref<115200x16xf32, #tpu.memory_space<hbm>> -> memref<72x16xf32, #tpu.memory_space<hbm>>
      %dma_wait3A_110 = arith.constant 0 : i32
      %dma_wait3A_111 = arith.constant 0 : i32
      %dma_wait3A_112 = tpu.memref_slice %arg12[%dma_wait3A_110, %dma_wait3A_111] : memref<72x16xf32, #tpu.memory_space<vmem>> -> memref<72x16xf32, #tpu.memory_space<vmem>>
      tpu.wait_dma2 semaphore(%run_scoped3A : memref<!tpu.dma_semaphore, #tpu.memory_space<semaphore_mem>>) src(%dma_wait3A_112 : memref<72x16xf32, #tpu.memory_space<vmem>>) dst(%dma_wait3A_109 : memref<72x16xf32, #tpu.memory_space<hbm>>)
      tpu.yield
    }) : () -> ()
    %dma_wait3A_65 = arith.constant 0 : i32
    %dma_wait3A_66 = arith.constant 0 : i32
    %dma_wait3A_67 = tpu.memref_slice %arg11[%dma_wait3A_65, %dma_wait3A_66] : memref<72x128xf32, #tpu.memory_space<vmem>> -> memref<72x128xf32, #tpu.memory_space<vmem>>
    %dma_wait3A_68 = arith.constant 0 : i32
    %dma_wait3A_69 = arith.constant 0 : i32
    %dma_wait3A_70 = tpu.memref_slice %arg2[%dma_wait3A_68, %dma_wait3A_69] : memref<20000x128xf32, #tpu.memory_space<hbm>> -> memref<72x128xf32, #tpu.memory_space<hbm>>
    %dma_wait3A_71 = arith.constant 0 : i32
    %dma_wait3A_72 = arith.constant 0 : i32
    %dma_wait3A_73 = tpu.memref_slice %arg11[%dma_wait3A_71, %dma_wait3A_72] : memref<72x128xf32, #tpu.memory_space<vmem>> -> memref<72x128xf32, #tpu.memory_space<vmem>>
    %dma_wait3A_74 = arith.constant 0 : i32
    %dma_wait3A_75 = arith.constant 0 : i32
    %dma_wait3A_76 = tpu.memref_slice %arg2[%dma_wait3A_74, %dma_wait3A_75] : memref<20000x128xf32, #tpu.memory_space<hbm>> -> memref<72x128xf32, #tpu.memory_space<hbm>>
    tpu.wait_dma2 semaphore(%arg15 : memref<!tpu.dma_semaphore, #tpu.memory_space<semaphore_mem>>) src(%dma_wait3A_76 : memref<72x128xf32, #tpu.memory_space<hbm>>) dst(%dma_wait3A_73 : memref<72x128xf32, #tpu.memory_space<vmem>>)
    %dma_wait3A_77 = arith.constant 0 : i32
    %dma_wait3A_78 = arith.constant 0 : i32
    %dma_wait3A_79 = tpu.memref_slice %arg13[%dma_wait3A_77, %dma_wait3A_78] : memref<72x16xf32, #tpu.memory_space<vmem>> -> memref<72x16xf32, #tpu.memory_space<vmem>>
    %dma_wait3A_80 = arith.constant 0 : i32
    %dma_wait3A_81 = arith.constant 0 : i32
    %dma_wait3A_82 = tpu.memref_slice %arg3[%dma_wait3A_80, %dma_wait3A_81] : memref<20000x16xf32, #tpu.memory_space<hbm>> -> memref<72x16xf32, #tpu.memory_space<hbm>>
    %dma_wait3A_83 = arith.constant 0 : i32
    %dma_wait3A_84 = arith.constant 0 : i32
    %dma_wait3A_85 = tpu.memref_slice %arg13[%dma_wait3A_83, %dma_wait3A_84] : memref<72x16xf32, #tpu.memory_space<vmem>> -> memref<72x16xf32, #tpu.memory_space<vmem>>
    %dma_wait3A_86 = arith.constant 0 : i32
    %dma_wait3A_87 = arith.constant 0 : i32
    %dma_wait3A_88 = tpu.memref_slice %arg3[%dma_wait3A_86, %dma_wait3A_87] : memref<20000x16xf32, #tpu.memory_space<hbm>> -> memref<72x16xf32, #tpu.memory_space<hbm>>
    tpu.wait_dma2 semaphore(%arg17 : memref<!tpu.dma_semaphore, #tpu.memory_space<semaphore_mem>>) src(%dma_wait3A_88 : memref<72x16xf32, #tpu.memory_space<hbm>>) dst(%dma_wait3A_85 : memref<72x16xf32, #tpu.memory_space<vmem>>)
    %multiple_of3A_89 = arith.constant 3528 : i32
    %multiple_of3A_90 = tpu.assume_multiple %multiple_of3A_89, 72 : i32
    %add3A_91 = arith.addi %mul3A_2, %multiple_of3A_90 : i32
    "tpu.region"() ({
      %run_scoped3A = tpu.sem_alloc : memref<!tpu.dma_semaphore, #tpu.memory_space<semaphore_mem>>
      %dma_start3A_93 = arith.constant 0 : i32
      %dma_start3A_94 = arith.constant 0 : i32
      %dma_start3A_95 = tpu.memref_slice %arg11[%dma_start3A_93, %dma_start3A_94] : memref<72x128xf32, #tpu.memory_space<vmem>> -> memref<72x128xf32, #tpu.memory_space<vmem>>
      %dma_start3A_96 = arith.constant 0 : i32
      %dma_start3A_97 = tpu.memref_slice %arg6[%add3A_91, %dma_start3A_96] : memref<115200x128xf32, #tpu.memory_space<hbm>> -> memref<72x128xf32, #tpu.memory_space<hbm>>
      %dma_start3A_98 = arith.constant 0 : i32
      %dma_start3A_99 = tpu.memref_slice %arg6[%add3A_91, %dma_start3A_98] : memref<115200x128xf32, #tpu.memory_space<hbm>> -> memref<72x128xf32, #tpu.memory_space<hbm>>
      %dma_start3A_100 = arith.constant 0 : i32
      %dma_start3A_101 = arith.constant 0 : i32
      %dma_start3A_102 = tpu.memref_slice %arg11[%dma_start3A_100, %dma_start3A_101] : memref<72x128xf32, #tpu.memory_space<vmem>> -> memref<72x128xf32, #tpu.memory_space<vmem>>
      tpu.enqueue_dma source(%dma_start3A_102 : memref<72x128xf32, #tpu.memory_space<vmem>>) target(%dma_start3A_99 : memref<72x128xf32, #tpu.memory_space<hbm>>) target_semaphore(%run_scoped3A : memref<!tpu.dma_semaphore, #tpu.memory_space<semaphore_mem>>)
      %dma_wait3A_103 = arith.constant 0 : i32
      %dma_wait3A_104 = arith.constant 0 : i32
      %dma_wait3A_105 = tpu.memref_slice %arg11[%dma_wait3A_103, %dma_wait3A_104] : memref<72x128xf32, #tpu.memory_space<vmem>> -> memref<72x128xf32, #tpu.memory_space<vmem>>
      %dma_wait3A_106 = arith.constant 0 : i32
      %dma_wait3A_107 = tpu.memref_slice %arg6[%add3A_91, %dma_wait3A_106] : memref<115200x128xf32, #tpu.memory_space<hbm>> -> memref<72x128xf32, #tpu.memory_space<hbm>>
      %dma_wait3A_108 = arith.constant 0 : i32
      %dma_wait3A_109 = tpu.memref_slice %arg6[%add3A_91, %dma_wait3A_108] : memref<115200x128xf32, #tpu.memory_space<hbm>> -> memref<72x128xf32, #tpu.memory_space<hbm>>
      %dma_wait3A_110 = arith.constant 0 : i32
      %dma_wait3A_111 = arith.constant 0 : i32
      %dma_wait3A_112 = tpu.memref_slice %arg11[%dma_wait3A_110, %dma_wait3A_111] : memref<72x128xf32, #tpu.memory_space<vmem>> -> memref<72x128xf32, #tpu.memory_space<vmem>>
      tpu.wait_dma2 semaphore(%run_scoped3A : memref<!tpu.dma_semaphore, #tpu.memory_space<semaphore_mem>>) src(%dma_wait3A_112 : memref<72x128xf32, #tpu.memory_space<vmem>>) dst(%dma_wait3A_109 : memref<72x128xf32, #tpu.memory_space<hbm>>)
      tpu.yield
    }) : () -> ()
    %add3A_92 = arith.addi %mul3A_2, %multiple_of3A_90 : i32
    "tpu.region"() ({
      %run_scoped3A = tpu.sem_alloc : memref<!tpu.dma_semaphore, #tpu.memory_space<semaphore_mem>>
      %dma_start3A_93 = arith.constant 0 : i32
      %dma_start3A_94 = arith.constant 0 : i32
      %dma_start3A_95 = tpu.memref_slice %arg13[%dma_start3A_93, %dma_start3A_94] : memref<72x16xf32, #tpu.memory_space<vmem>> -> memref<72x16xf32, #tpu.memory_space<vmem>>
      %dma_start3A_96 = arith.constant 0 : i32
      %dma_start3A_97 = tpu.memref_slice %arg7[%add3A_92, %dma_start3A_96] : memref<115200x16xf32, #tpu.memory_space<hbm>> -> memref<72x16xf32, #tpu.memory_space<hbm>>
      %dma_start3A_98 = arith.constant 0 : i32
      %dma_start3A_99 = tpu.memref_slice %arg7[%add3A_92, %dma_start3A_98] : memref<115200x16xf32, #tpu.memory_space<hbm>> -> memref<72x16xf32, #tpu.memory_space<hbm>>
      %dma_start3A_100 = arith.constant 0 : i32
      %dma_start3A_101 = arith.constant 0 : i32
      %dma_start3A_102 = tpu.memref_slice %arg13[%dma_start3A_100, %dma_start3A_101] : memref<72x16xf32, #tpu.memory_space<vmem>> -> memref<72x16xf32, #tpu.memory_space<vmem>>
      tpu.enqueue_dma source(%dma_start3A_102 : memref<72x16xf32, #tpu.memory_space<vmem>>) target(%dma_start3A_99 : memref<72x16xf32, #tpu.memory_space<hbm>>) target_semaphore(%run_scoped3A : memref<!tpu.dma_semaphore, #tpu.memory_space<semaphore_mem>>)
      %dma_wait3A_103 = arith.constant 0 : i32
      %dma_wait3A_104 = arith.constant 0 : i32
      %dma_wait3A_105 = tpu.memref_slice %arg13[%dma_wait3A_103, %dma_wait3A_104] : memref<72x16xf32, #tpu.memory_space<vmem>> -> memref<72x16xf32, #tpu.memory_space<vmem>>
      %dma_wait3A_106 = arith.constant 0 : i32
      %dma_wait3A_107 = tpu.memref_slice %arg7[%add3A_92, %dma_wait3A_106] : memref<115200x16xf32, #tpu.memory_space<hbm>> -> memref<72x16xf32, #tpu.memory_space<hbm>>
      %dma_wait3A_108 = arith.constant 0 : i32
      %dma_wait3A_109 = tpu.memref_slice %arg7[%add3A_92, %dma_wait3A_108] : memref<115200x16xf32, #tpu.memory_space<hbm>> -> memref<72x16xf32, #tpu.memory_space<hbm>>
      %dma_wait3A_110 = arith.constant 0 : i32
      %dma_wait3A_111 = arith.constant 0 : i32
      %dma_wait3A_112 = tpu.memref_slice %arg13[%dma_wait3A_110, %dma_wait3A_111] : memref<72x16xf32, #tpu.memory_space<vmem>> -> memref<72x16xf32, #tpu.memory_space<vmem>>
      tpu.wait_dma2 semaphore(%run_scoped3A : memref<!tpu.dma_semaphore, #tpu.memory_space<semaphore_mem>>) src(%dma_wait3A_112 : memref<72x16xf32, #tpu.memory_space<vmem>>) dst(%dma_wait3A_109 : memref<72x16xf32, #tpu.memory_space<hbm>>)
      tpu.yield
    }) : () -> ()
    return
  }
}

#map = affine_map<(d0, d1) -> (0, 0)>
#map1 = affine_map<(d0, d1) -> (0)>
module attributes {stable_mosaic.version = 14 : i64} {
  func.func @k(%arg0: i32, %arg1: i32, %arg2: memref<20000x128xf32, #tpu.memory_space<hbm>>, %arg3: memref<20000x16xf32, #tpu.memory_space<hbm>>, %arg4: memref<89600xi32, #tpu.memory_space<hbm>>, %arg5: memref<89600xi32, #tpu.memory_space<hbm>>, %arg6: memref<89600x128xf32, #tpu.memory_space<hbm>>, %arg7: memref<89600x16xf32, #tpu.memory_space<hbm>>, %arg8: memref<2800xi32, #tpu.memory_space<vmem>>, %arg9: memref<2800xi32, #tpu.memory_space<vmem>>, %arg10: memref<56x128xf32, #tpu.memory_space<vmem>>, %arg11: memref<56x128xf32, #tpu.memory_space<vmem>>, %arg12: memref<56x16xf32, #tpu.memory_space<vmem>>, %arg13: memref<56x16xf32, #tpu.memory_space<vmem>>, %arg14: memref<!tpu.dma_semaphore, #tpu.memory_space<semaphore_mem>>, %arg15: memref<!tpu.dma_semaphore, #tpu.memory_space<semaphore_mem>>, %arg16: memref<!tpu.dma_semaphore, #tpu.memory_space<semaphore_mem>>, %arg17: memref<!tpu.dma_semaphore, #tpu.memory_space<semaphore_mem>>) attributes {dimension_semantics = [#tpu.dimension_semantics<core_parallel>, #tpu.dimension_semantics<subcore_parallel>], iteration_bounds = array<i64: 2, 16>, scalar_prefetch = 0 : i64, scratch_operands = 10 : i64, tpu.core_type = #tpu.core_type<sc_vector_subcore>, window_params = [{transform_indices = #map}, {transform_indices = #map}, {transform_indices = #map1}, {transform_indices = #map1}, {transform_indices = #map}, {transform_indices = #map}]} {
    %mul3A = arith.constant 2 : i32
    %mul3A_0 = arith.muli %arg1, %mul3A : i32
    %add3A = arith.addi %mul3A_0, %arg0 : i32
    %mul3A_1 = arith.constant 2800 : i32
    %mul3A_2 = arith.muli %add3A, %mul3A_1 : i32
    "tpu.region"() ({
      %run_scoped3A = tpu.sem_alloc : memref<!tpu.dma_semaphore, #tpu.memory_space<semaphore_mem>>
      %dma_start3A_93 = tpu.memref_slice %arg4[%mul3A_2] : memref<89600xi32, #tpu.memory_space<hbm>> -> memref<2800xi32, #tpu.memory_space<hbm>>
      %dma_start3A_94 = tpu.memref_slice %arg4[%mul3A_2] : memref<89600xi32, #tpu.memory_space<hbm>> -> memref<2800xi32, #tpu.memory_space<hbm>>
      tpu.enqueue_dma source(%dma_start3A_94 : memref<2800xi32, #tpu.memory_space<hbm>>) target(%arg8 : memref<2800xi32, #tpu.memory_space<vmem>>) target_semaphore(%run_scoped3A : memref<!tpu.dma_semaphore, #tpu.memory_space<semaphore_mem>>)
      %dma_wait3A_95 = tpu.memref_slice %arg4[%mul3A_2] : memref<89600xi32, #tpu.memory_space<hbm>> -> memref<2800xi32, #tpu.memory_space<hbm>>
      %dma_wait3A_96 = tpu.memref_slice %arg4[%mul3A_2] : memref<89600xi32, #tpu.memory_space<hbm>> -> memref<2800xi32, #tpu.memory_space<hbm>>
      tpu.wait_dma2 semaphore(%run_scoped3A : memref<!tpu.dma_semaphore, #tpu.memory_space<semaphore_mem>>) src(%dma_wait3A_96 : memref<2800xi32, #tpu.memory_space<hbm>>) dst(%arg8 : memref<2800xi32, #tpu.memory_space<vmem>>)
      tpu.yield
    }) : () -> ()
    "tpu.region"() ({
      %run_scoped3A = tpu.sem_alloc : memref<!tpu.dma_semaphore, #tpu.memory_space<semaphore_mem>>
      %dma_start3A_93 = tpu.memref_slice %arg5[%mul3A_2] : memref<89600xi32, #tpu.memory_space<hbm>> -> memref<2800xi32, #tpu.memory_space<hbm>>
      %dma_start3A_94 = tpu.memref_slice %arg5[%mul3A_2] : memref<89600xi32, #tpu.memory_space<hbm>> -> memref<2800xi32, #tpu.memory_space<hbm>>
      tpu.enqueue_dma source(%dma_start3A_94 : memref<2800xi32, #tpu.memory_space<hbm>>) target(%arg9 : memref<2800xi32, #tpu.memory_space<vmem>>) target_semaphore(%run_scoped3A : memref<!tpu.dma_semaphore, #tpu.memory_space<semaphore_mem>>)
      %dma_wait3A_95 = tpu.memref_slice %arg5[%mul3A_2] : memref<89600xi32, #tpu.memory_space<hbm>> -> memref<2800xi32, #tpu.memory_space<hbm>>
      %dma_wait3A_96 = tpu.memref_slice %arg5[%mul3A_2] : memref<89600xi32, #tpu.memory_space<hbm>> -> memref<2800xi32, #tpu.memory_space<hbm>>
      tpu.wait_dma2 semaphore(%run_scoped3A : memref<!tpu.dma_semaphore, #tpu.memory_space<semaphore_mem>>) src(%dma_wait3A_96 : memref<2800xi32, #tpu.memory_space<hbm>>) dst(%arg9 : memref<2800xi32, #tpu.memory_space<vmem>>)
      tpu.yield
    }) : () -> ()
    %multiple_of3A = arith.constant 0 : i32
    %multiple_of3A_3 = tpu.assume_multiple %multiple_of3A, 56 : i32
    %dma_start3A = arith.constant 0 : i32
    %dma_start3A_4 = arith.constant 0 : i32
    %dma_start3A_5 = tpu.memref_slice %arg10[%dma_start3A, %dma_start3A_4] : memref<56x128xf32, #tpu.memory_space<vmem>> -> memref<56x128xf32, #tpu.memory_space<vmem>>
    %dma_start3A_6 = tpu.memref_slice %arg8[%multiple_of3A_3] : memref<2800xi32, #tpu.memory_space<vmem>> -> memref<56xi32, #tpu.memory_space<vmem>>
    %dma_start3A_7 = arith.constant 0 : i32
    %dma_start3A_8 = arith.constant 0 : i32
    %dma_start3A_9 = tpu.memref_slice %arg2[%dma_start3A_7, %dma_start3A_8] : memref<20000x128xf32, #tpu.memory_space<hbm>> -> memref<20000x128xf32, #tpu.memory_space<hbm>>
    tpu.enqueue_indirect_dma source(%dma_start3A_9 : memref<20000x128xf32, #tpu.memory_space<hbm>>) target(%dma_start3A_5 : memref<56x128xf32, #tpu.memory_space<vmem>>) offsets(%dma_start3A_6 : memref<56xi32, #tpu.memory_space<vmem>>) semaphore(%arg14 : memref<!tpu.dma_semaphore, #tpu.memory_space<semaphore_mem>>)
    %dma_start3A_10 = arith.constant 0 : i32
    %dma_start3A_11 = arith.constant 0 : i32
    %dma_start3A_12 = tpu.memref_slice %arg12[%dma_start3A_10, %dma_start3A_11] : memref<56x16xf32, #tpu.memory_space<vmem>> -> memref<56x16xf32, #tpu.memory_space<vmem>>
    %dma_start3A_13 = tpu.memref_slice %arg9[%multiple_of3A_3] : memref<2800xi32, #tpu.memory_space<vmem>> -> memref<56xi32, #tpu.memory_space<vmem>>
    %dma_start3A_14 = arith.constant 0 : i32
    %dma_start3A_15 = arith.constant 0 : i32
    %dma_start3A_16 = tpu.memref_slice %arg3[%dma_start3A_14, %dma_start3A_15] : memref<20000x16xf32, #tpu.memory_space<hbm>> -> memref<20000x16xf32, #tpu.memory_space<hbm>>
    tpu.enqueue_indirect_dma source(%dma_start3A_16 : memref<20000x16xf32, #tpu.memory_space<hbm>>) target(%dma_start3A_12 : memref<56x16xf32, #tpu.memory_space<vmem>>) offsets(%dma_start3A_13 : memref<56xi32, #tpu.memory_space<vmem>>) semaphore(%arg16 : memref<!tpu.dma_semaphore, #tpu.memory_space<semaphore_mem>>)
    %scan3A = arith.constant 0 : i32
    %scan3A_17 = arith.constant 0 : i32
    %scan3A_18 = arith.constant 24 : i32
    %scan3A_19 = arith.addi %scan3A_17, %scan3A_18 : i32
    %scan3A_20 = arith.constant 1 : i32
    scf.for %scan3A_93 = %scan3A_17 to %scan3A_19 step %scan3A_20  : i32 {
      %mul3A_94 = arith.constant 2 : i32
      %mul3A_95 = arith.muli %scan3A_93, %mul3A_94 : i32
      %multiple_of3A_96 = tpu.assume_multiple %mul3A_95, 2 : i32
      %add3A_97 = arith.constant 1 : i32
      %add3A_98 = arith.addi %multiple_of3A_96, %add3A_97 : i32
      %mul3A_99 = arith.constant 56 : i32
      %mul3A_100 = arith.muli %add3A_98, %mul3A_99 : i32
      %multiple_of3A_101 = tpu.assume_multiple %mul3A_100, 56 : i32
      %dma_start3A_102 = arith.constant 0 : i32
      %dma_start3A_103 = arith.constant 0 : i32
      %dma_start3A_104 = tpu.memref_slice %arg11[%dma_start3A_102, %dma_start3A_103] : memref<56x128xf32, #tpu.memory_space<vmem>> -> memref<56x128xf32, #tpu.memory_space<vmem>>
      %dma_start3A_105 = tpu.memref_slice %arg8[%multiple_of3A_101] : memref<2800xi32, #tpu.memory_space<vmem>> -> memref<56xi32, #tpu.memory_space<vmem>>
      %dma_start3A_106 = arith.constant 0 : i32
      %dma_start3A_107 = arith.constant 0 : i32
      %dma_start3A_108 = tpu.memref_slice %arg2[%dma_start3A_106, %dma_start3A_107] : memref<20000x128xf32, #tpu.memory_space<hbm>> -> memref<20000x128xf32, #tpu.memory_space<hbm>>
      tpu.enqueue_indirect_dma source(%dma_start3A_108 : memref<20000x128xf32, #tpu.memory_space<hbm>>) target(%dma_start3A_104 : memref<56x128xf32, #tpu.memory_space<vmem>>) offsets(%dma_start3A_105 : memref<56xi32, #tpu.memory_space<vmem>>) semaphore(%arg15 : memref<!tpu.dma_semaphore, #tpu.memory_space<semaphore_mem>>)
      %dma_start3A_109 = arith.constant 0 : i32
      %dma_start3A_110 = arith.constant 0 : i32
      %dma_start3A_111 = tpu.memref_slice %arg13[%dma_start3A_109, %dma_start3A_110] : memref<56x16xf32, #tpu.memory_space<vmem>> -> memref<56x16xf32, #tpu.memory_space<vmem>>
      %dma_start3A_112 = tpu.memref_slice %arg9[%multiple_of3A_101] : memref<2800xi32, #tpu.memory_space<vmem>> -> memref<56xi32, #tpu.memory_space<vmem>>
      %dma_start3A_113 = arith.constant 0 : i32
      %dma_start3A_114 = arith.constant 0 : i32
      %dma_start3A_115 = tpu.memref_slice %arg3[%dma_start3A_113, %dma_start3A_114] : memref<20000x16xf32, #tpu.memory_space<hbm>> -> memref<20000x16xf32, #tpu.memory_space<hbm>>
      tpu.enqueue_indirect_dma source(%dma_start3A_115 : memref<20000x16xf32, #tpu.memory_space<hbm>>) target(%dma_start3A_111 : memref<56x16xf32, #tpu.memory_space<vmem>>) offsets(%dma_start3A_112 : memref<56xi32, #tpu.memory_space<vmem>>) semaphore(%arg17 : memref<!tpu.dma_semaphore, #tpu.memory_space<semaphore_mem>>)
      %dma_wait3A_116 = arith.constant 0 : i32
      %dma_wait3A_117 = arith.constant 0 : i32
      %dma_wait3A_118 = tpu.memref_slice %arg10[%dma_wait3A_116, %dma_wait3A_117] : memref<56x128xf32, #tpu.memory_space<vmem>> -> memref<56x128xf32, #tpu.memory_space<vmem>>
      %dma_wait3A_119 = arith.constant 0 : i32
      %dma_wait3A_120 = arith.constant 0 : i32
      %dma_wait3A_121 = tpu.memref_slice %arg2[%dma_wait3A_119, %dma_wait3A_120] : memref<20000x128xf32, #tpu.memory_space<hbm>> -> memref<56x128xf32, #tpu.memory_space<hbm>>
      %dma_wait3A_122 = arith.constant 0 : i32
      %dma_wait3A_123 = arith.constant 0 : i32
      %dma_wait3A_124 = tpu.memref_slice %arg10[%dma_wait3A_122, %dma_wait3A_123] : memref<56x128xf32, #tpu.memory_space<vmem>> -> memref<56x128xf32, #tpu.memory_space<vmem>>
      %dma_wait3A_125 = arith.constant 0 : i32
      %dma_wait3A_126 = arith.constant 0 : i32
      %dma_wait3A_127 = tpu.memref_slice %arg2[%dma_wait3A_125, %dma_wait3A_126] : memref<20000x128xf32, #tpu.memory_space<hbm>> -> memref<56x128xf32, #tpu.memory_space<hbm>>
      tpu.wait_dma2 semaphore(%arg14 : memref<!tpu.dma_semaphore, #tpu.memory_space<semaphore_mem>>) src(%dma_wait3A_127 : memref<56x128xf32, #tpu.memory_space<hbm>>) dst(%dma_wait3A_124 : memref<56x128xf32, #tpu.memory_space<vmem>>)
      %dma_wait3A_128 = arith.constant 0 : i32
      %dma_wait3A_129 = arith.constant 0 : i32
      %dma_wait3A_130 = tpu.memref_slice %arg12[%dma_wait3A_128, %dma_wait3A_129] : memref<56x16xf32, #tpu.memory_space<vmem>> -> memref<56x16xf32, #tpu.memory_space<vmem>>
      %dma_wait3A_131 = arith.constant 0 : i32
      %dma_wait3A_132 = arith.constant 0 : i32
      %dma_wait3A_133 = tpu.memref_slice %arg3[%dma_wait3A_131, %dma_wait3A_132] : memref<20000x16xf32, #tpu.memory_space<hbm>> -> memref<56x16xf32, #tpu.memory_space<hbm>>
      %dma_wait3A_134 = arith.constant 0 : i32
      %dma_wait3A_135 = arith.constant 0 : i32
      %dma_wait3A_136 = tpu.memref_slice %arg12[%dma_wait3A_134, %dma_wait3A_135] : memref<56x16xf32, #tpu.memory_space<vmem>> -> memref<56x16xf32, #tpu.memory_space<vmem>>
      %dma_wait3A_137 = arith.constant 0 : i32
      %dma_wait3A_138 = arith.constant 0 : i32
      %dma_wait3A_139 = tpu.memref_slice %arg3[%dma_wait3A_137, %dma_wait3A_138] : memref<20000x16xf32, #tpu.memory_space<hbm>> -> memref<56x16xf32, #tpu.memory_space<hbm>>
      tpu.wait_dma2 semaphore(%arg16 : memref<!tpu.dma_semaphore, #tpu.memory_space<semaphore_mem>>) src(%dma_wait3A_139 : memref<56x16xf32, #tpu.memory_space<hbm>>) dst(%dma_wait3A_136 : memref<56x16xf32, #tpu.memory_space<vmem>>)
      %mul3A_140 = arith.constant 56 : i32
      %mul3A_141 = arith.muli %multiple_of3A_96, %mul3A_140 : i32
      %multiple_of3A_142 = tpu.assume_multiple %mul3A_141, 56 : i32
      %add3A_143 = arith.addi %mul3A_2, %multiple_of3A_142 : i32
      "tpu.region"() ({
        %run_scoped3A = tpu.sem_alloc : memref<!tpu.dma_semaphore, #tpu.memory_space<semaphore_mem>>
        %dma_start3A_195 = arith.constant 0 : i32
        %dma_start3A_196 = arith.constant 0 : i32
        %dma_start3A_197 = tpu.memref_slice %arg10[%dma_start3A_195, %dma_start3A_196] : memref<56x128xf32, #tpu.memory_space<vmem>> -> memref<56x128xf32, #tpu.memory_space<vmem>>
        %dma_start3A_198 = arith.constant 0 : i32
        %dma_start3A_199 = tpu.memref_slice %arg6[%add3A_143, %dma_start3A_198] : memref<89600x128xf32, #tpu.memory_space<hbm>> -> memref<56x128xf32, #tpu.memory_space<hbm>>
        %dma_start3A_200 = arith.constant 0 : i32
        %dma_start3A_201 = tpu.memref_slice %arg6[%add3A_143, %dma_start3A_200] : memref<89600x128xf32, #tpu.memory_space<hbm>> -> memref<56x128xf32, #tpu.memory_space<hbm>>
        %dma_start3A_202 = arith.constant 0 : i32
        %dma_start3A_203 = arith.constant 0 : i32
        %dma_start3A_204 = tpu.memref_slice %arg10[%dma_start3A_202, %dma_start3A_203] : memref<56x128xf32, #tpu.memory_space<vmem>> -> memref<56x128xf32, #tpu.memory_space<vmem>>
        tpu.enqueue_dma source(%dma_start3A_204 : memref<56x128xf32, #tpu.memory_space<vmem>>) target(%dma_start3A_201 : memref<56x128xf32, #tpu.memory_space<hbm>>) target_semaphore(%run_scoped3A : memref<!tpu.dma_semaphore, #tpu.memory_space<semaphore_mem>>)
        %dma_wait3A_205 = arith.constant 0 : i32
        %dma_wait3A_206 = arith.constant 0 : i32
        %dma_wait3A_207 = tpu.memref_slice %arg10[%dma_wait3A_205, %dma_wait3A_206] : memref<56x128xf32, #tpu.memory_space<vmem>> -> memref<56x128xf32, #tpu.memory_space<vmem>>
        %dma_wait3A_208 = arith.constant 0 : i32
        %dma_wait3A_209 = tpu.memref_slice %arg6[%add3A_143, %dma_wait3A_208] : memref<89600x128xf32, #tpu.memory_space<hbm>> -> memref<56x128xf32, #tpu.memory_space<hbm>>
        %dma_wait3A_210 = arith.constant 0 : i32
        %dma_wait3A_211 = tpu.memref_slice %arg6[%add3A_143, %dma_wait3A_210] : memref<89600x128xf32, #tpu.memory_space<hbm>> -> memref<56x128xf32, #tpu.memory_space<hbm>>
        %dma_wait3A_212 = arith.constant 0 : i32
        %dma_wait3A_213 = arith.constant 0 : i32
        %dma_wait3A_214 = tpu.memref_slice %arg10[%dma_wait3A_212, %dma_wait3A_213] : memref<56x128xf32, #tpu.memory_space<vmem>> -> memref<56x128xf32, #tpu.memory_space<vmem>>
        tpu.wait_dma2 semaphore(%run_scoped3A : memref<!tpu.dma_semaphore, #tpu.memory_space<semaphore_mem>>) src(%dma_wait3A_214 : memref<56x128xf32, #tpu.memory_space<vmem>>) dst(%dma_wait3A_211 : memref<56x128xf32, #tpu.memory_space<hbm>>)
        tpu.yield
      }) : () -> ()
      %add3A_144 = arith.addi %mul3A_2, %multiple_of3A_142 : i32
      "tpu.region"() ({
        %run_scoped3A = tpu.sem_alloc : memref<!tpu.dma_semaphore, #tpu.memory_space<semaphore_mem>>
        %dma_start3A_195 = arith.constant 0 : i32
        %dma_start3A_196 = arith.constant 0 : i32
        %dma_start3A_197 = tpu.memref_slice %arg12[%dma_start3A_195, %dma_start3A_196] : memref<56x16xf32, #tpu.memory_space<vmem>> -> memref<56x16xf32, #tpu.memory_space<vmem>>
        %dma_start3A_198 = arith.constant 0 : i32
        %dma_start3A_199 = tpu.memref_slice %arg7[%add3A_144, %dma_start3A_198] : memref<89600x16xf32, #tpu.memory_space<hbm>> -> memref<56x16xf32, #tpu.memory_space<hbm>>
        %dma_start3A_200 = arith.constant 0 : i32
        %dma_start3A_201 = tpu.memref_slice %arg7[%add3A_144, %dma_start3A_200] : memref<89600x16xf32, #tpu.memory_space<hbm>> -> memref<56x16xf32, #tpu.memory_space<hbm>>
        %dma_start3A_202 = arith.constant 0 : i32
        %dma_start3A_203 = arith.constant 0 : i32
        %dma_start3A_204 = tpu.memref_slice %arg12[%dma_start3A_202, %dma_start3A_203] : memref<56x16xf32, #tpu.memory_space<vmem>> -> memref<56x16xf32, #tpu.memory_space<vmem>>
        tpu.enqueue_dma source(%dma_start3A_204 : memref<56x16xf32, #tpu.memory_space<vmem>>) target(%dma_start3A_201 : memref<56x16xf32, #tpu.memory_space<hbm>>) target_semaphore(%run_scoped3A : memref<!tpu.dma_semaphore, #tpu.memory_space<semaphore_mem>>)
        %dma_wait3A_205 = arith.constant 0 : i32
        %dma_wait3A_206 = arith.constant 0 : i32
        %dma_wait3A_207 = tpu.memref_slice %arg12[%dma_wait3A_205, %dma_wait3A_206] : memref<56x16xf32, #tpu.memory_space<vmem>> -> memref<56x16xf32, #tpu.memory_space<vmem>>
        %dma_wait3A_208 = arith.constant 0 : i32
        %dma_wait3A_209 = tpu.memref_slice %arg7[%add3A_144, %dma_wait3A_208] : memref<89600x16xf32, #tpu.memory_space<hbm>> -> memref<56x16xf32, #tpu.memory_space<hbm>>
        %dma_wait3A_210 = arith.constant 0 : i32
        %dma_wait3A_211 = tpu.memref_slice %arg7[%add3A_144, %dma_wait3A_210] : memref<89600x16xf32, #tpu.memory_space<hbm>> -> memref<56x16xf32, #tpu.memory_space<hbm>>
        %dma_wait3A_212 = arith.constant 0 : i32
        %dma_wait3A_213 = arith.constant 0 : i32
        %dma_wait3A_214 = tpu.memref_slice %arg12[%dma_wait3A_212, %dma_wait3A_213] : memref<56x16xf32, #tpu.memory_space<vmem>> -> memref<56x16xf32, #tpu.memory_space<vmem>>
        tpu.wait_dma2 semaphore(%run_scoped3A : memref<!tpu.dma_semaphore, #tpu.memory_space<semaphore_mem>>) src(%dma_wait3A_214 : memref<56x16xf32, #tpu.memory_space<vmem>>) dst(%dma_wait3A_211 : memref<56x16xf32, #tpu.memory_space<hbm>>)
        tpu.yield
      }) : () -> ()
      %add3A_145 = arith.constant 2 : i32
      %add3A_146 = arith.addi %multiple_of3A_96, %add3A_145 : i32
      %mul3A_147 = arith.constant 56 : i32
      %mul3A_148 = arith.muli %add3A_146, %mul3A_147 : i32
      %multiple_of3A_149 = tpu.assume_multiple %mul3A_148, 56 : i32
      %dma_start3A_150 = arith.constant 0 : i32
      %dma_start3A_151 = arith.constant 0 : i32
      %dma_start3A_152 = tpu.memref_slice %arg10[%dma_start3A_150, %dma_start3A_151] : memref<56x128xf32, #tpu.memory_space<vmem>> -> memref<56x128xf32, #tpu.memory_space<vmem>>
      %dma_start3A_153 = tpu.memref_slice %arg8[%multiple_of3A_149] : memref<2800xi32, #tpu.memory_space<vmem>> -> memref<56xi32, #tpu.memory_space<vmem>>
      %dma_start3A_154 = arith.constant 0 : i32
      %dma_start3A_155 = arith.constant 0 : i32
      %dma_start3A_156 = tpu.memref_slice %arg2[%dma_start3A_154, %dma_start3A_155] : memref<20000x128xf32, #tpu.memory_space<hbm>> -> memref<20000x128xf32, #tpu.memory_space<hbm>>
      tpu.enqueue_indirect_dma source(%dma_start3A_156 : memref<20000x128xf32, #tpu.memory_space<hbm>>) target(%dma_start3A_152 : memref<56x128xf32, #tpu.memory_space<vmem>>) offsets(%dma_start3A_153 : memref<56xi32, #tpu.memory_space<vmem>>) semaphore(%arg14 : memref<!tpu.dma_semaphore, #tpu.memory_space<semaphore_mem>>)
      %dma_start3A_157 = arith.constant 0 : i32
      %dma_start3A_158 = arith.constant 0 : i32
      %dma_start3A_159 = tpu.memref_slice %arg12[%dma_start3A_157, %dma_start3A_158] : memref<56x16xf32, #tpu.memory_space<vmem>> -> memref<56x16xf32, #tpu.memory_space<vmem>>
      %dma_start3A_160 = tpu.memref_slice %arg9[%multiple_of3A_149] : memref<2800xi32, #tpu.memory_space<vmem>> -> memref<56xi32, #tpu.memory_space<vmem>>
      %dma_start3A_161 = arith.constant 0 : i32
      %dma_start3A_162 = arith.constant 0 : i32
      %dma_start3A_163 = tpu.memref_slice %arg3[%dma_start3A_161, %dma_start3A_162] : memref<20000x16xf32, #tpu.memory_space<hbm>> -> memref<20000x16xf32, #tpu.memory_space<hbm>>
      tpu.enqueue_indirect_dma source(%dma_start3A_163 : memref<20000x16xf32, #tpu.memory_space<hbm>>) target(%dma_start3A_159 : memref<56x16xf32, #tpu.memory_space<vmem>>) offsets(%dma_start3A_160 : memref<56xi32, #tpu.memory_space<vmem>>) semaphore(%arg16 : memref<!tpu.dma_semaphore, #tpu.memory_space<semaphore_mem>>)
      %dma_wait3A_164 = arith.constant 0 : i32
      %dma_wait3A_165 = arith.constant 0 : i32
      %dma_wait3A_166 = tpu.memref_slice %arg11[%dma_wait3A_164, %dma_wait3A_165] : memref<56x128xf32, #tpu.memory_space<vmem>> -> memref<56x128xf32, #tpu.memory_space<vmem>>
      %dma_wait3A_167 = arith.constant 0 : i32
      %dma_wait3A_168 = arith.constant 0 : i32
      %dma_wait3A_169 = tpu.memref_slice %arg2[%dma_wait3A_167, %dma_wait3A_168] : memref<20000x128xf32, #tpu.memory_space<hbm>> -> memref<56x128xf32, #tpu.memory_space<hbm>>
      %dma_wait3A_170 = arith.constant 0 : i32
      %dma_wait3A_171 = arith.constant 0 : i32
      %dma_wait3A_172 = tpu.memref_slice %arg11[%dma_wait3A_170, %dma_wait3A_171] : memref<56x128xf32, #tpu.memory_space<vmem>> -> memref<56x128xf32, #tpu.memory_space<vmem>>
      %dma_wait3A_173 = arith.constant 0 : i32
      %dma_wait3A_174 = arith.constant 0 : i32
      %dma_wait3A_175 = tpu.memref_slice %arg2[%dma_wait3A_173, %dma_wait3A_174] : memref<20000x128xf32, #tpu.memory_space<hbm>> -> memref<56x128xf32, #tpu.memory_space<hbm>>
      tpu.wait_dma2 semaphore(%arg15 : memref<!tpu.dma_semaphore, #tpu.memory_space<semaphore_mem>>) src(%dma_wait3A_175 : memref<56x128xf32, #tpu.memory_space<hbm>>) dst(%dma_wait3A_172 : memref<56x128xf32, #tpu.memory_space<vmem>>)
      %dma_wait3A_176 = arith.constant 0 : i32
      %dma_wait3A_177 = arith.constant 0 : i32
      %dma_wait3A_178 = tpu.memref_slice %arg13[%dma_wait3A_176, %dma_wait3A_177] : memref<56x16xf32, #tpu.memory_space<vmem>> -> memref<56x16xf32, #tpu.memory_space<vmem>>
      %dma_wait3A_179 = arith.constant 0 : i32
      %dma_wait3A_180 = arith.constant 0 : i32
      %dma_wait3A_181 = tpu.memref_slice %arg3[%dma_wait3A_179, %dma_wait3A_180] : memref<20000x16xf32, #tpu.memory_space<hbm>> -> memref<56x16xf32, #tpu.memory_space<hbm>>
      %dma_wait3A_182 = arith.constant 0 : i32
      %dma_wait3A_183 = arith.constant 0 : i32
      %dma_wait3A_184 = tpu.memref_slice %arg13[%dma_wait3A_182, %dma_wait3A_183] : memref<56x16xf32, #tpu.memory_space<vmem>> -> memref<56x16xf32, #tpu.memory_space<vmem>>
      %dma_wait3A_185 = arith.constant 0 : i32
      %dma_wait3A_186 = arith.constant 0 : i32
      %dma_wait3A_187 = tpu.memref_slice %arg3[%dma_wait3A_185, %dma_wait3A_186] : memref<20000x16xf32, #tpu.memory_space<hbm>> -> memref<56x16xf32, #tpu.memory_space<hbm>>
      tpu.wait_dma2 semaphore(%arg17 : memref<!tpu.dma_semaphore, #tpu.memory_space<semaphore_mem>>) src(%dma_wait3A_187 : memref<56x16xf32, #tpu.memory_space<hbm>>) dst(%dma_wait3A_184 : memref<56x16xf32, #tpu.memory_space<vmem>>)
      %add3A_188 = arith.constant 1 : i32
      %add3A_189 = arith.addi %multiple_of3A_96, %add3A_188 : i32
      %mul3A_190 = arith.constant 56 : i32
      %mul3A_191 = arith.muli %add3A_189, %mul3A_190 : i32
      %multiple_of3A_192 = tpu.assume_multiple %mul3A_191, 56 : i32
      %add3A_193 = arith.addi %mul3A_2, %multiple_of3A_192 : i32
      "tpu.region"() ({
        %run_scoped3A = tpu.sem_alloc : memref<!tpu.dma_semaphore, #tpu.memory_space<semaphore_mem>>
        %dma_start3A_195 = arith.constant 0 : i32
        %dma_start3A_196 = arith.constant 0 : i32
        %dma_start3A_197 = tpu.memref_slice %arg11[%dma_start3A_195, %dma_start3A_196] : memref<56x128xf32, #tpu.memory_space<vmem>> -> memref<56x128xf32, #tpu.memory_space<vmem>>
        %dma_start3A_198 = arith.constant 0 : i32
        %dma_start3A_199 = tpu.memref_slice %arg6[%add3A_193, %dma_start3A_198] : memref<89600x128xf32, #tpu.memory_space<hbm>> -> memref<56x128xf32, #tpu.memory_space<hbm>>
        %dma_start3A_200 = arith.constant 0 : i32
        %dma_start3A_201 = tpu.memref_slice %arg6[%add3A_193, %dma_start3A_200] : memref<89600x128xf32, #tpu.memory_space<hbm>> -> memref<56x128xf32, #tpu.memory_space<hbm>>
        %dma_start3A_202 = arith.constant 0 : i32
        %dma_start3A_203 = arith.constant 0 : i32
        %dma_start3A_204 = tpu.memref_slice %arg11[%dma_start3A_202, %dma_start3A_203] : memref<56x128xf32, #tpu.memory_space<vmem>> -> memref<56x128xf32, #tpu.memory_space<vmem>>
        tpu.enqueue_dma source(%dma_start3A_204 : memref<56x128xf32, #tpu.memory_space<vmem>>) target(%dma_start3A_201 : memref<56x128xf32, #tpu.memory_space<hbm>>) target_semaphore(%run_scoped3A : memref<!tpu.dma_semaphore, #tpu.memory_space<semaphore_mem>>)
        %dma_wait3A_205 = arith.constant 0 : i32
        %dma_wait3A_206 = arith.constant 0 : i32
        %dma_wait3A_207 = tpu.memref_slice %arg11[%dma_wait3A_205, %dma_wait3A_206] : memref<56x128xf32, #tpu.memory_space<vmem>> -> memref<56x128xf32, #tpu.memory_space<vmem>>
        %dma_wait3A_208 = arith.constant 0 : i32
        %dma_wait3A_209 = tpu.memref_slice %arg6[%add3A_193, %dma_wait3A_208] : memref<89600x128xf32, #tpu.memory_space<hbm>> -> memref<56x128xf32, #tpu.memory_space<hbm>>
        %dma_wait3A_210 = arith.constant 0 : i32
        %dma_wait3A_211 = tpu.memref_slice %arg6[%add3A_193, %dma_wait3A_210] : memref<89600x128xf32, #tpu.memory_space<hbm>> -> memref<56x128xf32, #tpu.memory_space<hbm>>
        %dma_wait3A_212 = arith.constant 0 : i32
        %dma_wait3A_213 = arith.constant 0 : i32
        %dma_wait3A_214 = tpu.memref_slice %arg11[%dma_wait3A_212, %dma_wait3A_213] : memref<56x128xf32, #tpu.memory_space<vmem>> -> memref<56x128xf32, #tpu.memory_space<vmem>>
        tpu.wait_dma2 semaphore(%run_scoped3A : memref<!tpu.dma_semaphore, #tpu.memory_space<semaphore_mem>>) src(%dma_wait3A_214 : memref<56x128xf32, #tpu.memory_space<vmem>>) dst(%dma_wait3A_211 : memref<56x128xf32, #tpu.memory_space<hbm>>)
        tpu.yield
      }) : () -> ()
      %add3A_194 = arith.addi %mul3A_2, %multiple_of3A_192 : i32
      "tpu.region"() ({
        %run_scoped3A = tpu.sem_alloc : memref<!tpu.dma_semaphore, #tpu.memory_space<semaphore_mem>>
        %dma_start3A_195 = arith.constant 0 : i32
        %dma_start3A_196 = arith.constant 0 : i32
        %dma_start3A_197 = tpu.memref_slice %arg13[%dma_start3A_195, %dma_start3A_196] : memref<56x16xf32, #tpu.memory_space<vmem>> -> memref<56x16xf32, #tpu.memory_space<vmem>>
        %dma_start3A_198 = arith.constant 0 : i32
        %dma_start3A_199 = tpu.memref_slice %arg7[%add3A_194, %dma_start3A_198] : memref<89600x16xf32, #tpu.memory_space<hbm>> -> memref<56x16xf32, #tpu.memory_space<hbm>>
        %dma_start3A_200 = arith.constant 0 : i32
        %dma_start3A_201 = tpu.memref_slice %arg7[%add3A_194, %dma_start3A_200] : memref<89600x16xf32, #tpu.memory_space<hbm>> -> memref<56x16xf32, #tpu.memory_space<hbm>>
        %dma_start3A_202 = arith.constant 0 : i32
        %dma_start3A_203 = arith.constant 0 : i32
        %dma_start3A_204 = tpu.memref_slice %arg13[%dma_start3A_202, %dma_start3A_203] : memref<56x16xf32, #tpu.memory_space<vmem>> -> memref<56x16xf32, #tpu.memory_space<vmem>>
        tpu.enqueue_dma source(%dma_start3A_204 : memref<56x16xf32, #tpu.memory_space<vmem>>) target(%dma_start3A_201 : memref<56x16xf32, #tpu.memory_space<hbm>>) target_semaphore(%run_scoped3A : memref<!tpu.dma_semaphore, #tpu.memory_space<semaphore_mem>>)
        %dma_wait3A_205 = arith.constant 0 : i32
        %dma_wait3A_206 = arith.constant 0 : i32
        %dma_wait3A_207 = tpu.memref_slice %arg13[%dma_wait3A_205, %dma_wait3A_206] : memref<56x16xf32, #tpu.memory_space<vmem>> -> memref<56x16xf32, #tpu.memory_space<vmem>>
        %dma_wait3A_208 = arith.constant 0 : i32
        %dma_wait3A_209 = tpu.memref_slice %arg7[%add3A_194, %dma_wait3A_208] : memref<89600x16xf32, #tpu.memory_space<hbm>> -> memref<56x16xf32, #tpu.memory_space<hbm>>
        %dma_wait3A_210 = arith.constant 0 : i32
        %dma_wait3A_211 = tpu.memref_slice %arg7[%add3A_194, %dma_wait3A_210] : memref<89600x16xf32, #tpu.memory_space<hbm>> -> memref<56x16xf32, #tpu.memory_space<hbm>>
        %dma_wait3A_212 = arith.constant 0 : i32
        %dma_wait3A_213 = arith.constant 0 : i32
        %dma_wait3A_214 = tpu.memref_slice %arg13[%dma_wait3A_212, %dma_wait3A_213] : memref<56x16xf32, #tpu.memory_space<vmem>> -> memref<56x16xf32, #tpu.memory_space<vmem>>
        tpu.wait_dma2 semaphore(%run_scoped3A : memref<!tpu.dma_semaphore, #tpu.memory_space<semaphore_mem>>) src(%dma_wait3A_214 : memref<56x16xf32, #tpu.memory_space<vmem>>) dst(%dma_wait3A_211 : memref<56x16xf32, #tpu.memory_space<hbm>>)
        tpu.yield
      }) : () -> ()
    }
    %scan3A_21 = arith.constant 24 : i32
    %multiple_of3A_22 = arith.constant 2744 : i32
    %multiple_of3A_23 = tpu.assume_multiple %multiple_of3A_22, 56 : i32
    %dma_start3A_24 = arith.constant 0 : i32
    %dma_start3A_25 = arith.constant 0 : i32
    %dma_start3A_26 = tpu.memref_slice %arg11[%dma_start3A_24, %dma_start3A_25] : memref<56x128xf32, #tpu.memory_space<vmem>> -> memref<56x128xf32, #tpu.memory_space<vmem>>
    %dma_start3A_27 = tpu.memref_slice %arg8[%multiple_of3A_23] : memref<2800xi32, #tpu.memory_space<vmem>> -> memref<56xi32, #tpu.memory_space<vmem>>
    %dma_start3A_28 = arith.constant 0 : i32
    %dma_start3A_29 = arith.constant 0 : i32
    %dma_start3A_30 = tpu.memref_slice %arg2[%dma_start3A_28, %dma_start3A_29] : memref<20000x128xf32, #tpu.memory_space<hbm>> -> memref<20000x128xf32, #tpu.memory_space<hbm>>
    tpu.enqueue_indirect_dma source(%dma_start3A_30 : memref<20000x128xf32, #tpu.memory_space<hbm>>) target(%dma_start3A_26 : memref<56x128xf32, #tpu.memory_space<vmem>>) offsets(%dma_start3A_27 : memref<56xi32, #tpu.memory_space<vmem>>) semaphore(%arg15 : memref<!tpu.dma_semaphore, #tpu.memory_space<semaphore_mem>>)
    %dma_start3A_31 = arith.constant 0 : i32
    %dma_start3A_32 = arith.constant 0 : i32
    %dma_start3A_33 = tpu.memref_slice %arg13[%dma_start3A_31, %dma_start3A_32] : memref<56x16xf32, #tpu.memory_space<vmem>> -> memref<56x16xf32, #tpu.memory_space<vmem>>
    %dma_start3A_34 = tpu.memref_slice %arg9[%multiple_of3A_23] : memref<2800xi32, #tpu.memory_space<vmem>> -> memref<56xi32, #tpu.memory_space<vmem>>
    %dma_start3A_35 = arith.constant 0 : i32
    %dma_start3A_36 = arith.constant 0 : i32
    %dma_start3A_37 = tpu.memref_slice %arg3[%dma_start3A_35, %dma_start3A_36] : memref<20000x16xf32, #tpu.memory_space<hbm>> -> memref<20000x16xf32, #tpu.memory_space<hbm>>
    tpu.enqueue_indirect_dma source(%dma_start3A_37 : memref<20000x16xf32, #tpu.memory_space<hbm>>) target(%dma_start3A_33 : memref<56x16xf32, #tpu.memory_space<vmem>>) offsets(%dma_start3A_34 : memref<56xi32, #tpu.memory_space<vmem>>) semaphore(%arg17 : memref<!tpu.dma_semaphore, #tpu.memory_space<semaphore_mem>>)
    %dma_wait3A = arith.constant 0 : i32
    %dma_wait3A_38 = arith.constant 0 : i32
    %dma_wait3A_39 = tpu.memref_slice %arg10[%dma_wait3A, %dma_wait3A_38] : memref<56x128xf32, #tpu.memory_space<vmem>> -> memref<56x128xf32, #tpu.memory_space<vmem>>
    %dma_wait3A_40 = arith.constant 0 : i32
    %dma_wait3A_41 = arith.constant 0 : i32
    %dma_wait3A_42 = tpu.memref_slice %arg2[%dma_wait3A_40, %dma_wait3A_41] : memref<20000x128xf32, #tpu.memory_space<hbm>> -> memref<56x128xf32, #tpu.memory_space<hbm>>
    %dma_wait3A_43 = arith.constant 0 : i32
    %dma_wait3A_44 = arith.constant 0 : i32
    %dma_wait3A_45 = tpu.memref_slice %arg10[%dma_wait3A_43, %dma_wait3A_44] : memref<56x128xf32, #tpu.memory_space<vmem>> -> memref<56x128xf32, #tpu.memory_space<vmem>>
    %dma_wait3A_46 = arith.constant 0 : i32
    %dma_wait3A_47 = arith.constant 0 : i32
    %dma_wait3A_48 = tpu.memref_slice %arg2[%dma_wait3A_46, %dma_wait3A_47] : memref<20000x128xf32, #tpu.memory_space<hbm>> -> memref<56x128xf32, #tpu.memory_space<hbm>>
    tpu.wait_dma2 semaphore(%arg14 : memref<!tpu.dma_semaphore, #tpu.memory_space<semaphore_mem>>) src(%dma_wait3A_48 : memref<56x128xf32, #tpu.memory_space<hbm>>) dst(%dma_wait3A_45 : memref<56x128xf32, #tpu.memory_space<vmem>>)
    %dma_wait3A_49 = arith.constant 0 : i32
    %dma_wait3A_50 = arith.constant 0 : i32
    %dma_wait3A_51 = tpu.memref_slice %arg12[%dma_wait3A_49, %dma_wait3A_50] : memref<56x16xf32, #tpu.memory_space<vmem>> -> memref<56x16xf32, #tpu.memory_space<vmem>>
    %dma_wait3A_52 = arith.constant 0 : i32
    %dma_wait3A_53 = arith.constant 0 : i32
    %dma_wait3A_54 = tpu.memref_slice %arg3[%dma_wait3A_52, %dma_wait3A_53] : memref<20000x16xf32, #tpu.memory_space<hbm>> -> memref<56x16xf32, #tpu.memory_space<hbm>>
    %dma_wait3A_55 = arith.constant 0 : i32
    %dma_wait3A_56 = arith.constant 0 : i32
    %dma_wait3A_57 = tpu.memref_slice %arg12[%dma_wait3A_55, %dma_wait3A_56] : memref<56x16xf32, #tpu.memory_space<vmem>> -> memref<56x16xf32, #tpu.memory_space<vmem>>
    %dma_wait3A_58 = arith.constant 0 : i32
    %dma_wait3A_59 = arith.constant 0 : i32
    %dma_wait3A_60 = tpu.memref_slice %arg3[%dma_wait3A_58, %dma_wait3A_59] : memref<20000x16xf32, #tpu.memory_space<hbm>> -> memref<56x16xf32, #tpu.memory_space<hbm>>
    tpu.wait_dma2 semaphore(%arg16 : memref<!tpu.dma_semaphore, #tpu.memory_space<semaphore_mem>>) src(%dma_wait3A_60 : memref<56x16xf32, #tpu.memory_space<hbm>>) dst(%dma_wait3A_57 : memref<56x16xf32, #tpu.memory_space<vmem>>)
    %multiple_of3A_61 = arith.constant 2688 : i32
    %multiple_of3A_62 = tpu.assume_multiple %multiple_of3A_61, 56 : i32
    %add3A_63 = arith.addi %mul3A_2, %multiple_of3A_62 : i32
    "tpu.region"() ({
      %run_scoped3A = tpu.sem_alloc : memref<!tpu.dma_semaphore, #tpu.memory_space<semaphore_mem>>
      %dma_start3A_93 = arith.constant 0 : i32
      %dma_start3A_94 = arith.constant 0 : i32
      %dma_start3A_95 = tpu.memref_slice %arg10[%dma_start3A_93, %dma_start3A_94] : memref<56x128xf32, #tpu.memory_space<vmem>> -> memref<56x128xf32, #tpu.memory_space<vmem>>
      %dma_start3A_96 = arith.constant 0 : i32
      %dma_start3A_97 = tpu.memref_slice %arg6[%add3A_63, %dma_start3A_96] : memref<89600x128xf32, #tpu.memory_space<hbm>> -> memref<56x128xf32, #tpu.memory_space<hbm>>
      %dma_start3A_98 = arith.constant 0 : i32
      %dma_start3A_99 = tpu.memref_slice %arg6[%add3A_63, %dma_start3A_98] : memref<89600x128xf32, #tpu.memory_space<hbm>> -> memref<56x128xf32, #tpu.memory_space<hbm>>
      %dma_start3A_100 = arith.constant 0 : i32
      %dma_start3A_101 = arith.constant 0 : i32
      %dma_start3A_102 = tpu.memref_slice %arg10[%dma_start3A_100, %dma_start3A_101] : memref<56x128xf32, #tpu.memory_space<vmem>> -> memref<56x128xf32, #tpu.memory_space<vmem>>
      tpu.enqueue_dma source(%dma_start3A_102 : memref<56x128xf32, #tpu.memory_space<vmem>>) target(%dma_start3A_99 : memref<56x128xf32, #tpu.memory_space<hbm>>) target_semaphore(%run_scoped3A : memref<!tpu.dma_semaphore, #tpu.memory_space<semaphore_mem>>)
      %dma_wait3A_103 = arith.constant 0 : i32
      %dma_wait3A_104 = arith.constant 0 : i32
      %dma_wait3A_105 = tpu.memref_slice %arg10[%dma_wait3A_103, %dma_wait3A_104] : memref<56x128xf32, #tpu.memory_space<vmem>> -> memref<56x128xf32, #tpu.memory_space<vmem>>
      %dma_wait3A_106 = arith.constant 0 : i32
      %dma_wait3A_107 = tpu.memref_slice %arg6[%add3A_63, %dma_wait3A_106] : memref<89600x128xf32, #tpu.memory_space<hbm>> -> memref<56x128xf32, #tpu.memory_space<hbm>>
      %dma_wait3A_108 = arith.constant 0 : i32
      %dma_wait3A_109 = tpu.memref_slice %arg6[%add3A_63, %dma_wait3A_108] : memref<89600x128xf32, #tpu.memory_space<hbm>> -> memref<56x128xf32, #tpu.memory_space<hbm>>
      %dma_wait3A_110 = arith.constant 0 : i32
      %dma_wait3A_111 = arith.constant 0 : i32
      %dma_wait3A_112 = tpu.memref_slice %arg10[%dma_wait3A_110, %dma_wait3A_111] : memref<56x128xf32, #tpu.memory_space<vmem>> -> memref<56x128xf32, #tpu.memory_space<vmem>>
      tpu.wait_dma2 semaphore(%run_scoped3A : memref<!tpu.dma_semaphore, #tpu.memory_space<semaphore_mem>>) src(%dma_wait3A_112 : memref<56x128xf32, #tpu.memory_space<vmem>>) dst(%dma_wait3A_109 : memref<56x128xf32, #tpu.memory_space<hbm>>)
      tpu.yield
    }) : () -> ()
    %add3A_64 = arith.addi %mul3A_2, %multiple_of3A_62 : i32
    "tpu.region"() ({
      %run_scoped3A = tpu.sem_alloc : memref<!tpu.dma_semaphore, #tpu.memory_space<semaphore_mem>>
      %dma_start3A_93 = arith.constant 0 : i32
      %dma_start3A_94 = arith.constant 0 : i32
      %dma_start3A_95 = tpu.memref_slice %arg12[%dma_start3A_93, %dma_start3A_94] : memref<56x16xf32, #tpu.memory_space<vmem>> -> memref<56x16xf32, #tpu.memory_space<vmem>>
      %dma_start3A_96 = arith.constant 0 : i32
      %dma_start3A_97 = tpu.memref_slice %arg7[%add3A_64, %dma_start3A_96] : memref<89600x16xf32, #tpu.memory_space<hbm>> -> memref<56x16xf32, #tpu.memory_space<hbm>>
      %dma_start3A_98 = arith.constant 0 : i32
      %dma_start3A_99 = tpu.memref_slice %arg7[%add3A_64, %dma_start3A_98] : memref<89600x16xf32, #tpu.memory_space<hbm>> -> memref<56x16xf32, #tpu.memory_space<hbm>>
      %dma_start3A_100 = arith.constant 0 : i32
      %dma_start3A_101 = arith.constant 0 : i32
      %dma_start3A_102 = tpu.memref_slice %arg12[%dma_start3A_100, %dma_start3A_101] : memref<56x16xf32, #tpu.memory_space<vmem>> -> memref<56x16xf32, #tpu.memory_space<vmem>>
      tpu.enqueue_dma source(%dma_start3A_102 : memref<56x16xf32, #tpu.memory_space<vmem>>) target(%dma_start3A_99 : memref<56x16xf32, #tpu.memory_space<hbm>>) target_semaphore(%run_scoped3A : memref<!tpu.dma_semaphore, #tpu.memory_space<semaphore_mem>>)
      %dma_wait3A_103 = arith.constant 0 : i32
      %dma_wait3A_104 = arith.constant 0 : i32
      %dma_wait3A_105 = tpu.memref_slice %arg12[%dma_wait3A_103, %dma_wait3A_104] : memref<56x16xf32, #tpu.memory_space<vmem>> -> memref<56x16xf32, #tpu.memory_space<vmem>>
      %dma_wait3A_106 = arith.constant 0 : i32
      %dma_wait3A_107 = tpu.memref_slice %arg7[%add3A_64, %dma_wait3A_106] : memref<89600x16xf32, #tpu.memory_space<hbm>> -> memref<56x16xf32, #tpu.memory_space<hbm>>
      %dma_wait3A_108 = arith.constant 0 : i32
      %dma_wait3A_109 = tpu.memref_slice %arg7[%add3A_64, %dma_wait3A_108] : memref<89600x16xf32, #tpu.memory_space<hbm>> -> memref<56x16xf32, #tpu.memory_space<hbm>>
      %dma_wait3A_110 = arith.constant 0 : i32
      %dma_wait3A_111 = arith.constant 0 : i32
      %dma_wait3A_112 = tpu.memref_slice %arg12[%dma_wait3A_110, %dma_wait3A_111] : memref<56x16xf32, #tpu.memory_space<vmem>> -> memref<56x16xf32, #tpu.memory_space<vmem>>
      tpu.wait_dma2 semaphore(%run_scoped3A : memref<!tpu.dma_semaphore, #tpu.memory_space<semaphore_mem>>) src(%dma_wait3A_112 : memref<56x16xf32, #tpu.memory_space<vmem>>) dst(%dma_wait3A_109 : memref<56x16xf32, #tpu.memory_space<hbm>>)
      tpu.yield
    }) : () -> ()
    %dma_wait3A_65 = arith.constant 0 : i32
    %dma_wait3A_66 = arith.constant 0 : i32
    %dma_wait3A_67 = tpu.memref_slice %arg11[%dma_wait3A_65, %dma_wait3A_66] : memref<56x128xf32, #tpu.memory_space<vmem>> -> memref<56x128xf32, #tpu.memory_space<vmem>>
    %dma_wait3A_68 = arith.constant 0 : i32
    %dma_wait3A_69 = arith.constant 0 : i32
    %dma_wait3A_70 = tpu.memref_slice %arg2[%dma_wait3A_68, %dma_wait3A_69] : memref<20000x128xf32, #tpu.memory_space<hbm>> -> memref<56x128xf32, #tpu.memory_space<hbm>>
    %dma_wait3A_71 = arith.constant 0 : i32
    %dma_wait3A_72 = arith.constant 0 : i32
    %dma_wait3A_73 = tpu.memref_slice %arg11[%dma_wait3A_71, %dma_wait3A_72] : memref<56x128xf32, #tpu.memory_space<vmem>> -> memref<56x128xf32, #tpu.memory_space<vmem>>
    %dma_wait3A_74 = arith.constant 0 : i32
    %dma_wait3A_75 = arith.constant 0 : i32
    %dma_wait3A_76 = tpu.memref_slice %arg2[%dma_wait3A_74, %dma_wait3A_75] : memref<20000x128xf32, #tpu.memory_space<hbm>> -> memref<56x128xf32, #tpu.memory_space<hbm>>
    tpu.wait_dma2 semaphore(%arg15 : memref<!tpu.dma_semaphore, #tpu.memory_space<semaphore_mem>>) src(%dma_wait3A_76 : memref<56x128xf32, #tpu.memory_space<hbm>>) dst(%dma_wait3A_73 : memref<56x128xf32, #tpu.memory_space<vmem>>)
    %dma_wait3A_77 = arith.constant 0 : i32
    %dma_wait3A_78 = arith.constant 0 : i32
    %dma_wait3A_79 = tpu.memref_slice %arg13[%dma_wait3A_77, %dma_wait3A_78] : memref<56x16xf32, #tpu.memory_space<vmem>> -> memref<56x16xf32, #tpu.memory_space<vmem>>
    %dma_wait3A_80 = arith.constant 0 : i32
    %dma_wait3A_81 = arith.constant 0 : i32
    %dma_wait3A_82 = tpu.memref_slice %arg3[%dma_wait3A_80, %dma_wait3A_81] : memref<20000x16xf32, #tpu.memory_space<hbm>> -> memref<56x16xf32, #tpu.memory_space<hbm>>
    %dma_wait3A_83 = arith.constant 0 : i32
    %dma_wait3A_84 = arith.constant 0 : i32
    %dma_wait3A_85 = tpu.memref_slice %arg13[%dma_wait3A_83, %dma_wait3A_84] : memref<56x16xf32, #tpu.memory_space<vmem>> -> memref<56x16xf32, #tpu.memory_space<vmem>>
    %dma_wait3A_86 = arith.constant 0 : i32
    %dma_wait3A_87 = arith.constant 0 : i32
    %dma_wait3A_88 = tpu.memref_slice %arg3[%dma_wait3A_86, %dma_wait3A_87] : memref<20000x16xf32, #tpu.memory_space<hbm>> -> memref<56x16xf32, #tpu.memory_space<hbm>>
    tpu.wait_dma2 semaphore(%arg17 : memref<!tpu.dma_semaphore, #tpu.memory_space<semaphore_mem>>) src(%dma_wait3A_88 : memref<56x16xf32, #tpu.memory_space<hbm>>) dst(%dma_wait3A_85 : memref<56x16xf32, #tpu.memory_space<vmem>>)
    %multiple_of3A_89 = arith.constant 2744 : i32
    %multiple_of3A_90 = tpu.assume_multiple %multiple_of3A_89, 56 : i32
    %add3A_91 = arith.addi %mul3A_2, %multiple_of3A_90 : i32
    "tpu.region"() ({
      %run_scoped3A = tpu.sem_alloc : memref<!tpu.dma_semaphore, #tpu.memory_space<semaphore_mem>>
      %dma_start3A_93 = arith.constant 0 : i32
      %dma_start3A_94 = arith.constant 0 : i32
      %dma_start3A_95 = tpu.memref_slice %arg11[%dma_start3A_93, %dma_start3A_94] : memref<56x128xf32, #tpu.memory_space<vmem>> -> memref<56x128xf32, #tpu.memory_space<vmem>>
      %dma_start3A_96 = arith.constant 0 : i32
      %dma_start3A_97 = tpu.memref_slice %arg6[%add3A_91, %dma_start3A_96] : memref<89600x128xf32, #tpu.memory_space<hbm>> -> memref<56x128xf32, #tpu.memory_space<hbm>>
      %dma_start3A_98 = arith.constant 0 : i32
      %dma_start3A_99 = tpu.memref_slice %arg6[%add3A_91, %dma_start3A_98] : memref<89600x128xf32, #tpu.memory_space<hbm>> -> memref<56x128xf32, #tpu.memory_space<hbm>>
      %dma_start3A_100 = arith.constant 0 : i32
      %dma_start3A_101 = arith.constant 0 : i32
      %dma_start3A_102 = tpu.memref_slice %arg11[%dma_start3A_100, %dma_start3A_101] : memref<56x128xf32, #tpu.memory_space<vmem>> -> memref<56x128xf32, #tpu.memory_space<vmem>>
      tpu.enqueue_dma source(%dma_start3A_102 : memref<56x128xf32, #tpu.memory_space<vmem>>) target(%dma_start3A_99 : memref<56x128xf32, #tpu.memory_space<hbm>>) target_semaphore(%run_scoped3A : memref<!tpu.dma_semaphore, #tpu.memory_space<semaphore_mem>>)
      %dma_wait3A_103 = arith.constant 0 : i32
      %dma_wait3A_104 = arith.constant 0 : i32
      %dma_wait3A_105 = tpu.memref_slice %arg11[%dma_wait3A_103, %dma_wait3A_104] : memref<56x128xf32, #tpu.memory_space<vmem>> -> memref<56x128xf32, #tpu.memory_space<vmem>>
      %dma_wait3A_106 = arith.constant 0 : i32
      %dma_wait3A_107 = tpu.memref_slice %arg6[%add3A_91, %dma_wait3A_106] : memref<89600x128xf32, #tpu.memory_space<hbm>> -> memref<56x128xf32, #tpu.memory_space<hbm>>
      %dma_wait3A_108 = arith.constant 0 : i32
      %dma_wait3A_109 = tpu.memref_slice %arg6[%add3A_91, %dma_wait3A_108] : memref<89600x128xf32, #tpu.memory_space<hbm>> -> memref<56x128xf32, #tpu.memory_space<hbm>>
      %dma_wait3A_110 = arith.constant 0 : i32
      %dma_wait3A_111 = arith.constant 0 : i32
      %dma_wait3A_112 = tpu.memref_slice %arg11[%dma_wait3A_110, %dma_wait3A_111] : memref<56x128xf32, #tpu.memory_space<vmem>> -> memref<56x128xf32, #tpu.memory_space<vmem>>
      tpu.wait_dma2 semaphore(%run_scoped3A : memref<!tpu.dma_semaphore, #tpu.memory_space<semaphore_mem>>) src(%dma_wait3A_112 : memref<56x128xf32, #tpu.memory_space<vmem>>) dst(%dma_wait3A_109 : memref<56x128xf32, #tpu.memory_space<hbm>>)
      tpu.yield
    }) : () -> ()
    %add3A_92 = arith.addi %mul3A_2, %multiple_of3A_90 : i32
    "tpu.region"() ({
      %run_scoped3A = tpu.sem_alloc : memref<!tpu.dma_semaphore, #tpu.memory_space<semaphore_mem>>
      %dma_start3A_93 = arith.constant 0 : i32
      %dma_start3A_94 = arith.constant 0 : i32
      %dma_start3A_95 = tpu.memref_slice %arg13[%dma_start3A_93, %dma_start3A_94] : memref<56x16xf32, #tpu.memory_space<vmem>> -> memref<56x16xf32, #tpu.memory_space<vmem>>
      %dma_start3A_96 = arith.constant 0 : i32
      %dma_start3A_97 = tpu.memref_slice %arg7[%add3A_92, %dma_start3A_96] : memref<89600x16xf32, #tpu.memory_space<hbm>> -> memref<56x16xf32, #tpu.memory_space<hbm>>
      %dma_start3A_98 = arith.constant 0 : i32
      %dma_start3A_99 = tpu.memref_slice %arg7[%add3A_92, %dma_start3A_98] : memref<89600x16xf32, #tpu.memory_space<hbm>> -> memref<56x16xf32, #tpu.memory_space<hbm>>
      %dma_start3A_100 = arith.constant 0 : i32
      %dma_start3A_101 = arith.constant 0 : i32
      %dma_start3A_102 = tpu.memref_slice %arg13[%dma_start3A_100, %dma_start3A_101] : memref<56x16xf32, #tpu.memory_space<vmem>> -> memref<56x16xf32, #tpu.memory_space<vmem>>
      tpu.enqueue_dma source(%dma_start3A_102 : memref<56x16xf32, #tpu.memory_space<vmem>>) target(%dma_start3A_99 : memref<56x16xf32, #tpu.memory_space<hbm>>) target_semaphore(%run_scoped3A : memref<!tpu.dma_semaphore, #tpu.memory_space<semaphore_mem>>)
      %dma_wait3A_103 = arith.constant 0 : i32
      %dma_wait3A_104 = arith.constant 0 : i32
      %dma_wait3A_105 = tpu.memref_slice %arg13[%dma_wait3A_103, %dma_wait3A_104] : memref<56x16xf32, #tpu.memory_space<vmem>> -> memref<56x16xf32, #tpu.memory_space<vmem>>
      %dma_wait3A_106 = arith.constant 0 : i32
      %dma_wait3A_107 = tpu.memref_slice %arg7[%add3A_92, %dma_wait3A_106] : memref<89600x16xf32, #tpu.memory_space<hbm>> -> memref<56x16xf32, #tpu.memory_space<hbm>>
      %dma_wait3A_108 = arith.constant 0 : i32
      %dma_wait3A_109 = tpu.memref_slice %arg7[%add3A_92, %dma_wait3A_108] : memref<89600x16xf32, #tpu.memory_space<hbm>> -> memref<56x16xf32, #tpu.memory_space<hbm>>
      %dma_wait3A_110 = arith.constant 0 : i32
      %dma_wait3A_111 = arith.constant 0 : i32
      %dma_wait3A_112 = tpu.memref_slice %arg13[%dma_wait3A_110, %dma_wait3A_111] : memref<56x16xf32, #tpu.memory_space<vmem>> -> memref<56x16xf32, #tpu.memory_space<vmem>>
      tpu.wait_dma2 semaphore(%run_scoped3A : memref<!tpu.dma_semaphore, #tpu.memory_space<semaphore_mem>>) src(%dma_wait3A_112 : memref<56x16xf32, #tpu.memory_space<vmem>>) dst(%dma_wait3A_109 : memref<56x16xf32, #tpu.memory_space<hbm>>)
      tpu.yield
    }) : () -> ()
    return
  }
}

#map = affine_map<(d0, d1) -> (0, 0)>
#map1 = affine_map<(d0, d1) -> (0)>
module attributes {stable_mosaic.version = 14 : i64} {
  func.func @k(%arg0: i32, %arg1: i32, %arg2: memref<20000x128xf32, #tpu.memory_space<hbm>>, %arg3: memref<20000x16xf32, #tpu.memory_space<hbm>>, %arg4: memref<115200xi32, #tpu.memory_space<hbm>>, %arg5: memref<115200xi32, #tpu.memory_space<hbm>>, %arg6: memref<115200x128xf32, #tpu.memory_space<hbm>>, %arg7: memref<115200x16xf32, #tpu.memory_space<hbm>>, %arg8: memref<3600xi32, #tpu.memory_space<vmem>>, %arg9: memref<3600xi32, #tpu.memory_space<vmem>>, %arg10: memref<72x128xf32, #tpu.memory_space<vmem>>, %arg11: memref<72x128xf32, #tpu.memory_space<vmem>>, %arg12: memref<72x16xf32, #tpu.memory_space<vmem>>, %arg13: memref<72x16xf32, #tpu.memory_space<vmem>>, %arg14: memref<!tpu.dma_semaphore, #tpu.memory_space<semaphore_mem>>, %arg15: memref<!tpu.dma_semaphore, #tpu.memory_space<semaphore_mem>>, %arg16: memref<!tpu.dma_semaphore, #tpu.memory_space<semaphore_mem>>, %arg17: memref<!tpu.dma_semaphore, #tpu.memory_space<semaphore_mem>>) attributes {dimension_semantics = [#tpu.dimension_semantics<core_parallel>, #tpu.dimension_semantics<subcore_parallel>], iteration_bounds = array<i64: 2, 16>, scalar_prefetch = 0 : i64, scratch_operands = 10 : i64, tpu.core_type = #tpu.core_type<sc_vector_subcore>, window_params = [{transform_indices = #map}, {transform_indices = #map}, {transform_indices = #map1}, {transform_indices = #map1}, {transform_indices = #map}, {transform_indices = #map}]} {
    %mul3A = arith.constant 2 : i32
    %mul3A_0 = arith.muli %arg1, %mul3A : i32
    %add3A = arith.addi %mul3A_0, %arg0 : i32
    %mul3A_1 = arith.constant 3600 : i32
    %mul3A_2 = arith.muli %add3A, %mul3A_1 : i32
    "tpu.region"() ({
      %run_scoped3A = tpu.sem_alloc : memref<!tpu.dma_semaphore, #tpu.memory_space<semaphore_mem>>
      %dma_start3A_93 = tpu.memref_slice %arg4[%mul3A_2] : memref<115200xi32, #tpu.memory_space<hbm>> -> memref<3600xi32, #tpu.memory_space<hbm>>
      %dma_start3A_94 = tpu.memref_slice %arg4[%mul3A_2] : memref<115200xi32, #tpu.memory_space<hbm>> -> memref<3600xi32, #tpu.memory_space<hbm>>
      tpu.enqueue_dma source(%dma_start3A_94 : memref<3600xi32, #tpu.memory_space<hbm>>) target(%arg8 : memref<3600xi32, #tpu.memory_space<vmem>>) target_semaphore(%run_scoped3A : memref<!tpu.dma_semaphore, #tpu.memory_space<semaphore_mem>>)
      %dma_wait3A_95 = tpu.memref_slice %arg4[%mul3A_2] : memref<115200xi32, #tpu.memory_space<hbm>> -> memref<3600xi32, #tpu.memory_space<hbm>>
      %dma_wait3A_96 = tpu.memref_slice %arg4[%mul3A_2] : memref<115200xi32, #tpu.memory_space<hbm>> -> memref<3600xi32, #tpu.memory_space<hbm>>
      tpu.wait_dma2 semaphore(%run_scoped3A : memref<!tpu.dma_semaphore, #tpu.memory_space<semaphore_mem>>) src(%dma_wait3A_96 : memref<3600xi32, #tpu.memory_space<hbm>>) dst(%arg8 : memref<3600xi32, #tpu.memory_space<vmem>>)
      tpu.yield
    }) : () -> ()
    "tpu.region"() ({
      %run_scoped3A = tpu.sem_alloc : memref<!tpu.dma_semaphore, #tpu.memory_space<semaphore_mem>>
      %dma_start3A_93 = tpu.memref_slice %arg5[%mul3A_2] : memref<115200xi32, #tpu.memory_space<hbm>> -> memref<3600xi32, #tpu.memory_space<hbm>>
      %dma_start3A_94 = tpu.memref_slice %arg5[%mul3A_2] : memref<115200xi32, #tpu.memory_space<hbm>> -> memref<3600xi32, #tpu.memory_space<hbm>>
      tpu.enqueue_dma source(%dma_start3A_94 : memref<3600xi32, #tpu.memory_space<hbm>>) target(%arg9 : memref<3600xi32, #tpu.memory_space<vmem>>) target_semaphore(%run_scoped3A : memref<!tpu.dma_semaphore, #tpu.memory_space<semaphore_mem>>)
      %dma_wait3A_95 = tpu.memref_slice %arg5[%mul3A_2] : memref<115200xi32, #tpu.memory_space<hbm>> -> memref<3600xi32, #tpu.memory_space<hbm>>
      %dma_wait3A_96 = tpu.memref_slice %arg5[%mul3A_2] : memref<115200xi32, #tpu.memory_space<hbm>> -> memref<3600xi32, #tpu.memory_space<hbm>>
      tpu.wait_dma2 semaphore(%run_scoped3A : memref<!tpu.dma_semaphore, #tpu.memory_space<semaphore_mem>>) src(%dma_wait3A_96 : memref<3600xi32, #tpu.memory_space<hbm>>) dst(%arg9 : memref<3600xi32, #tpu.memory_space<vmem>>)
      tpu.yield
    }) : () -> ()
    %multiple_of3A = arith.constant 0 : i32
    %multiple_of3A_3 = tpu.assume_multiple %multiple_of3A, 72 : i32
    %dma_start3A = arith.constant 0 : i32
    %dma_start3A_4 = arith.constant 0 : i32
    %dma_start3A_5 = tpu.memref_slice %arg10[%dma_start3A, %dma_start3A_4] : memref<72x128xf32, #tpu.memory_space<vmem>> -> memref<72x128xf32, #tpu.memory_space<vmem>>
    %dma_start3A_6 = tpu.memref_slice %arg8[%multiple_of3A_3] : memref<3600xi32, #tpu.memory_space<vmem>> -> memref<72xi32, #tpu.memory_space<vmem>>
    %dma_start3A_7 = arith.constant 0 : i32
    %dma_start3A_8 = arith.constant 0 : i32
    %dma_start3A_9 = tpu.memref_slice %arg2[%dma_start3A_7, %dma_start3A_8] : memref<20000x128xf32, #tpu.memory_space<hbm>> -> memref<20000x128xf32, #tpu.memory_space<hbm>>
    tpu.enqueue_indirect_dma source(%dma_start3A_9 : memref<20000x128xf32, #tpu.memory_space<hbm>>) target(%dma_start3A_5 : memref<72x128xf32, #tpu.memory_space<vmem>>) offsets(%dma_start3A_6 : memref<72xi32, #tpu.memory_space<vmem>>) semaphore(%arg14 : memref<!tpu.dma_semaphore, #tpu.memory_space<semaphore_mem>>)
    %dma_start3A_10 = arith.constant 0 : i32
    %dma_start3A_11 = arith.constant 0 : i32
    %dma_start3A_12 = tpu.memref_slice %arg12[%dma_start3A_10, %dma_start3A_11] : memref<72x16xf32, #tpu.memory_space<vmem>> -> memref<72x16xf32, #tpu.memory_space<vmem>>
    %dma_start3A_13 = tpu.memref_slice %arg9[%multiple_of3A_3] : memref<3600xi32, #tpu.memory_space<vmem>> -> memref<72xi32, #tpu.memory_space<vmem>>
    %dma_start3A_14 = arith.constant 0 : i32
    %dma_start3A_15 = arith.constant 0 : i32
    %dma_start3A_16 = tpu.memref_slice %arg3[%dma_start3A_14, %dma_start3A_15] : memref<20000x16xf32, #tpu.memory_space<hbm>> -> memref<20000x16xf32, #tpu.memory_space<hbm>>
    tpu.enqueue_indirect_dma source(%dma_start3A_16 : memref<20000x16xf32, #tpu.memory_space<hbm>>) target(%dma_start3A_12 : memref<72x16xf32, #tpu.memory_space<vmem>>) offsets(%dma_start3A_13 : memref<72xi32, #tpu.memory_space<vmem>>) semaphore(%arg16 : memref<!tpu.dma_semaphore, #tpu.memory_space<semaphore_mem>>)
    %scan3A = arith.constant 0 : i32
    %scan3A_17 = arith.constant 0 : i32
    %scan3A_18 = arith.constant 24 : i32
    %scan3A_19 = arith.addi %scan3A_17, %scan3A_18 : i32
    %scan3A_20 = arith.constant 1 : i32
    scf.for %scan3A_93 = %scan3A_17 to %scan3A_19 step %scan3A_20  : i32 {
      %mul3A_94 = arith.constant 2 : i32
      %mul3A_95 = arith.muli %scan3A_93, %mul3A_94 : i32
      %multiple_of3A_96 = tpu.assume_multiple %mul3A_95, 2 : i32
      %add3A_97 = arith.constant 1 : i32
      %add3A_98 = arith.addi %multiple_of3A_96, %add3A_97 : i32
      %mul3A_99 = arith.constant 72 : i32
      %mul3A_100 = arith.muli %add3A_98, %mul3A_99 : i32
      %multiple_of3A_101 = tpu.assume_multiple %mul3A_100, 72 : i32
      %dma_start3A_102 = arith.constant 0 : i32
      %dma_start3A_103 = arith.constant 0 : i32
      %dma_start3A_104 = tpu.memref_slice %arg11[%dma_start3A_102, %dma_start3A_103] : memref<72x128xf32, #tpu.memory_space<vmem>> -> memref<72x128xf32, #tpu.memory_space<vmem>>
      %dma_start3A_105 = tpu.memref_slice %arg8[%multiple_of3A_101] : memref<3600xi32, #tpu.memory_space<vmem>> -> memref<72xi32, #tpu.memory_space<vmem>>
      %dma_start3A_106 = arith.constant 0 : i32
      %dma_start3A_107 = arith.constant 0 : i32
      %dma_start3A_108 = tpu.memref_slice %arg2[%dma_start3A_106, %dma_start3A_107] : memref<20000x128xf32, #tpu.memory_space<hbm>> -> memref<20000x128xf32, #tpu.memory_space<hbm>>
      tpu.enqueue_indirect_dma source(%dma_start3A_108 : memref<20000x128xf32, #tpu.memory_space<hbm>>) target(%dma_start3A_104 : memref<72x128xf32, #tpu.memory_space<vmem>>) offsets(%dma_start3A_105 : memref<72xi32, #tpu.memory_space<vmem>>) semaphore(%arg15 : memref<!tpu.dma_semaphore, #tpu.memory_space<semaphore_mem>>)
      %dma_start3A_109 = arith.constant 0 : i32
      %dma_start3A_110 = arith.constant 0 : i32
      %dma_start3A_111 = tpu.memref_slice %arg13[%dma_start3A_109, %dma_start3A_110] : memref<72x16xf32, #tpu.memory_space<vmem>> -> memref<72x16xf32, #tpu.memory_space<vmem>>
      %dma_start3A_112 = tpu.memref_slice %arg9[%multiple_of3A_101] : memref<3600xi32, #tpu.memory_space<vmem>> -> memref<72xi32, #tpu.memory_space<vmem>>
      %dma_start3A_113 = arith.constant 0 : i32
      %dma_start3A_114 = arith.constant 0 : i32
      %dma_start3A_115 = tpu.memref_slice %arg3[%dma_start3A_113, %dma_start3A_114] : memref<20000x16xf32, #tpu.memory_space<hbm>> -> memref<20000x16xf32, #tpu.memory_space<hbm>>
      tpu.enqueue_indirect_dma source(%dma_start3A_115 : memref<20000x16xf32, #tpu.memory_space<hbm>>) target(%dma_start3A_111 : memref<72x16xf32, #tpu.memory_space<vmem>>) offsets(%dma_start3A_112 : memref<72xi32, #tpu.memory_space<vmem>>) semaphore(%arg17 : memref<!tpu.dma_semaphore, #tpu.memory_space<semaphore_mem>>)
      %dma_wait3A_116 = arith.constant 0 : i32
      %dma_wait3A_117 = arith.constant 0 : i32
      %dma_wait3A_118 = tpu.memref_slice %arg10[%dma_wait3A_116, %dma_wait3A_117] : memref<72x128xf32, #tpu.memory_space<vmem>> -> memref<72x128xf32, #tpu.memory_space<vmem>>
      %dma_wait3A_119 = arith.constant 0 : i32
      %dma_wait3A_120 = arith.constant 0 : i32
      %dma_wait3A_121 = tpu.memref_slice %arg2[%dma_wait3A_119, %dma_wait3A_120] : memref<20000x128xf32, #tpu.memory_space<hbm>> -> memref<72x128xf32, #tpu.memory_space<hbm>>
      %dma_wait3A_122 = arith.constant 0 : i32
      %dma_wait3A_123 = arith.constant 0 : i32
      %dma_wait3A_124 = tpu.memref_slice %arg10[%dma_wait3A_122, %dma_wait3A_123] : memref<72x128xf32, #tpu.memory_space<vmem>> -> memref<72x128xf32, #tpu.memory_space<vmem>>
      %dma_wait3A_125 = arith.constant 0 : i32
      %dma_wait3A_126 = arith.constant 0 : i32
      %dma_wait3A_127 = tpu.memref_slice %arg2[%dma_wait3A_125, %dma_wait3A_126] : memref<20000x128xf32, #tpu.memory_space<hbm>> -> memref<72x128xf32, #tpu.memory_space<hbm>>
      tpu.wait_dma2 semaphore(%arg14 : memref<!tpu.dma_semaphore, #tpu.memory_space<semaphore_mem>>) src(%dma_wait3A_127 : memref<72x128xf32, #tpu.memory_space<hbm>>) dst(%dma_wait3A_124 : memref<72x128xf32, #tpu.memory_space<vmem>>)
      %dma_wait3A_128 = arith.constant 0 : i32
      %dma_wait3A_129 = arith.constant 0 : i32
      %dma_wait3A_130 = tpu.memref_slice %arg12[%dma_wait3A_128, %dma_wait3A_129] : memref<72x16xf32, #tpu.memory_space<vmem>> -> memref<72x16xf32, #tpu.memory_space<vmem>>
      %dma_wait3A_131 = arith.constant 0 : i32
      %dma_wait3A_132 = arith.constant 0 : i32
      %dma_wait3A_133 = tpu.memref_slice %arg3[%dma_wait3A_131, %dma_wait3A_132] : memref<20000x16xf32, #tpu.memory_space<hbm>> -> memref<72x16xf32, #tpu.memory_space<hbm>>
      %dma_wait3A_134 = arith.constant 0 : i32
      %dma_wait3A_135 = arith.constant 0 : i32
      %dma_wait3A_136 = tpu.memref_slice %arg12[%dma_wait3A_134, %dma_wait3A_135] : memref<72x16xf32, #tpu.memory_space<vmem>> -> memref<72x16xf32, #tpu.memory_space<vmem>>
      %dma_wait3A_137 = arith.constant 0 : i32
      %dma_wait3A_138 = arith.constant 0 : i32
      %dma_wait3A_139 = tpu.memref_slice %arg3[%dma_wait3A_137, %dma_wait3A_138] : memref<20000x16xf32, #tpu.memory_space<hbm>> -> memref<72x16xf32, #tpu.memory_space<hbm>>
      tpu.wait_dma2 semaphore(%arg16 : memref<!tpu.dma_semaphore, #tpu.memory_space<semaphore_mem>>) src(%dma_wait3A_139 : memref<72x16xf32, #tpu.memory_space<hbm>>) dst(%dma_wait3A_136 : memref<72x16xf32, #tpu.memory_space<vmem>>)
      %mul3A_140 = arith.constant 72 : i32
      %mul3A_141 = arith.muli %multiple_of3A_96, %mul3A_140 : i32
      %multiple_of3A_142 = tpu.assume_multiple %mul3A_141, 72 : i32
      %add3A_143 = arith.addi %mul3A_2, %multiple_of3A_142 : i32
      "tpu.region"() ({
        %run_scoped3A = tpu.sem_alloc : memref<!tpu.dma_semaphore, #tpu.memory_space<semaphore_mem>>
        %dma_start3A_195 = arith.constant 0 : i32
        %dma_start3A_196 = arith.constant 0 : i32
        %dma_start3A_197 = tpu.memref_slice %arg10[%dma_start3A_195, %dma_start3A_196] : memref<72x128xf32, #tpu.memory_space<vmem>> -> memref<72x128xf32, #tpu.memory_space<vmem>>
        %dma_start3A_198 = arith.constant 0 : i32
        %dma_start3A_199 = tpu.memref_slice %arg6[%add3A_143, %dma_start3A_198] : memref<115200x128xf32, #tpu.memory_space<hbm>> -> memref<72x128xf32, #tpu.memory_space<hbm>>
        %dma_start3A_200 = arith.constant 0 : i32
        %dma_start3A_201 = tpu.memref_slice %arg6[%add3A_143, %dma_start3A_200] : memref<115200x128xf32, #tpu.memory_space<hbm>> -> memref<72x128xf32, #tpu.memory_space<hbm>>
        %dma_start3A_202 = arith.constant 0 : i32
        %dma_start3A_203 = arith.constant 0 : i32
        %dma_start3A_204 = tpu.memref_slice %arg10[%dma_start3A_202, %dma_start3A_203] : memref<72x128xf32, #tpu.memory_space<vmem>> -> memref<72x128xf32, #tpu.memory_space<vmem>>
        tpu.enqueue_dma source(%dma_start3A_204 : memref<72x128xf32, #tpu.memory_space<vmem>>) target(%dma_start3A_201 : memref<72x128xf32, #tpu.memory_space<hbm>>) target_semaphore(%run_scoped3A : memref<!tpu.dma_semaphore, #tpu.memory_space<semaphore_mem>>)
        %dma_wait3A_205 = arith.constant 0 : i32
        %dma_wait3A_206 = arith.constant 0 : i32
        %dma_wait3A_207 = tpu.memref_slice %arg10[%dma_wait3A_205, %dma_wait3A_206] : memref<72x128xf32, #tpu.memory_space<vmem>> -> memref<72x128xf32, #tpu.memory_space<vmem>>
        %dma_wait3A_208 = arith.constant 0 : i32
        %dma_wait3A_209 = tpu.memref_slice %arg6[%add3A_143, %dma_wait3A_208] : memref<115200x128xf32, #tpu.memory_space<hbm>> -> memref<72x128xf32, #tpu.memory_space<hbm>>
        %dma_wait3A_210 = arith.constant 0 : i32
        %dma_wait3A_211 = tpu.memref_slice %arg6[%add3A_143, %dma_wait3A_210] : memref<115200x128xf32, #tpu.memory_space<hbm>> -> memref<72x128xf32, #tpu.memory_space<hbm>>
        %dma_wait3A_212 = arith.constant 0 : i32
        %dma_wait3A_213 = arith.constant 0 : i32
        %dma_wait3A_214 = tpu.memref_slice %arg10[%dma_wait3A_212, %dma_wait3A_213] : memref<72x128xf32, #tpu.memory_space<vmem>> -> memref<72x128xf32, #tpu.memory_space<vmem>>
        tpu.wait_dma2 semaphore(%run_scoped3A : memref<!tpu.dma_semaphore, #tpu.memory_space<semaphore_mem>>) src(%dma_wait3A_214 : memref<72x128xf32, #tpu.memory_space<vmem>>) dst(%dma_wait3A_211 : memref<72x128xf32, #tpu.memory_space<hbm>>)
        tpu.yield
      }) : () -> ()
      %add3A_144 = arith.addi %mul3A_2, %multiple_of3A_142 : i32
      "tpu.region"() ({
        %run_scoped3A = tpu.sem_alloc : memref<!tpu.dma_semaphore, #tpu.memory_space<semaphore_mem>>
        %dma_start3A_195 = arith.constant 0 : i32
        %dma_start3A_196 = arith.constant 0 : i32
        %dma_start3A_197 = tpu.memref_slice %arg12[%dma_start3A_195, %dma_start3A_196] : memref<72x16xf32, #tpu.memory_space<vmem>> -> memref<72x16xf32, #tpu.memory_space<vmem>>
        %dma_start3A_198 = arith.constant 0 : i32
        %dma_start3A_199 = tpu.memref_slice %arg7[%add3A_144, %dma_start3A_198] : memref<115200x16xf32, #tpu.memory_space<hbm>> -> memref<72x16xf32, #tpu.memory_space<hbm>>
        %dma_start3A_200 = arith.constant 0 : i32
        %dma_start3A_201 = tpu.memref_slice %arg7[%add3A_144, %dma_start3A_200] : memref<115200x16xf32, #tpu.memory_space<hbm>> -> memref<72x16xf32, #tpu.memory_space<hbm>>
        %dma_start3A_202 = arith.constant 0 : i32
        %dma_start3A_203 = arith.constant 0 : i32
        %dma_start3A_204 = tpu.memref_slice %arg12[%dma_start3A_202, %dma_start3A_203] : memref<72x16xf32, #tpu.memory_space<vmem>> -> memref<72x16xf32, #tpu.memory_space<vmem>>
        tpu.enqueue_dma source(%dma_start3A_204 : memref<72x16xf32, #tpu.memory_space<vmem>>) target(%dma_start3A_201 : memref<72x16xf32, #tpu.memory_space<hbm>>) target_semaphore(%run_scoped3A : memref<!tpu.dma_semaphore, #tpu.memory_space<semaphore_mem>>)
        %dma_wait3A_205 = arith.constant 0 : i32
        %dma_wait3A_206 = arith.constant 0 : i32
        %dma_wait3A_207 = tpu.memref_slice %arg12[%dma_wait3A_205, %dma_wait3A_206] : memref<72x16xf32, #tpu.memory_space<vmem>> -> memref<72x16xf32, #tpu.memory_space<vmem>>
        %dma_wait3A_208 = arith.constant 0 : i32
        %dma_wait3A_209 = tpu.memref_slice %arg7[%add3A_144, %dma_wait3A_208] : memref<115200x16xf32, #tpu.memory_space<hbm>> -> memref<72x16xf32, #tpu.memory_space<hbm>>
        %dma_wait3A_210 = arith.constant 0 : i32
        %dma_wait3A_211 = tpu.memref_slice %arg7[%add3A_144, %dma_wait3A_210] : memref<115200x16xf32, #tpu.memory_space<hbm>> -> memref<72x16xf32, #tpu.memory_space<hbm>>
        %dma_wait3A_212 = arith.constant 0 : i32
        %dma_wait3A_213 = arith.constant 0 : i32
        %dma_wait3A_214 = tpu.memref_slice %arg12[%dma_wait3A_212, %dma_wait3A_213] : memref<72x16xf32, #tpu.memory_space<vmem>> -> memref<72x16xf32, #tpu.memory_space<vmem>>
        tpu.wait_dma2 semaphore(%run_scoped3A : memref<!tpu.dma_semaphore, #tpu.memory_space<semaphore_mem>>) src(%dma_wait3A_214 : memref<72x16xf32, #tpu.memory_space<vmem>>) dst(%dma_wait3A_211 : memref<72x16xf32, #tpu.memory_space<hbm>>)
        tpu.yield
      }) : () -> ()
      %add3A_145 = arith.constant 2 : i32
      %add3A_146 = arith.addi %multiple_of3A_96, %add3A_145 : i32
      %mul3A_147 = arith.constant 72 : i32
      %mul3A_148 = arith.muli %add3A_146, %mul3A_147 : i32
      %multiple_of3A_149 = tpu.assume_multiple %mul3A_148, 72 : i32
      %dma_start3A_150 = arith.constant 0 : i32
      %dma_start3A_151 = arith.constant 0 : i32
      %dma_start3A_152 = tpu.memref_slice %arg10[%dma_start3A_150, %dma_start3A_151] : memref<72x128xf32, #tpu.memory_space<vmem>> -> memref<72x128xf32, #tpu.memory_space<vmem>>
      %dma_start3A_153 = tpu.memref_slice %arg8[%multiple_of3A_149] : memref<3600xi32, #tpu.memory_space<vmem>> -> memref<72xi32, #tpu.memory_space<vmem>>
      %dma_start3A_154 = arith.constant 0 : i32
      %dma_start3A_155 = arith.constant 0 : i32
      %dma_start3A_156 = tpu.memref_slice %arg2[%dma_start3A_154, %dma_start3A_155] : memref<20000x128xf32, #tpu.memory_space<hbm>> -> memref<20000x128xf32, #tpu.memory_space<hbm>>
      tpu.enqueue_indirect_dma source(%dma_start3A_156 : memref<20000x128xf32, #tpu.memory_space<hbm>>) target(%dma_start3A_152 : memref<72x128xf32, #tpu.memory_space<vmem>>) offsets(%dma_start3A_153 : memref<72xi32, #tpu.memory_space<vmem>>) semaphore(%arg14 : memref<!tpu.dma_semaphore, #tpu.memory_space<semaphore_mem>>)
      %dma_start3A_157 = arith.constant 0 : i32
      %dma_start3A_158 = arith.constant 0 : i32
      %dma_start3A_159 = tpu.memref_slice %arg12[%dma_start3A_157, %dma_start3A_158] : memref<72x16xf32, #tpu.memory_space<vmem>> -> memref<72x16xf32, #tpu.memory_space<vmem>>
      %dma_start3A_160 = tpu.memref_slice %arg9[%multiple_of3A_149] : memref<3600xi32, #tpu.memory_space<vmem>> -> memref<72xi32, #tpu.memory_space<vmem>>
      %dma_start3A_161 = arith.constant 0 : i32
      %dma_start3A_162 = arith.constant 0 : i32
      %dma_start3A_163 = tpu.memref_slice %arg3[%dma_start3A_161, %dma_start3A_162] : memref<20000x16xf32, #tpu.memory_space<hbm>> -> memref<20000x16xf32, #tpu.memory_space<hbm>>
      tpu.enqueue_indirect_dma source(%dma_start3A_163 : memref<20000x16xf32, #tpu.memory_space<hbm>>) target(%dma_start3A_159 : memref<72x16xf32, #tpu.memory_space<vmem>>) offsets(%dma_start3A_160 : memref<72xi32, #tpu.memory_space<vmem>>) semaphore(%arg16 : memref<!tpu.dma_semaphore, #tpu.memory_space<semaphore_mem>>)
      %dma_wait3A_164 = arith.constant 0 : i32
      %dma_wait3A_165 = arith.constant 0 : i32
      %dma_wait3A_166 = tpu.memref_slice %arg11[%dma_wait3A_164, %dma_wait3A_165] : memref<72x128xf32, #tpu.memory_space<vmem>> -> memref<72x128xf32, #tpu.memory_space<vmem>>
      %dma_wait3A_167 = arith.constant 0 : i32
      %dma_wait3A_168 = arith.constant 0 : i32
      %dma_wait3A_169 = tpu.memref_slice %arg2[%dma_wait3A_167, %dma_wait3A_168] : memref<20000x128xf32, #tpu.memory_space<hbm>> -> memref<72x128xf32, #tpu.memory_space<hbm>>
      %dma_wait3A_170 = arith.constant 0 : i32
      %dma_wait3A_171 = arith.constant 0 : i32
      %dma_wait3A_172 = tpu.memref_slice %arg11[%dma_wait3A_170, %dma_wait3A_171] : memref<72x128xf32, #tpu.memory_space<vmem>> -> memref<72x128xf32, #tpu.memory_space<vmem>>
      %dma_wait3A_173 = arith.constant 0 : i32
      %dma_wait3A_174 = arith.constant 0 : i32
      %dma_wait3A_175 = tpu.memref_slice %arg2[%dma_wait3A_173, %dma_wait3A_174] : memref<20000x128xf32, #tpu.memory_space<hbm>> -> memref<72x128xf32, #tpu.memory_space<hbm>>
      tpu.wait_dma2 semaphore(%arg15 : memref<!tpu.dma_semaphore, #tpu.memory_space<semaphore_mem>>) src(%dma_wait3A_175 : memref<72x128xf32, #tpu.memory_space<hbm>>) dst(%dma_wait3A_172 : memref<72x128xf32, #tpu.memory_space<vmem>>)
      %dma_wait3A_176 = arith.constant 0 : i32
      %dma_wait3A_177 = arith.constant 0 : i32
      %dma_wait3A_178 = tpu.memref_slice %arg13[%dma_wait3A_176, %dma_wait3A_177] : memref<72x16xf32, #tpu.memory_space<vmem>> -> memref<72x16xf32, #tpu.memory_space<vmem>>
      %dma_wait3A_179 = arith.constant 0 : i32
      %dma_wait3A_180 = arith.constant 0 : i32
      %dma_wait3A_181 = tpu.memref_slice %arg3[%dma_wait3A_179, %dma_wait3A_180] : memref<20000x16xf32, #tpu.memory_space<hbm>> -> memref<72x16xf32, #tpu.memory_space<hbm>>
      %dma_wait3A_182 = arith.constant 0 : i32
      %dma_wait3A_183 = arith.constant 0 : i32
      %dma_wait3A_184 = tpu.memref_slice %arg13[%dma_wait3A_182, %dma_wait3A_183] : memref<72x16xf32, #tpu.memory_space<vmem>> -> memref<72x16xf32, #tpu.memory_space<vmem>>
      %dma_wait3A_185 = arith.constant 0 : i32
      %dma_wait3A_186 = arith.constant 0 : i32
      %dma_wait3A_187 = tpu.memref_slice %arg3[%dma_wait3A_185, %dma_wait3A_186] : memref<20000x16xf32, #tpu.memory_space<hbm>> -> memref<72x16xf32, #tpu.memory_space<hbm>>
      tpu.wait_dma2 semaphore(%arg17 : memref<!tpu.dma_semaphore, #tpu.memory_space<semaphore_mem>>) src(%dma_wait3A_187 : memref<72x16xf32, #tpu.memory_space<hbm>>) dst(%dma_wait3A_184 : memref<72x16xf32, #tpu.memory_space<vmem>>)
      %add3A_188 = arith.constant 1 : i32
      %add3A_189 = arith.addi %multiple_of3A_96, %add3A_188 : i32
      %mul3A_190 = arith.constant 72 : i32
      %mul3A_191 = arith.muli %add3A_189, %mul3A_190 : i32
      %multiple_of3A_192 = tpu.assume_multiple %mul3A_191, 72 : i32
      %add3A_193 = arith.addi %mul3A_2, %multiple_of3A_192 : i32
      "tpu.region"() ({
        %run_scoped3A = tpu.sem_alloc : memref<!tpu.dma_semaphore, #tpu.memory_space<semaphore_mem>>
        %dma_start3A_195 = arith.constant 0 : i32
        %dma_start3A_196 = arith.constant 0 : i32
        %dma_start3A_197 = tpu.memref_slice %arg11[%dma_start3A_195, %dma_start3A_196] : memref<72x128xf32, #tpu.memory_space<vmem>> -> memref<72x128xf32, #tpu.memory_space<vmem>>
        %dma_start3A_198 = arith.constant 0 : i32
        %dma_start3A_199 = tpu.memref_slice %arg6[%add3A_193, %dma_start3A_198] : memref<115200x128xf32, #tpu.memory_space<hbm>> -> memref<72x128xf32, #tpu.memory_space<hbm>>
        %dma_start3A_200 = arith.constant 0 : i32
        %dma_start3A_201 = tpu.memref_slice %arg6[%add3A_193, %dma_start3A_200] : memref<115200x128xf32, #tpu.memory_space<hbm>> -> memref<72x128xf32, #tpu.memory_space<hbm>>
        %dma_start3A_202 = arith.constant 0 : i32
        %dma_start3A_203 = arith.constant 0 : i32
        %dma_start3A_204 = tpu.memref_slice %arg11[%dma_start3A_202, %dma_start3A_203] : memref<72x128xf32, #tpu.memory_space<vmem>> -> memref<72x128xf32, #tpu.memory_space<vmem>>
        tpu.enqueue_dma source(%dma_start3A_204 : memref<72x128xf32, #tpu.memory_space<vmem>>) target(%dma_start3A_201 : memref<72x128xf32, #tpu.memory_space<hbm>>) target_semaphore(%run_scoped3A : memref<!tpu.dma_semaphore, #tpu.memory_space<semaphore_mem>>)
        %dma_wait3A_205 = arith.constant 0 : i32
        %dma_wait3A_206 = arith.constant 0 : i32
        %dma_wait3A_207 = tpu.memref_slice %arg11[%dma_wait3A_205, %dma_wait3A_206] : memref<72x128xf32, #tpu.memory_space<vmem>> -> memref<72x128xf32, #tpu.memory_space<vmem>>
        %dma_wait3A_208 = arith.constant 0 : i32
        %dma_wait3A_209 = tpu.memref_slice %arg6[%add3A_193, %dma_wait3A_208] : memref<115200x128xf32, #tpu.memory_space<hbm>> -> memref<72x128xf32, #tpu.memory_space<hbm>>
        %dma_wait3A_210 = arith.constant 0 : i32
        %dma_wait3A_211 = tpu.memref_slice %arg6[%add3A_193, %dma_wait3A_210] : memref<115200x128xf32, #tpu.memory_space<hbm>> -> memref<72x128xf32, #tpu.memory_space<hbm>>
        %dma_wait3A_212 = arith.constant 0 : i32
        %dma_wait3A_213 = arith.constant 0 : i32
        %dma_wait3A_214 = tpu.memref_slice %arg11[%dma_wait3A_212, %dma_wait3A_213] : memref<72x128xf32, #tpu.memory_space<vmem>> -> memref<72x128xf32, #tpu.memory_space<vmem>>
        tpu.wait_dma2 semaphore(%run_scoped3A : memref<!tpu.dma_semaphore, #tpu.memory_space<semaphore_mem>>) src(%dma_wait3A_214 : memref<72x128xf32, #tpu.memory_space<vmem>>) dst(%dma_wait3A_211 : memref<72x128xf32, #tpu.memory_space<hbm>>)
        tpu.yield
      }) : () -> ()
      %add3A_194 = arith.addi %mul3A_2, %multiple_of3A_192 : i32
      "tpu.region"() ({
        %run_scoped3A = tpu.sem_alloc : memref<!tpu.dma_semaphore, #tpu.memory_space<semaphore_mem>>
        %dma_start3A_195 = arith.constant 0 : i32
        %dma_start3A_196 = arith.constant 0 : i32
        %dma_start3A_197 = tpu.memref_slice %arg13[%dma_start3A_195, %dma_start3A_196] : memref<72x16xf32, #tpu.memory_space<vmem>> -> memref<72x16xf32, #tpu.memory_space<vmem>>
        %dma_start3A_198 = arith.constant 0 : i32
        %dma_start3A_199 = tpu.memref_slice %arg7[%add3A_194, %dma_start3A_198] : memref<115200x16xf32, #tpu.memory_space<hbm>> -> memref<72x16xf32, #tpu.memory_space<hbm>>
        %dma_start3A_200 = arith.constant 0 : i32
        %dma_start3A_201 = tpu.memref_slice %arg7[%add3A_194, %dma_start3A_200] : memref<115200x16xf32, #tpu.memory_space<hbm>> -> memref<72x16xf32, #tpu.memory_space<hbm>>
        %dma_start3A_202 = arith.constant 0 : i32
        %dma_start3A_203 = arith.constant 0 : i32
        %dma_start3A_204 = tpu.memref_slice %arg13[%dma_start3A_202, %dma_start3A_203] : memref<72x16xf32, #tpu.memory_space<vmem>> -> memref<72x16xf32, #tpu.memory_space<vmem>>
        tpu.enqueue_dma source(%dma_start3A_204 : memref<72x16xf32, #tpu.memory_space<vmem>>) target(%dma_start3A_201 : memref<72x16xf32, #tpu.memory_space<hbm>>) target_semaphore(%run_scoped3A : memref<!tpu.dma_semaphore, #tpu.memory_space<semaphore_mem>>)
        %dma_wait3A_205 = arith.constant 0 : i32
        %dma_wait3A_206 = arith.constant 0 : i32
        %dma_wait3A_207 = tpu.memref_slice %arg13[%dma_wait3A_205, %dma_wait3A_206] : memref<72x16xf32, #tpu.memory_space<vmem>> -> memref<72x16xf32, #tpu.memory_space<vmem>>
        %dma_wait3A_208 = arith.constant 0 : i32
        %dma_wait3A_209 = tpu.memref_slice %arg7[%add3A_194, %dma_wait3A_208] : memref<115200x16xf32, #tpu.memory_space<hbm>> -> memref<72x16xf32, #tpu.memory_space<hbm>>
        %dma_wait3A_210 = arith.constant 0 : i32
        %dma_wait3A_211 = tpu.memref_slice %arg7[%add3A_194, %dma_wait3A_210] : memref<115200x16xf32, #tpu.memory_space<hbm>> -> memref<72x16xf32, #tpu.memory_space<hbm>>
        %dma_wait3A_212 = arith.constant 0 : i32
        %dma_wait3A_213 = arith.constant 0 : i32
        %dma_wait3A_214 = tpu.memref_slice %arg13[%dma_wait3A_212, %dma_wait3A_213] : memref<72x16xf32, #tpu.memory_space<vmem>> -> memref<72x16xf32, #tpu.memory_space<vmem>>
        tpu.wait_dma2 semaphore(%run_scoped3A : memref<!tpu.dma_semaphore, #tpu.memory_space<semaphore_mem>>) src(%dma_wait3A_214 : memref<72x16xf32, #tpu.memory_space<vmem>>) dst(%dma_wait3A_211 : memref<72x16xf32, #tpu.memory_space<hbm>>)
        tpu.yield
      }) : () -> ()
    }
    %scan3A_21 = arith.constant 24 : i32
    %multiple_of3A_22 = arith.constant 3528 : i32
    %multiple_of3A_23 = tpu.assume_multiple %multiple_of3A_22, 72 : i32
    %dma_start3A_24 = arith.constant 0 : i32
    %dma_start3A_25 = arith.constant 0 : i32
    %dma_start3A_26 = tpu.memref_slice %arg11[%dma_start3A_24, %dma_start3A_25] : memref<72x128xf32, #tpu.memory_space<vmem>> -> memref<72x128xf32, #tpu.memory_space<vmem>>
    %dma_start3A_27 = tpu.memref_slice %arg8[%multiple_of3A_23] : memref<3600xi32, #tpu.memory_space<vmem>> -> memref<72xi32, #tpu.memory_space<vmem>>
    %dma_start3A_28 = arith.constant 0 : i32
    %dma_start3A_29 = arith.constant 0 : i32
    %dma_start3A_30 = tpu.memref_slice %arg2[%dma_start3A_28, %dma_start3A_29] : memref<20000x128xf32, #tpu.memory_space<hbm>> -> memref<20000x128xf32, #tpu.memory_space<hbm>>
    tpu.enqueue_indirect_dma source(%dma_start3A_30 : memref<20000x128xf32, #tpu.memory_space<hbm>>) target(%dma_start3A_26 : memref<72x128xf32, #tpu.memory_space<vmem>>) offsets(%dma_start3A_27 : memref<72xi32, #tpu.memory_space<vmem>>) semaphore(%arg15 : memref<!tpu.dma_semaphore, #tpu.memory_space<semaphore_mem>>)
    %dma_start3A_31 = arith.constant 0 : i32
    %dma_start3A_32 = arith.constant 0 : i32
    %dma_start3A_33 = tpu.memref_slice %arg13[%dma_start3A_31, %dma_start3A_32] : memref<72x16xf32, #tpu.memory_space<vmem>> -> memref<72x16xf32, #tpu.memory_space<vmem>>
    %dma_start3A_34 = tpu.memref_slice %arg9[%multiple_of3A_23] : memref<3600xi32, #tpu.memory_space<vmem>> -> memref<72xi32, #tpu.memory_space<vmem>>
    %dma_start3A_35 = arith.constant 0 : i32
    %dma_start3A_36 = arith.constant 0 : i32
    %dma_start3A_37 = tpu.memref_slice %arg3[%dma_start3A_35, %dma_start3A_36] : memref<20000x16xf32, #tpu.memory_space<hbm>> -> memref<20000x16xf32, #tpu.memory_space<hbm>>
    tpu.enqueue_indirect_dma source(%dma_start3A_37 : memref<20000x16xf32, #tpu.memory_space<hbm>>) target(%dma_start3A_33 : memref<72x16xf32, #tpu.memory_space<vmem>>) offsets(%dma_start3A_34 : memref<72xi32, #tpu.memory_space<vmem>>) semaphore(%arg17 : memref<!tpu.dma_semaphore, #tpu.memory_space<semaphore_mem>>)
    %dma_wait3A = arith.constant 0 : i32
    %dma_wait3A_38 = arith.constant 0 : i32
    %dma_wait3A_39 = tpu.memref_slice %arg10[%dma_wait3A, %dma_wait3A_38] : memref<72x128xf32, #tpu.memory_space<vmem>> -> memref<72x128xf32, #tpu.memory_space<vmem>>
    %dma_wait3A_40 = arith.constant 0 : i32
    %dma_wait3A_41 = arith.constant 0 : i32
    %dma_wait3A_42 = tpu.memref_slice %arg2[%dma_wait3A_40, %dma_wait3A_41] : memref<20000x128xf32, #tpu.memory_space<hbm>> -> memref<72x128xf32, #tpu.memory_space<hbm>>
    %dma_wait3A_43 = arith.constant 0 : i32
    %dma_wait3A_44 = arith.constant 0 : i32
    %dma_wait3A_45 = tpu.memref_slice %arg10[%dma_wait3A_43, %dma_wait3A_44] : memref<72x128xf32, #tpu.memory_space<vmem>> -> memref<72x128xf32, #tpu.memory_space<vmem>>
    %dma_wait3A_46 = arith.constant 0 : i32
    %dma_wait3A_47 = arith.constant 0 : i32
    %dma_wait3A_48 = tpu.memref_slice %arg2[%dma_wait3A_46, %dma_wait3A_47] : memref<20000x128xf32, #tpu.memory_space<hbm>> -> memref<72x128xf32, #tpu.memory_space<hbm>>
    tpu.wait_dma2 semaphore(%arg14 : memref<!tpu.dma_semaphore, #tpu.memory_space<semaphore_mem>>) src(%dma_wait3A_48 : memref<72x128xf32, #tpu.memory_space<hbm>>) dst(%dma_wait3A_45 : memref<72x128xf32, #tpu.memory_space<vmem>>)
    %dma_wait3A_49 = arith.constant 0 : i32
    %dma_wait3A_50 = arith.constant 0 : i32
    %dma_wait3A_51 = tpu.memref_slice %arg12[%dma_wait3A_49, %dma_wait3A_50] : memref<72x16xf32, #tpu.memory_space<vmem>> -> memref<72x16xf32, #tpu.memory_space<vmem>>
    %dma_wait3A_52 = arith.constant 0 : i32
    %dma_wait3A_53 = arith.constant 0 : i32
    %dma_wait3A_54 = tpu.memref_slice %arg3[%dma_wait3A_52, %dma_wait3A_53] : memref<20000x16xf32, #tpu.memory_space<hbm>> -> memref<72x16xf32, #tpu.memory_space<hbm>>
    %dma_wait3A_55 = arith.constant 0 : i32
    %dma_wait3A_56 = arith.constant 0 : i32
    %dma_wait3A_57 = tpu.memref_slice %arg12[%dma_wait3A_55, %dma_wait3A_56] : memref<72x16xf32, #tpu.memory_space<vmem>> -> memref<72x16xf32, #tpu.memory_space<vmem>>
    %dma_wait3A_58 = arith.constant 0 : i32
    %dma_wait3A_59 = arith.constant 0 : i32
    %dma_wait3A_60 = tpu.memref_slice %arg3[%dma_wait3A_58, %dma_wait3A_59] : memref<20000x16xf32, #tpu.memory_space<hbm>> -> memref<72x16xf32, #tpu.memory_space<hbm>>
    tpu.wait_dma2 semaphore(%arg16 : memref<!tpu.dma_semaphore, #tpu.memory_space<semaphore_mem>>) src(%dma_wait3A_60 : memref<72x16xf32, #tpu.memory_space<hbm>>) dst(%dma_wait3A_57 : memref<72x16xf32, #tpu.memory_space<vmem>>)
    %multiple_of3A_61 = arith.constant 3456 : i32
    %multiple_of3A_62 = tpu.assume_multiple %multiple_of3A_61, 72 : i32
    %add3A_63 = arith.addi %mul3A_2, %multiple_of3A_62 : i32
    "tpu.region"() ({
      %run_scoped3A = tpu.sem_alloc : memref<!tpu.dma_semaphore, #tpu.memory_space<semaphore_mem>>
      %dma_start3A_93 = arith.constant 0 : i32
      %dma_start3A_94 = arith.constant 0 : i32
      %dma_start3A_95 = tpu.memref_slice %arg10[%dma_start3A_93, %dma_start3A_94] : memref<72x128xf32, #tpu.memory_space<vmem>> -> memref<72x128xf32, #tpu.memory_space<vmem>>
      %dma_start3A_96 = arith.constant 0 : i32
      %dma_start3A_97 = tpu.memref_slice %arg6[%add3A_63, %dma_start3A_96] : memref<115200x128xf32, #tpu.memory_space<hbm>> -> memref<72x128xf32, #tpu.memory_space<hbm>>
      %dma_start3A_98 = arith.constant 0 : i32
      %dma_start3A_99 = tpu.memref_slice %arg6[%add3A_63, %dma_start3A_98] : memref<115200x128xf32, #tpu.memory_space<hbm>> -> memref<72x128xf32, #tpu.memory_space<hbm>>
      %dma_start3A_100 = arith.constant 0 : i32
      %dma_start3A_101 = arith.constant 0 : i32
      %dma_start3A_102 = tpu.memref_slice %arg10[%dma_start3A_100, %dma_start3A_101] : memref<72x128xf32, #tpu.memory_space<vmem>> -> memref<72x128xf32, #tpu.memory_space<vmem>>
      tpu.enqueue_dma source(%dma_start3A_102 : memref<72x128xf32, #tpu.memory_space<vmem>>) target(%dma_start3A_99 : memref<72x128xf32, #tpu.memory_space<hbm>>) target_semaphore(%run_scoped3A : memref<!tpu.dma_semaphore, #tpu.memory_space<semaphore_mem>>)
      %dma_wait3A_103 = arith.constant 0 : i32
      %dma_wait3A_104 = arith.constant 0 : i32
      %dma_wait3A_105 = tpu.memref_slice %arg10[%dma_wait3A_103, %dma_wait3A_104] : memref<72x128xf32, #tpu.memory_space<vmem>> -> memref<72x128xf32, #tpu.memory_space<vmem>>
      %dma_wait3A_106 = arith.constant 0 : i32
      %dma_wait3A_107 = tpu.memref_slice %arg6[%add3A_63, %dma_wait3A_106] : memref<115200x128xf32, #tpu.memory_space<hbm>> -> memref<72x128xf32, #tpu.memory_space<hbm>>
      %dma_wait3A_108 = arith.constant 0 : i32
      %dma_wait3A_109 = tpu.memref_slice %arg6[%add3A_63, %dma_wait3A_108] : memref<115200x128xf32, #tpu.memory_space<hbm>> -> memref<72x128xf32, #tpu.memory_space<hbm>>
      %dma_wait3A_110 = arith.constant 0 : i32
      %dma_wait3A_111 = arith.constant 0 : i32
      %dma_wait3A_112 = tpu.memref_slice %arg10[%dma_wait3A_110, %dma_wait3A_111] : memref<72x128xf32, #tpu.memory_space<vmem>> -> memref<72x128xf32, #tpu.memory_space<vmem>>
      tpu.wait_dma2 semaphore(%run_scoped3A : memref<!tpu.dma_semaphore, #tpu.memory_space<semaphore_mem>>) src(%dma_wait3A_112 : memref<72x128xf32, #tpu.memory_space<vmem>>) dst(%dma_wait3A_109 : memref<72x128xf32, #tpu.memory_space<hbm>>)
      tpu.yield
    }) : () -> ()
    %add3A_64 = arith.addi %mul3A_2, %multiple_of3A_62 : i32
    "tpu.region"() ({
      %run_scoped3A = tpu.sem_alloc : memref<!tpu.dma_semaphore, #tpu.memory_space<semaphore_mem>>
      %dma_start3A_93 = arith.constant 0 : i32
      %dma_start3A_94 = arith.constant 0 : i32
      %dma_start3A_95 = tpu.memref_slice %arg12[%dma_start3A_93, %dma_start3A_94] : memref<72x16xf32, #tpu.memory_space<vmem>> -> memref<72x16xf32, #tpu.memory_space<vmem>>
      %dma_start3A_96 = arith.constant 0 : i32
      %dma_start3A_97 = tpu.memref_slice %arg7[%add3A_64, %dma_start3A_96] : memref<115200x16xf32, #tpu.memory_space<hbm>> -> memref<72x16xf32, #tpu.memory_space<hbm>>
      %dma_start3A_98 = arith.constant 0 : i32
      %dma_start3A_99 = tpu.memref_slice %arg7[%add3A_64, %dma_start3A_98] : memref<115200x16xf32, #tpu.memory_space<hbm>> -> memref<72x16xf32, #tpu.memory_space<hbm>>
      %dma_start3A_100 = arith.constant 0 : i32
      %dma_start3A_101 = arith.constant 0 : i32
      %dma_start3A_102 = tpu.memref_slice %arg12[%dma_start3A_100, %dma_start3A_101] : memref<72x16xf32, #tpu.memory_space<vmem>> -> memref<72x16xf32, #tpu.memory_space<vmem>>
      tpu.enqueue_dma source(%dma_start3A_102 : memref<72x16xf32, #tpu.memory_space<vmem>>) target(%dma_start3A_99 : memref<72x16xf32, #tpu.memory_space<hbm>>) target_semaphore(%run_scoped3A : memref<!tpu.dma_semaphore, #tpu.memory_space<semaphore_mem>>)
      %dma_wait3A_103 = arith.constant 0 : i32
      %dma_wait3A_104 = arith.constant 0 : i32
      %dma_wait3A_105 = tpu.memref_slice %arg12[%dma_wait3A_103, %dma_wait3A_104] : memref<72x16xf32, #tpu.memory_space<vmem>> -> memref<72x16xf32, #tpu.memory_space<vmem>>
      %dma_wait3A_106 = arith.constant 0 : i32
      %dma_wait3A_107 = tpu.memref_slice %arg7[%add3A_64, %dma_wait3A_106] : memref<115200x16xf32, #tpu.memory_space<hbm>> -> memref<72x16xf32, #tpu.memory_space<hbm>>
      %dma_wait3A_108 = arith.constant 0 : i32
      %dma_wait3A_109 = tpu.memref_slice %arg7[%add3A_64, %dma_wait3A_108] : memref<115200x16xf32, #tpu.memory_space<hbm>> -> memref<72x16xf32, #tpu.memory_space<hbm>>
      %dma_wait3A_110 = arith.constant 0 : i32
      %dma_wait3A_111 = arith.constant 0 : i32
      %dma_wait3A_112 = tpu.memref_slice %arg12[%dma_wait3A_110, %dma_wait3A_111] : memref<72x16xf32, #tpu.memory_space<vmem>> -> memref<72x16xf32, #tpu.memory_space<vmem>>
      tpu.wait_dma2 semaphore(%run_scoped3A : memref<!tpu.dma_semaphore, #tpu.memory_space<semaphore_mem>>) src(%dma_wait3A_112 : memref<72x16xf32, #tpu.memory_space<vmem>>) dst(%dma_wait3A_109 : memref<72x16xf32, #tpu.memory_space<hbm>>)
      tpu.yield
    }) : () -> ()
    %dma_wait3A_65 = arith.constant 0 : i32
    %dma_wait3A_66 = arith.constant 0 : i32
    %dma_wait3A_67 = tpu.memref_slice %arg11[%dma_wait3A_65, %dma_wait3A_66] : memref<72x128xf32, #tpu.memory_space<vmem>> -> memref<72x128xf32, #tpu.memory_space<vmem>>
    %dma_wait3A_68 = arith.constant 0 : i32
    %dma_wait3A_69 = arith.constant 0 : i32
    %dma_wait3A_70 = tpu.memref_slice %arg2[%dma_wait3A_68, %dma_wait3A_69] : memref<20000x128xf32, #tpu.memory_space<hbm>> -> memref<72x128xf32, #tpu.memory_space<hbm>>
    %dma_wait3A_71 = arith.constant 0 : i32
    %dma_wait3A_72 = arith.constant 0 : i32
    %dma_wait3A_73 = tpu.memref_slice %arg11[%dma_wait3A_71, %dma_wait3A_72] : memref<72x128xf32, #tpu.memory_space<vmem>> -> memref<72x128xf32, #tpu.memory_space<vmem>>
    %dma_wait3A_74 = arith.constant 0 : i32
    %dma_wait3A_75 = arith.constant 0 : i32
    %dma_wait3A_76 = tpu.memref_slice %arg2[%dma_wait3A_74, %dma_wait3A_75] : memref<20000x128xf32, #tpu.memory_space<hbm>> -> memref<72x128xf32, #tpu.memory_space<hbm>>
    tpu.wait_dma2 semaphore(%arg15 : memref<!tpu.dma_semaphore, #tpu.memory_space<semaphore_mem>>) src(%dma_wait3A_76 : memref<72x128xf32, #tpu.memory_space<hbm>>) dst(%dma_wait3A_73 : memref<72x128xf32, #tpu.memory_space<vmem>>)
    %dma_wait3A_77 = arith.constant 0 : i32
    %dma_wait3A_78 = arith.constant 0 : i32
    %dma_wait3A_79 = tpu.memref_slice %arg13[%dma_wait3A_77, %dma_wait3A_78] : memref<72x16xf32, #tpu.memory_space<vmem>> -> memref<72x16xf32, #tpu.memory_space<vmem>>
    %dma_wait3A_80 = arith.constant 0 : i32
    %dma_wait3A_81 = arith.constant 0 : i32
    %dma_wait3A_82 = tpu.memref_slice %arg3[%dma_wait3A_80, %dma_wait3A_81] : memref<20000x16xf32, #tpu.memory_space<hbm>> -> memref<72x16xf32, #tpu.memory_space<hbm>>
    %dma_wait3A_83 = arith.constant 0 : i32
    %dma_wait3A_84 = arith.constant 0 : i32
    %dma_wait3A_85 = tpu.memref_slice %arg13[%dma_wait3A_83, %dma_wait3A_84] : memref<72x16xf32, #tpu.memory_space<vmem>> -> memref<72x16xf32, #tpu.memory_space<vmem>>
    %dma_wait3A_86 = arith.constant 0 : i32
    %dma_wait3A_87 = arith.constant 0 : i32
    %dma_wait3A_88 = tpu.memref_slice %arg3[%dma_wait3A_86, %dma_wait3A_87] : memref<20000x16xf32, #tpu.memory_space<hbm>> -> memref<72x16xf32, #tpu.memory_space<hbm>>
    tpu.wait_dma2 semaphore(%arg17 : memref<!tpu.dma_semaphore, #tpu.memory_space<semaphore_mem>>) src(%dma_wait3A_88 : memref<72x16xf32, #tpu.memory_space<hbm>>) dst(%dma_wait3A_85 : memref<72x16xf32, #tpu.memory_space<vmem>>)
    %multiple_of3A_89 = arith.constant 3528 : i32
    %multiple_of3A_90 = tpu.assume_multiple %multiple_of3A_89, 72 : i32
    %add3A_91 = arith.addi %mul3A_2, %multiple_of3A_90 : i32
    "tpu.region"() ({
      %run_scoped3A = tpu.sem_alloc : memref<!tpu.dma_semaphore, #tpu.memory_space<semaphore_mem>>
      %dma_start3A_93 = arith.constant 0 : i32
      %dma_start3A_94 = arith.constant 0 : i32
      %dma_start3A_95 = tpu.memref_slice %arg11[%dma_start3A_93, %dma_start3A_94] : memref<72x128xf32, #tpu.memory_space<vmem>> -> memref<72x128xf32, #tpu.memory_space<vmem>>
      %dma_start3A_96 = arith.constant 0 : i32
      %dma_start3A_97 = tpu.memref_slice %arg6[%add3A_91, %dma_start3A_96] : memref<115200x128xf32, #tpu.memory_space<hbm>> -> memref<72x128xf32, #tpu.memory_space<hbm>>
      %dma_start3A_98 = arith.constant 0 : i32
      %dma_start3A_99 = tpu.memref_slice %arg6[%add3A_91, %dma_start3A_98] : memref<115200x128xf32, #tpu.memory_space<hbm>> -> memref<72x128xf32, #tpu.memory_space<hbm>>
      %dma_start3A_100 = arith.constant 0 : i32
      %dma_start3A_101 = arith.constant 0 : i32
      %dma_start3A_102 = tpu.memref_slice %arg11[%dma_start3A_100, %dma_start3A_101] : memref<72x128xf32, #tpu.memory_space<vmem>> -> memref<72x128xf32, #tpu.memory_space<vmem>>
      tpu.enqueue_dma source(%dma_start3A_102 : memref<72x128xf32, #tpu.memory_space<vmem>>) target(%dma_start3A_99 : memref<72x128xf32, #tpu.memory_space<hbm>>) target_semaphore(%run_scoped3A : memref<!tpu.dma_semaphore, #tpu.memory_space<semaphore_mem>>)
      %dma_wait3A_103 = arith.constant 0 : i32
      %dma_wait3A_104 = arith.constant 0 : i32
      %dma_wait3A_105 = tpu.memref_slice %arg11[%dma_wait3A_103, %dma_wait3A_104] : memref<72x128xf32, #tpu.memory_space<vmem>> -> memref<72x128xf32, #tpu.memory_space<vmem>>
      %dma_wait3A_106 = arith.constant 0 : i32
      %dma_wait3A_107 = tpu.memref_slice %arg6[%add3A_91, %dma_wait3A_106] : memref<115200x128xf32, #tpu.memory_space<hbm>> -> memref<72x128xf32, #tpu.memory_space<hbm>>
      %dma_wait3A_108 = arith.constant 0 : i32
      %dma_wait3A_109 = tpu.memref_slice %arg6[%add3A_91, %dma_wait3A_108] : memref<115200x128xf32, #tpu.memory_space<hbm>> -> memref<72x128xf32, #tpu.memory_space<hbm>>
      %dma_wait3A_110 = arith.constant 0 : i32
      %dma_wait3A_111 = arith.constant 0 : i32
      %dma_wait3A_112 = tpu.memref_slice %arg11[%dma_wait3A_110, %dma_wait3A_111] : memref<72x128xf32, #tpu.memory_space<vmem>> -> memref<72x128xf32, #tpu.memory_space<vmem>>
      tpu.wait_dma2 semaphore(%run_scoped3A : memref<!tpu.dma_semaphore, #tpu.memory_space<semaphore_mem>>) src(%dma_wait3A_112 : memref<72x128xf32, #tpu.memory_space<vmem>>) dst(%dma_wait3A_109 : memref<72x128xf32, #tpu.memory_space<hbm>>)
      tpu.yield
    }) : () -> ()
    %add3A_92 = arith.addi %mul3A_2, %multiple_of3A_90 : i32
    "tpu.region"() ({
      %run_scoped3A = tpu.sem_alloc : memref<!tpu.dma_semaphore, #tpu.memory_space<semaphore_mem>>
      %dma_start3A_93 = arith.constant 0 : i32
      %dma_start3A_94 = arith.constant 0 : i32
      %dma_start3A_95 = tpu.memref_slice %arg13[%dma_start3A_93, %dma_start3A_94] : memref<72x16xf32, #tpu.memory_space<vmem>> -> memref<72x16xf32, #tpu.memory_space<vmem>>
      %dma_start3A_96 = arith.constant 0 : i32
      %dma_start3A_97 = tpu.memref_slice %arg7[%add3A_92, %dma_start3A_96] : memref<115200x16xf32, #tpu.memory_space<hbm>> -> memref<72x16xf32, #tpu.memory_space<hbm>>
      %dma_start3A_98 = arith.constant 0 : i32
      %dma_start3A_99 = tpu.memref_slice %arg7[%add3A_92, %dma_start3A_98] : memref<115200x16xf32, #tpu.memory_space<hbm>> -> memref<72x16xf32, #tpu.memory_space<hbm>>
      %dma_start3A_100 = arith.constant 0 : i32
      %dma_start3A_101 = arith.constant 0 : i32
      %dma_start3A_102 = tpu.memref_slice %arg13[%dma_start3A_100, %dma_start3A_101] : memref<72x16xf32, #tpu.memory_space<vmem>> -> memref<72x16xf32, #tpu.memory_space<vmem>>
      tpu.enqueue_dma source(%dma_start3A_102 : memref<72x16xf32, #tpu.memory_space<vmem>>) target(%dma_start3A_99 : memref<72x16xf32, #tpu.memory_space<hbm>>) target_semaphore(%run_scoped3A : memref<!tpu.dma_semaphore, #tpu.memory_space<semaphore_mem>>)
      %dma_wait3A_103 = arith.constant 0 : i32
      %dma_wait3A_104 = arith.constant 0 : i32
      %dma_wait3A_105 = tpu.memref_slice %arg13[%dma_wait3A_103, %dma_wait3A_104] : memref<72x16xf32, #tpu.memory_space<vmem>> -> memref<72x16xf32, #tpu.memory_space<vmem>>
      %dma_wait3A_106 = arith.constant 0 : i32
      %dma_wait3A_107 = tpu.memref_slice %arg7[%add3A_92, %dma_wait3A_106] : memref<115200x16xf32, #tpu.memory_space<hbm>> -> memref<72x16xf32, #tpu.memory_space<hbm>>
      %dma_wait3A_108 = arith.constant 0 : i32
      %dma_wait3A_109 = tpu.memref_slice %arg7[%add3A_92, %dma_wait3A_108] : memref<115200x16xf32, #tpu.memory_space<hbm>> -> memref<72x16xf32, #tpu.memory_space<hbm>>
      %dma_wait3A_110 = arith.constant 0 : i32
      %dma_wait3A_111 = arith.constant 0 : i32
      %dma_wait3A_112 = tpu.memref_slice %arg13[%dma_wait3A_110, %dma_wait3A_111] : memref<72x16xf32, #tpu.memory_space<vmem>> -> memref<72x16xf32, #tpu.memory_space<vmem>>
      tpu.wait_dma2 semaphore(%run_scoped3A : memref<!tpu.dma_semaphore, #tpu.memory_space<semaphore_mem>>) src(%dma_wait3A_112 : memref<72x16xf32, #tpu.memory_space<vmem>>) dst(%dma_wait3A_109 : memref<72x16xf32, #tpu.memory_space<hbm>>)
      tpu.yield
    }) : () -> ()
    return
  }
}

module attributes {stable_mosaic.version = 14 : i64} {
  func.func @_tc_body(%arg0: i32, %arg1: memref<2x2x400x128xf32, #tpu.memory_space<vmem>>, %arg2: memref<2x16x400x128xf32, #tpu.memory_space<vmem>>, %arg3: memref<2x400x16xf32, #tpu.memory_space<vmem>>, %arg4: memref<16x1024xf32, #tpu.memory_space<vmem>>, %arg5: memref<256x1024xbf16, #tpu.memory_space<vmem>>, %arg6: memref<400x1xf32, #tpu.memory_space<vmem>>, %arg7: memref<400x1xf32, #tpu.memory_space<vmem>>, %arg8: memref<2048x1024xbf16, #tpu.memory_space<vmem>>, %arg9: memref<1x2048xf32, #tpu.memory_space<vmem>>, %arg10: memref<400x1xf32, #tpu.memory_space<vmem>>, %arg11: memref<400x1xf32, #tpu.memory_space<vmem>>, %arg12: memref<2x400x128xf32, #tpu.memory_space<vmem>>) attributes {dimension_semantics = [#tpu.dimension_semantics<arbitrary>], iteration_bounds = array<i64: 9>, scalar_prefetch = 0 : i64, scratch_operands = 0 : i64, tpu.core_type = #tpu.core_type<tc>, window_params = [{transform_indices = @transform_0, window_bounds = array<i64: 2, 2, 400, 128>}, {transform_indices = @transform_1, window_bounds = array<i64: 2, 16, 400, 128>}, {transform_indices = @transform_2, window_bounds = array<i64: 2, 400, 16>}, {pipeline_mode = #tpu.pipeline_mode<synchronous>, transform_indices = @transform_3, window_bounds = array<i64: 16, 1024>}, {pipeline_mode = #tpu.pipeline_mode<synchronous>, transform_indices = @transform_4, window_bounds = array<i64: 256, 1024>}, {transform_indices = @transform_5, window_bounds = array<i64: 400, 1>}, {transform_indices = @transform_6, window_bounds = array<i64: 400, 1>}, {pipeline_mode = #tpu.pipeline_mode<synchronous>, transform_indices = @transform_7, window_bounds = array<i64: 2048, 1024>}, {pipeline_mode = #tpu.pipeline_mode<synchronous>, transform_indices = @transform_8, window_bounds = array<i64: 1, 2048>}, {transform_indices = @transform_9, window_bounds = array<i64: 400, 1>}, {transform_indices = @transform_10, window_bounds = array<i64: 400, 1>}, {transform_indices = @transform_11, window_bounds = array<i64: 2, 400, 128>}]} {
    %get3A = arith.constant 0 : index
    %get3A_0 = arith.constant 0 : index
    %get3A_1 = arith.constant 0 : index
    %get3A_2 = vector.load %arg3[%get3A, %get3A_0, %get3A_1] : memref<2x400x16xf32, #tpu.memory_space<vmem>>, vector<2x400x16xf32>
    %reshape3A = vector.shape_cast %get3A_2 : vector<2x400x16xf32> to vector<800x16xf32>
    %get3A_3 = arith.constant 0 : index
    %get3A_4 = arith.constant 0 : index
    %get3A_5 = arith.constant 0 : index
    %get3A_6 = arith.constant 0 : index
    %get3A_7 = vector.load %arg1[%get3A_3, %get3A_4, %get3A_5, %get3A_6] : memref<2x2x400x128xf32, #tpu.memory_space<vmem>>, vector<2x1x400x128xf32>
    %get3A_8 = vector.shape_cast %get3A_7 : vector<2x1x400x128xf32> to vector<2x400x128xf32>
    %reshape3A_9 = vector.shape_cast %get3A_8 : vector<2x400x128xf32> to vector<800x128xf32>
    %convert_element_type3A = arith.truncf %reshape3A_9 : vector<800x128xf32> to vector<800x128xbf16>
    %get3A_10 = arith.constant 0 : index
    %get3A_11 = arith.constant 1 : index
    %get3A_12 = arith.constant 0 : index
    %get3A_13 = arith.constant 0 : index
    %get3A_14 = vector.load %arg1[%get3A_10, %get3A_11, %get3A_12, %get3A_13] : memref<2x2x400x128xf32, #tpu.memory_space<vmem>>, vector<2x1x400x128xf32>
    %get3A_15 = vector.shape_cast %get3A_14 : vector<2x1x400x128xf32> to vector<2x400x128xf32>
    %reshape3A_16 = vector.shape_cast %get3A_15 : vector<2x400x128xf32> to vector<800x128xf32>
    %convert_element_type3A_17 = arith.truncf %reshape3A_16 : vector<800x128xf32> to vector<800x128xbf16>
    %get3A_18 = arith.constant 0 : index
    %get3A_19 = arith.constant 0 : index
    %get3A_20 = vector.load %arg4[%get3A_18, %get3A_19] : memref<16x1024xf32, #tpu.memory_space<vmem>>, vector<16x1024xf32>
    %dot_general3A = arith.constant dense<0.000000e+00> : vector<800x1024xf32>
    %dot_general3A_21 = tpu.matmul %reshape3A, %get3A_20, %dot_general3A {dimension_numbers = #tpu.dot_dimension_numbers<[1], [0], [0], [1], [0, 0, 1, 1], [], []>, transpose_lhs_hint = false} : vector<800x16xf32>, vector<16x1024xf32>, vector<800x1024xf32> -> vector<800x1024xf32>
    %get3A_22 = arith.constant 0 : index
    %get3A_23 = arith.constant 0 : index
    %get3A_24 = vector.load %arg5[%get3A_22, %get3A_23] : memref<256x1024xbf16, #tpu.memory_space<vmem>>, vector<128x1024xbf16>
    %dot_general3A_25 = arith.constant dense<0.000000e+00> : vector<800x1024xf32>
    %dot_general3A_26 = tpu.matmul %convert_element_type3A, %get3A_24, %dot_general3A_25 {dimension_numbers = #tpu.dot_dimension_numbers<[1], [0], [0], [1], [0, 0, 1, 1], [], []>, transpose_lhs_hint = false} : vector<800x128xbf16>, vector<128x1024xbf16>, vector<800x1024xf32> -> vector<800x1024xf32>
    %get3A_27 = arith.constant 128 : index
    %get3A_28 = arith.constant 0 : index
    %get3A_29 = vector.load %arg5[%get3A_27, %get3A_28] : memref<256x1024xbf16, #tpu.memory_space<vmem>>, vector<128x1024xbf16>
    %dot_general3A_30 = arith.constant dense<0.000000e+00> : vector<800x1024xf32>
    %dot_general3A_31 = tpu.matmul %convert_element_type3A_17, %get3A_29, %dot_general3A_30 {dimension_numbers = #tpu.dot_dimension_numbers<[1], [0], [0], [1], [0, 0, 1, 1], [], []>, transpose_lhs_hint = false} : vector<800x128xbf16>, vector<128x1024xbf16>, vector<800x1024xf32> -> vector<800x1024xf32>
    %add3A = arith.addf %dot_general3A_26, %dot_general3A_31 : vector<800x1024xf32>
    %sub3A = arith.subf %dot_general3A_21, %add3A : vector<800x1024xf32>
    %reshape3A_32 = vector.shape_cast %sub3A : vector<800x1024xf32> to vector<2x400x1024xf32>
    %reduce_sum3A = arith.constant dense<0.000000e+00> : vector<400xf32>
    %reduce_sum3A_33 = vector.multi_reduction <add>, %reshape3A_32, %reduce_sum3A [0, 2] : vector<2x400x1024xf32> to vector<400xf32>
    %broadcast_in_dim3A = vector.shape_cast %reduce_sum3A_33 : vector<400xf32> to vector<1x400x1xf32>
    %div3A = arith.constant 2.048000e+03 : f32
    %div3A_34 = vector.broadcast %div3A : f32 to vector<1x400x1xf32>
    %div3A_35 = arith.divf %broadcast_in_dim3A, %div3A_34 : vector<1x400x1xf32>
    %mul3A = arith.mulf %reshape3A_32, %reshape3A_32 : vector<2x400x1024xf32>
    %reduce_sum3A_36 = arith.constant dense<0.000000e+00> : vector<400xf32>
    %reduce_sum3A_37 = vector.multi_reduction <add>, %mul3A, %reduce_sum3A_36 [0, 2] : vector<2x400x1024xf32> to vector<400xf32>
    %broadcast_in_dim3A_38 = vector.shape_cast %reduce_sum3A_37 : vector<400xf32> to vector<1x400x1xf32>
    %div3A_39 = arith.constant 2.048000e+03 : f32
    %div3A_40 = vector.broadcast %div3A_39 : f32 to vector<1x400x1xf32>
    %div3A_41 = arith.divf %broadcast_in_dim3A_38, %div3A_40 : vector<1x400x1xf32>
    %mul3A_42 = arith.mulf %div3A_35, %div3A_35 : vector<1x400x1xf32>
    %sub3A_43 = arith.subf %div3A_41, %mul3A_42 : vector<1x400x1xf32>
    %add3A_44 = arith.constant 9.99999974E-6 : f32
    %add3A_45 = vector.broadcast %add3A_44 : f32 to vector<1x400x1xf32>
    %add3A_46 = arith.addf %sub3A_43, %add3A_45 : vector<1x400x1xf32>
    %rsqrt3A = math.rsqrt %add3A_46 : vector<1x400x1xf32>
    %get3A_47 = arith.constant 0 : index
    %get3A_48 = arith.constant 0 : index
    %get3A_49 = vector.load %arg6[%get3A_47, %get3A_48] : memref<400x1xf32, #tpu.memory_space<vmem>>, vector<400x1xf32>
    %broadcast_in_dim3A_50 = vector.shape_cast %get3A_49 : vector<400x1xf32> to vector<1x400x1xf32>
    %mul3A_51 = arith.mulf %rsqrt3A, %broadcast_in_dim3A_50 : vector<1x400x1xf32>
    %get3A_52 = arith.constant 0 : index
    %get3A_53 = arith.constant 0 : index
    %get3A_54 = vector.load %arg7[%get3A_52, %get3A_53] : memref<400x1xf32, #tpu.memory_space<vmem>>, vector<400x1xf32>
    %broadcast_in_dim3A_55 = vector.shape_cast %get3A_54 : vector<400x1xf32> to vector<1x400x1xf32>
    %mul3A_56 = arith.mulf %div3A_35, %mul3A_51 : vector<1x400x1xf32>
    %sub3A_57 = arith.subf %broadcast_in_dim3A_55, %mul3A_56 : vector<1x400x1xf32>
    %mul3A_58 = vector.broadcast %mul3A_51 : vector<1x400x1xf32> to vector<2x400x1024xf32>
    %mul3A_59 = arith.mulf %reshape3A_32, %mul3A_58 : vector<2x400x1024xf32>
    %add3A_60 = vector.broadcast %sub3A_57 : vector<1x400x1xf32> to vector<2x400x1024xf32>
    %add3A_61 = arith.addf %mul3A_59, %add3A_60 : vector<2x400x1024xf32>
    %max3A = arith.constant 0.000000e+00 : f32
    %max3A_62 = vector.broadcast %max3A : f32 to vector<2x400x1024xf32>
    %max3A_63 = arith.maximumf %add3A_61, %max3A_62 : vector<2x400x1024xf32>
    %convert_element_type3A_64 = arith.truncf %max3A_63 : vector<2x400x1024xf32> to vector<2x400x1024xbf16>
    %reshape3A_65 = vector.shape_cast %convert_element_type3A_64 : vector<2x400x1024xbf16> to vector<800x1024xbf16>
    %get3A_66 = arith.constant 0 : index
    %get3A_67 = arith.constant 0 : index
    %get3A_68 = vector.load %arg8[%get3A_66, %get3A_67] : memref<2048x1024xbf16, #tpu.memory_space<vmem>>, vector<2048x1024xbf16>
    %dot_general3A_69 = arith.constant dense<0.000000e+00> : vector<800x2048xf32>
    %dot_general3A_70 = tpu.matmul %reshape3A_65, %get3A_68, %dot_general3A_69 {dimension_numbers = #tpu.dot_dimension_numbers<[1], [1], [0], [0], [0, 0, 1, 0], [], []>, transpose_lhs_hint = false} : vector<800x1024xbf16>, vector<2048x1024xbf16>, vector<800x2048xf32> -> vector<800x2048xf32>
    %get3A_71 = arith.constant 0 : index
    %get3A_72 = arith.constant 0 : index
    %get3A_73 = vector.load %arg9[%get3A_71, %get3A_72] : memref<1x2048xf32, #tpu.memory_space<vmem>>, vector<1x2048xf32>
    %add3A_74 = vector.broadcast %get3A_73 : vector<1x2048xf32> to vector<800x2048xf32>
    %add3A_75 = arith.addf %dot_general3A_70, %add3A_74 : vector<800x2048xf32>
    %reshape3A_76 = vector.shape_cast %add3A_75 : vector<800x2048xf32> to vector<2x400x2048xf32>
    %reduce_sum3A_77 = arith.constant dense<0.000000e+00> : vector<400xf32>
    %reduce_sum3A_78 = vector.multi_reduction <add>, %reshape3A_76, %reduce_sum3A_77 [0, 2] : vector<2x400x2048xf32> to vector<400xf32>
    %broadcast_in_dim3A_79 = vector.shape_cast %reduce_sum3A_78 : vector<400xf32> to vector<1x400x1xf32>
    %div3A_80 = arith.constant 4.096000e+03 : f32
    %div3A_81 = vector.broadcast %div3A_80 : f32 to vector<1x400x1xf32>
    %div3A_82 = arith.divf %broadcast_in_dim3A_79, %div3A_81 : vector<1x400x1xf32>
    %mul3A_83 = arith.mulf %reshape3A_76, %reshape3A_76 : vector<2x400x2048xf32>
    %reduce_sum3A_84 = arith.constant dense<0.000000e+00> : vector<400xf32>
    %reduce_sum3A_85 = vector.multi_reduction <add>, %mul3A_83, %reduce_sum3A_84 [0, 2] : vector<2x400x2048xf32> to vector<400xf32>
    %broadcast_in_dim3A_86 = vector.shape_cast %reduce_sum3A_85 : vector<400xf32> to vector<1x400x1xf32>
    %div3A_87 = arith.constant 4.096000e+03 : f32
    %div3A_88 = vector.broadcast %div3A_87 : f32 to vector<1x400x1xf32>
    %div3A_89 = arith.divf %broadcast_in_dim3A_86, %div3A_88 : vector<1x400x1xf32>
    %mul3A_90 = arith.mulf %div3A_82, %div3A_82 : vector<1x400x1xf32>
    %sub3A_91 = arith.subf %div3A_89, %mul3A_90 : vector<1x400x1xf32>
    %add3A_92 = arith.constant 9.99999974E-6 : f32
    %add3A_93 = vector.broadcast %add3A_92 : f32 to vector<1x400x1xf32>
    %add3A_94 = arith.addf %sub3A_91, %add3A_93 : vector<1x400x1xf32>
    %rsqrt3A_95 = math.rsqrt %add3A_94 : vector<1x400x1xf32>
    %get3A_96 = arith.constant 0 : index
    %get3A_97 = arith.constant 0 : index
    %get3A_98 = vector.load %arg10[%get3A_96, %get3A_97] : memref<400x1xf32, #tpu.memory_space<vmem>>, vector<400x1xf32>
    %broadcast_in_dim3A_99 = vector.shape_cast %get3A_98 : vector<400x1xf32> to vector<1x400x1xf32>
    %mul3A_100 = arith.mulf %rsqrt3A_95, %broadcast_in_dim3A_99 : vector<1x400x1xf32>
    %get3A_101 = arith.constant 0 : index
    %get3A_102 = arith.constant 0 : index
    %get3A_103 = vector.load %arg11[%get3A_101, %get3A_102] : memref<400x1xf32, #tpu.memory_space<vmem>>, vector<400x1xf32>
    %broadcast_in_dim3A_104 = vector.shape_cast %get3A_103 : vector<400x1xf32> to vector<1x400x1xf32>
    %mul3A_105 = arith.mulf %div3A_82, %mul3A_100 : vector<1x400x1xf32>
    %sub3A_106 = arith.subf %broadcast_in_dim3A_104, %mul3A_105 : vector<1x400x1xf32>
    %broadcast_in_dim3A_107 = arith.constant 0.000000e+00 : f32
    %broadcast_in_dim3A_108 = vector.broadcast %broadcast_in_dim3A_107 : f32 to vector<2x400x128xf32>
    %slice3A = vector.extract_strided_slice %reshape3A_76 {offsets = [0, 0, 0], sizes = [2, 400, 128], strides = [1, 1, 1]} : vector<2x400x2048xf32> to vector<2x400x128xf32>
    %mul3A_109 = vector.broadcast %mul3A_100 : vector<1x400x1xf32> to vector<2x400x128xf32>
    %mul3A_110 = arith.mulf %slice3A, %mul3A_109 : vector<2x400x128xf32>
    %add3A_111 = vector.broadcast %sub3A_106 : vector<1x400x1xf32> to vector<2x400x128xf32>
    %add3A_112 = arith.addf %mul3A_110, %add3A_111 : vector<2x400x128xf32>
    %max3A_113 = arith.constant 0.000000e+00 : f32
    %max3A_114 = vector.broadcast %max3A_113 : f32 to vector<2x400x128xf32>
    %max3A_115 = arith.maximumf %add3A_112, %max3A_114 : vector<2x400x128xf32>
    %get3A_116 = arith.constant 0 : index
    %get3A_117 = arith.constant 0 : index
    %get3A_118 = arith.constant 0 : index
    %get3A_119 = arith.constant 0 : index
    %get3A_120 = vector.load %arg2[%get3A_116, %get3A_117, %get3A_118, %get3A_119] : memref<2x16x400x128xf32, #tpu.memory_space<vmem>>, vector<2x1x400x128xf32>
    %get3A_121 = vector.shape_cast %get3A_120 : vector<2x1x400x128xf32> to vector<2x400x128xf32>
    %mul3A_122 = arith.mulf %max3A_115, %get3A_121 : vector<2x400x128xf32>
    %add3A_123 = arith.addf %broadcast_in_dim3A_108, %mul3A_122 : vector<2x400x128xf32>
    %slice3A_124 = vector.extract_strided_slice %reshape3A_76 {offsets = [0, 0, 128], sizes = [2, 400, 128], strides = [1, 1, 1]} : vector<2x400x2048xf32> to vector<2x400x128xf32>
    %mul3A_125 = vector.broadcast %mul3A_100 : vector<1x400x1xf32> to vector<2x400x128xf32>
    %mul3A_126 = arith.mulf %slice3A_124, %mul3A_125 : vector<2x400x128xf32>
    %add3A_127 = vector.broadcast %sub3A_106 : vector<1x400x1xf32> to vector<2x400x128xf32>
    %add3A_128 = arith.addf %mul3A_126, %add3A_127 : vector<2x400x128xf32>
    %max3A_129 = arith.constant 0.000000e+00 : f32
    %max3A_130 = vector.broadcast %max3A_129 : f32 to vector<2x400x128xf32>
    %max3A_131 = arith.maximumf %add3A_128, %max3A_130 : vector<2x400x128xf32>
    %get3A_132 = arith.constant 0 : index
    %get3A_133 = arith.constant 1 : index
    %get3A_134 = arith.constant 0 : index
    %get3A_135 = arith.constant 0 : index
    %get3A_136 = vector.load %arg2[%get3A_132, %get3A_133, %get3A_134, %get3A_135] : memref<2x16x400x128xf32, #tpu.memory_space<vmem>>, vector<2x1x400x128xf32>
    %get3A_137 = vector.shape_cast %get3A_136 : vector<2x1x400x128xf32> to vector<2x400x128xf32>
    %mul3A_138 = arith.mulf %max3A_131, %get3A_137 : vector<2x400x128xf32>
    %add3A_139 = arith.addf %add3A_123, %mul3A_138 : vector<2x400x128xf32>
    %slice3A_140 = vector.extract_strided_slice %reshape3A_76 {offsets = [0, 0, 256], sizes = [2, 400, 128], strides = [1, 1, 1]} : vector<2x400x2048xf32> to vector<2x400x128xf32>
    %mul3A_141 = vector.broadcast %mul3A_100 : vector<1x400x1xf32> to vector<2x400x128xf32>
    %mul3A_142 = arith.mulf %slice3A_140, %mul3A_141 : vector<2x400x128xf32>
    %add3A_143 = vector.broadcast %sub3A_106 : vector<1x400x1xf32> to vector<2x400x128xf32>
    %add3A_144 = arith.addf %mul3A_142, %add3A_143 : vector<2x400x128xf32>
    %max3A_145 = arith.constant 0.000000e+00 : f32
    %max3A_146 = vector.broadcast %max3A_145 : f32 to vector<2x400x128xf32>
    %max3A_147 = arith.maximumf %add3A_144, %max3A_146 : vector<2x400x128xf32>
    %get3A_148 = arith.constant 0 : index
    %get3A_149 = arith.constant 2 : index
    %get3A_150 = arith.constant 0 : index
    %get3A_151 = arith.constant 0 : index
    %get3A_152 = vector.load %arg2[%get3A_148, %get3A_149, %get3A_150, %get3A_151] : memref<2x16x400x128xf32, #tpu.memory_space<vmem>>, vector<2x1x400x128xf32>
    %get3A_153 = vector.shape_cast %get3A_152 : vector<2x1x400x128xf32> to vector<2x400x128xf32>
    %mul3A_154 = arith.mulf %max3A_147, %get3A_153 : vector<2x400x128xf32>
    %add3A_155 = arith.addf %add3A_139, %mul3A_154 : vector<2x400x128xf32>
    %slice3A_156 = vector.extract_strided_slice %reshape3A_76 {offsets = [0, 0, 384], sizes = [2, 400, 128], strides = [1, 1, 1]} : vector<2x400x2048xf32> to vector<2x400x128xf32>
    %mul3A_157 = vector.broadcast %mul3A_100 : vector<1x400x1xf32> to vector<2x400x128xf32>
    %mul3A_158 = arith.mulf %slice3A_156, %mul3A_157 : vector<2x400x128xf32>
    %add3A_159 = vector.broadcast %sub3A_106 : vector<1x400x1xf32> to vector<2x400x128xf32>
    %add3A_160 = arith.addf %mul3A_158, %add3A_159 : vector<2x400x128xf32>
    %max3A_161 = arith.constant 0.000000e+00 : f32
    %max3A_162 = vector.broadcast %max3A_161 : f32 to vector<2x400x128xf32>
    %max3A_163 = arith.maximumf %add3A_160, %max3A_162 : vector<2x400x128xf32>
    %get3A_164 = arith.constant 0 : index
    %get3A_165 = arith.constant 3 : index
    %get3A_166 = arith.constant 0 : index
    %get3A_167 = arith.constant 0 : index
    %get3A_168 = vector.load %arg2[%get3A_164, %get3A_165, %get3A_166, %get3A_167] : memref<2x16x400x128xf32, #tpu.memory_space<vmem>>, vector<2x1x400x128xf32>
    %get3A_169 = vector.shape_cast %get3A_168 : vector<2x1x400x128xf32> to vector<2x400x128xf32>
    %mul3A_170 = arith.mulf %max3A_163, %get3A_169 : vector<2x400x128xf32>
    %add3A_171 = arith.addf %add3A_155, %mul3A_170 : vector<2x400x128xf32>
    %slice3A_172 = vector.extract_strided_slice %reshape3A_76 {offsets = [0, 0, 512], sizes = [2, 400, 128], strides = [1, 1, 1]} : vector<2x400x2048xf32> to vector<2x400x128xf32>
    %mul3A_173 = vector.broadcast %mul3A_100 : vector<1x400x1xf32> to vector<2x400x128xf32>
    %mul3A_174 = arith.mulf %slice3A_172, %mul3A_173 : vector<2x400x128xf32>
    %add3A_175 = vector.broadcast %sub3A_106 : vector<1x400x1xf32> to vector<2x400x128xf32>
    %add3A_176 = arith.addf %mul3A_174, %add3A_175 : vector<2x400x128xf32>
    %max3A_177 = arith.constant 0.000000e+00 : f32
    %max3A_178 = vector.broadcast %max3A_177 : f32 to vector<2x400x128xf32>
    %max3A_179 = arith.maximumf %add3A_176, %max3A_178 : vector<2x400x128xf32>
    %get3A_180 = arith.constant 0 : index
    %get3A_181 = arith.constant 4 : index
    %get3A_182 = arith.constant 0 : index
    %get3A_183 = arith.constant 0 : index
    %get3A_184 = vector.load %arg2[%get3A_180, %get3A_181, %get3A_182, %get3A_183] : memref<2x16x400x128xf32, #tpu.memory_space<vmem>>, vector<2x1x400x128xf32>
    %get3A_185 = vector.shape_cast %get3A_184 : vector<2x1x400x128xf32> to vector<2x400x128xf32>
    %mul3A_186 = arith.mulf %max3A_179, %get3A_185 : vector<2x400x128xf32>
    %add3A_187 = arith.addf %add3A_171, %mul3A_186 : vector<2x400x128xf32>
    %slice3A_188 = vector.extract_strided_slice %reshape3A_76 {offsets = [0, 0, 640], sizes = [2, 400, 128], strides = [1, 1, 1]} : vector<2x400x2048xf32> to vector<2x400x128xf32>
    %mul3A_189 = vector.broadcast %mul3A_100 : vector<1x400x1xf32> to vector<2x400x128xf32>
    %mul3A_190 = arith.mulf %slice3A_188, %mul3A_189 : vector<2x400x128xf32>
    %add3A_191 = vector.broadcast %sub3A_106 : vector<1x400x1xf32> to vector<2x400x128xf32>
    %add3A_192 = arith.addf %mul3A_190, %add3A_191 : vector<2x400x128xf32>
    %max3A_193 = arith.constant 0.000000e+00 : f32
    %max3A_194 = vector.broadcast %max3A_193 : f32 to vector<2x400x128xf32>
    %max3A_195 = arith.maximumf %add3A_192, %max3A_194 : vector<2x400x128xf32>
    %get3A_196 = arith.constant 0 : index
    %get3A_197 = arith.constant 5 : index
    %get3A_198 = arith.constant 0 : index
    %get3A_199 = arith.constant 0 : index
    %get3A_200 = vector.load %arg2[%get3A_196, %get3A_197, %get3A_198, %get3A_199] : memref<2x16x400x128xf32, #tpu.memory_space<vmem>>, vector<2x1x400x128xf32>
    %get3A_201 = vector.shape_cast %get3A_200 : vector<2x1x400x128xf32> to vector<2x400x128xf32>
    %mul3A_202 = arith.mulf %max3A_195, %get3A_201 : vector<2x400x128xf32>
    %add3A_203 = arith.addf %add3A_187, %mul3A_202 : vector<2x400x128xf32>
    %slice3A_204 = vector.extract_strided_slice %reshape3A_76 {offsets = [0, 0, 768], sizes = [2, 400, 128], strides = [1, 1, 1]} : vector<2x400x2048xf32> to vector<2x400x128xf32>
    %mul3A_205 = vector.broadcast %mul3A_100 : vector<1x400x1xf32> to vector<2x400x128xf32>
    %mul3A_206 = arith.mulf %slice3A_204, %mul3A_205 : vector<2x400x128xf32>
    %add3A_207 = vector.broadcast %sub3A_106 : vector<1x400x1xf32> to vector<2x400x128xf32>
    %add3A_208 = arith.addf %mul3A_206, %add3A_207 : vector<2x400x128xf32>
    %max3A_209 = arith.constant 0.000000e+00 : f32
    %max3A_210 = vector.broadcast %max3A_209 : f32 to vector<2x400x128xf32>
    %max3A_211 = arith.maximumf %add3A_208, %max3A_210 : vector<2x400x128xf32>
    %get3A_212 = arith.constant 0 : index
    %get3A_213 = arith.constant 6 : index
    %get3A_214 = arith.constant 0 : index
    %get3A_215 = arith.constant 0 : index
    %get3A_216 = vector.load %arg2[%get3A_212, %get3A_213, %get3A_214, %get3A_215] : memref<2x16x400x128xf32, #tpu.memory_space<vmem>>, vector<2x1x400x128xf32>
    %get3A_217 = vector.shape_cast %get3A_216 : vector<2x1x400x128xf32> to vector<2x400x128xf32>
    %mul3A_218 = arith.mulf %max3A_211, %get3A_217 : vector<2x400x128xf32>
    %add3A_219 = arith.addf %add3A_203, %mul3A_218 : vector<2x400x128xf32>
    %slice3A_220 = vector.extract_strided_slice %reshape3A_76 {offsets = [0, 0, 896], sizes = [2, 400, 128], strides = [1, 1, 1]} : vector<2x400x2048xf32> to vector<2x400x128xf32>
    %mul3A_221 = vector.broadcast %mul3A_100 : vector<1x400x1xf32> to vector<2x400x128xf32>
    %mul3A_222 = arith.mulf %slice3A_220, %mul3A_221 : vector<2x400x128xf32>
    %add3A_223 = vector.broadcast %sub3A_106 : vector<1x400x1xf32> to vector<2x400x128xf32>
    %add3A_224 = arith.addf %mul3A_222, %add3A_223 : vector<2x400x128xf32>
    %max3A_225 = arith.constant 0.000000e+00 : f32
    %max3A_226 = vector.broadcast %max3A_225 : f32 to vector<2x400x128xf32>
    %max3A_227 = arith.maximumf %add3A_224, %max3A_226 : vector<2x400x128xf32>
    %get3A_228 = arith.constant 0 : index
    %get3A_229 = arith.constant 7 : index
    %get3A_230 = arith.constant 0 : index
    %get3A_231 = arith.constant 0 : index
    %get3A_232 = vector.load %arg2[%get3A_228, %get3A_229, %get3A_230, %get3A_231] : memref<2x16x400x128xf32, #tpu.memory_space<vmem>>, vector<2x1x400x128xf32>
    %get3A_233 = vector.shape_cast %get3A_232 : vector<2x1x400x128xf32> to vector<2x400x128xf32>
    %mul3A_234 = arith.mulf %max3A_227, %get3A_233 : vector<2x400x128xf32>
    %add3A_235 = arith.addf %add3A_219, %mul3A_234 : vector<2x400x128xf32>
    %slice3A_236 = vector.extract_strided_slice %reshape3A_76 {offsets = [0, 0, 1024], sizes = [2, 400, 128], strides = [1, 1, 1]} : vector<2x400x2048xf32> to vector<2x400x128xf32>
    %mul3A_237 = vector.broadcast %mul3A_100 : vector<1x400x1xf32> to vector<2x400x128xf32>
    %mul3A_238 = arith.mulf %slice3A_236, %mul3A_237 : vector<2x400x128xf32>
    %add3A_239 = vector.broadcast %sub3A_106 : vector<1x400x1xf32> to vector<2x400x128xf32>
    %add3A_240 = arith.addf %mul3A_238, %add3A_239 : vector<2x400x128xf32>
    %max3A_241 = arith.constant 0.000000e+00 : f32
    %max3A_242 = vector.broadcast %max3A_241 : f32 to vector<2x400x128xf32>
    %max3A_243 = arith.maximumf %add3A_240, %max3A_242 : vector<2x400x128xf32>
    %get3A_244 = arith.constant 0 : index
    %get3A_245 = arith.constant 8 : index
    %get3A_246 = arith.constant 0 : index
    %get3A_247 = arith.constant 0 : index
    %get3A_248 = vector.load %arg2[%get3A_244, %get3A_245, %get3A_246, %get3A_247] : memref<2x16x400x128xf32, #tpu.memory_space<vmem>>, vector<2x1x400x128xf32>
    %get3A_249 = vector.shape_cast %get3A_248 : vector<2x1x400x128xf32> to vector<2x400x128xf32>
    %mul3A_250 = arith.mulf %max3A_243, %get3A_249 : vector<2x400x128xf32>
    %add3A_251 = arith.addf %add3A_235, %mul3A_250 : vector<2x400x128xf32>
    %slice3A_252 = vector.extract_strided_slice %reshape3A_76 {offsets = [0, 0, 1152], sizes = [2, 400, 128], strides = [1, 1, 1]} : vector<2x400x2048xf32> to vector<2x400x128xf32>
    %mul3A_253 = vector.broadcast %mul3A_100 : vector<1x400x1xf32> to vector<2x400x128xf32>
    %mul3A_254 = arith.mulf %slice3A_252, %mul3A_253 : vector<2x400x128xf32>
    %add3A_255 = vector.broadcast %sub3A_106 : vector<1x400x1xf32> to vector<2x400x128xf32>
    %add3A_256 = arith.addf %mul3A_254, %add3A_255 : vector<2x400x128xf32>
    %max3A_257 = arith.constant 0.000000e+00 : f32
    %max3A_258 = vector.broadcast %max3A_257 : f32 to vector<2x400x128xf32>
    %max3A_259 = arith.maximumf %add3A_256, %max3A_258 : vector<2x400x128xf32>
    %get3A_260 = arith.constant 0 : index
    %get3A_261 = arith.constant 9 : index
    %get3A_262 = arith.constant 0 : index
    %get3A_263 = arith.constant 0 : index
    %get3A_264 = vector.load %arg2[%get3A_260, %get3A_261, %get3A_262, %get3A_263] : memref<2x16x400x128xf32, #tpu.memory_space<vmem>>, vector<2x1x400x128xf32>
    %get3A_265 = vector.shape_cast %get3A_264 : vector<2x1x400x128xf32> to vector<2x400x128xf32>
    %mul3A_266 = arith.mulf %max3A_259, %get3A_265 : vector<2x400x128xf32>
    %add3A_267 = arith.addf %add3A_251, %mul3A_266 : vector<2x400x128xf32>
    %slice3A_268 = vector.extract_strided_slice %reshape3A_76 {offsets = [0, 0, 1280], sizes = [2, 400, 128], strides = [1, 1, 1]} : vector<2x400x2048xf32> to vector<2x400x128xf32>
    %mul3A_269 = vector.broadcast %mul3A_100 : vector<1x400x1xf32> to vector<2x400x128xf32>
    %mul3A_270 = arith.mulf %slice3A_268, %mul3A_269 : vector<2x400x128xf32>
    %add3A_271 = vector.broadcast %sub3A_106 : vector<1x400x1xf32> to vector<2x400x128xf32>
    %add3A_272 = arith.addf %mul3A_270, %add3A_271 : vector<2x400x128xf32>
    %max3A_273 = arith.constant 0.000000e+00 : f32
    %max3A_274 = vector.broadcast %max3A_273 : f32 to vector<2x400x128xf32>
    %max3A_275 = arith.maximumf %add3A_272, %max3A_274 : vector<2x400x128xf32>
    %get3A_276 = arith.constant 0 : index
    %get3A_277 = arith.constant 10 : index
    %get3A_278 = arith.constant 0 : index
    %get3A_279 = arith.constant 0 : index
    %get3A_280 = vector.load %arg2[%get3A_276, %get3A_277, %get3A_278, %get3A_279] : memref<2x16x400x128xf32, #tpu.memory_space<vmem>>, vector<2x1x400x128xf32>
    %get3A_281 = vector.shape_cast %get3A_280 : vector<2x1x400x128xf32> to vector<2x400x128xf32>
    %mul3A_282 = arith.mulf %max3A_275, %get3A_281 : vector<2x400x128xf32>
    %add3A_283 = arith.addf %add3A_267, %mul3A_282 : vector<2x400x128xf32>
    %slice3A_284 = vector.extract_strided_slice %reshape3A_76 {offsets = [0, 0, 1408], sizes = [2, 400, 128], strides = [1, 1, 1]} : vector<2x400x2048xf32> to vector<2x400x128xf32>
    %mul3A_285 = vector.broadcast %mul3A_100 : vector<1x400x1xf32> to vector<2x400x128xf32>
    %mul3A_286 = arith.mulf %slice3A_284, %mul3A_285 : vector<2x400x128xf32>
    %add3A_287 = vector.broadcast %sub3A_106 : vector<1x400x1xf32> to vector<2x400x128xf32>
    %add3A_288 = arith.addf %mul3A_286, %add3A_287 : vector<2x400x128xf32>
    %max3A_289 = arith.constant 0.000000e+00 : f32
    %max3A_290 = vector.broadcast %max3A_289 : f32 to vector<2x400x128xf32>
    %max3A_291 = arith.maximumf %add3A_288, %max3A_290 : vector<2x400x128xf32>
    %get3A_292 = arith.constant 0 : index
    %get3A_293 = arith.constant 11 : index
    %get3A_294 = arith.constant 0 : index
    %get3A_295 = arith.constant 0 : index
    %get3A_296 = vector.load %arg2[%get3A_292, %get3A_293, %get3A_294, %get3A_295] : memref<2x16x400x128xf32, #tpu.memory_space<vmem>>, vector<2x1x400x128xf32>
    %get3A_297 = vector.shape_cast %get3A_296 : vector<2x1x400x128xf32> to vector<2x400x128xf32>
    %mul3A_298 = arith.mulf %max3A_291, %get3A_297 : vector<2x400x128xf32>
    %add3A_299 = arith.addf %add3A_283, %mul3A_298 : vector<2x400x128xf32>
    %slice3A_300 = vector.extract_strided_slice %reshape3A_76 {offsets = [0, 0, 1536], sizes = [2, 400, 128], strides = [1, 1, 1]} : vector<2x400x2048xf32> to vector<2x400x128xf32>
    %mul3A_301 = vector.broadcast %mul3A_100 : vector<1x400x1xf32> to vector<2x400x128xf32>
    %mul3A_302 = arith.mulf %slice3A_300, %mul3A_301 : vector<2x400x128xf32>
    %add3A_303 = vector.broadcast %sub3A_106 : vector<1x400x1xf32> to vector<2x400x128xf32>
    %add3A_304 = arith.addf %mul3A_302, %add3A_303 : vector<2x400x128xf32>
    %max3A_305 = arith.constant 0.000000e+00 : f32
    %max3A_306 = vector.broadcast %max3A_305 : f32 to vector<2x400x128xf32>
    %max3A_307 = arith.maximumf %add3A_304, %max3A_306 : vector<2x400x128xf32>
    %get3A_308 = arith.constant 0 : index
    %get3A_309 = arith.constant 12 : index
    %get3A_310 = arith.constant 0 : index
    %get3A_311 = arith.constant 0 : index
    %get3A_312 = vector.load %arg2[%get3A_308, %get3A_309, %get3A_310, %get3A_311] : memref<2x16x400x128xf32, #tpu.memory_space<vmem>>, vector<2x1x400x128xf32>
    %get3A_313 = vector.shape_cast %get3A_312 : vector<2x1x400x128xf32> to vector<2x400x128xf32>
    %mul3A_314 = arith.mulf %max3A_307, %get3A_313 : vector<2x400x128xf32>
    %add3A_315 = arith.addf %add3A_299, %mul3A_314 : vector<2x400x128xf32>
    %slice3A_316 = vector.extract_strided_slice %reshape3A_76 {offsets = [0, 0, 1664], sizes = [2, 400, 128], strides = [1, 1, 1]} : vector<2x400x2048xf32> to vector<2x400x128xf32>
    %mul3A_317 = vector.broadcast %mul3A_100 : vector<1x400x1xf32> to vector<2x400x128xf32>
    %mul3A_318 = arith.mulf %slice3A_316, %mul3A_317 : vector<2x400x128xf32>
    %add3A_319 = vector.broadcast %sub3A_106 : vector<1x400x1xf32> to vector<2x400x128xf32>
    %add3A_320 = arith.addf %mul3A_318, %add3A_319 : vector<2x400x128xf32>
    %max3A_321 = arith.constant 0.000000e+00 : f32
    %max3A_322 = vector.broadcast %max3A_321 : f32 to vector<2x400x128xf32>
    %max3A_323 = arith.maximumf %add3A_320, %max3A_322 : vector<2x400x128xf32>
    %get3A_324 = arith.constant 0 : index
    %get3A_325 = arith.constant 13 : index
    %get3A_326 = arith.constant 0 : index
    %get3A_327 = arith.constant 0 : index
    %get3A_328 = vector.load %arg2[%get3A_324, %get3A_325, %get3A_326, %get3A_327] : memref<2x16x400x128xf32, #tpu.memory_space<vmem>>, vector<2x1x400x128xf32>
    %get3A_329 = vector.shape_cast %get3A_328 : vector<2x1x400x128xf32> to vector<2x400x128xf32>
    %mul3A_330 = arith.mulf %max3A_323, %get3A_329 : vector<2x400x128xf32>
    %add3A_331 = arith.addf %add3A_315, %mul3A_330 : vector<2x400x128xf32>
    %slice3A_332 = vector.extract_strided_slice %reshape3A_76 {offsets = [0, 0, 1792], sizes = [2, 400, 128], strides = [1, 1, 1]} : vector<2x400x2048xf32> to vector<2x400x128xf32>
    %mul3A_333 = vector.broadcast %mul3A_100 : vector<1x400x1xf32> to vector<2x400x128xf32>
    %mul3A_334 = arith.mulf %slice3A_332, %mul3A_333 : vector<2x400x128xf32>
    %add3A_335 = vector.broadcast %sub3A_106 : vector<1x400x1xf32> to vector<2x400x128xf32>
    %add3A_336 = arith.addf %mul3A_334, %add3A_335 : vector<2x400x128xf32>
    %max3A_337 = arith.constant 0.000000e+00 : f32
    %max3A_338 = vector.broadcast %max3A_337 : f32 to vector<2x400x128xf32>
    %max3A_339 = arith.maximumf %add3A_336, %max3A_338 : vector<2x400x128xf32>
    %get3A_340 = arith.constant 0 : index
    %get3A_341 = arith.constant 14 : index
    %get3A_342 = arith.constant 0 : index
    %get3A_343 = arith.constant 0 : index
    %get3A_344 = vector.load %arg2[%get3A_340, %get3A_341, %get3A_342, %get3A_343] : memref<2x16x400x128xf32, #tpu.memory_space<vmem>>, vector<2x1x400x128xf32>
    %get3A_345 = vector.shape_cast %get3A_344 : vector<2x1x400x128xf32> to vector<2x400x128xf32>
    %mul3A_346 = arith.mulf %max3A_339, %get3A_345 : vector<2x400x128xf32>
    %add3A_347 = arith.addf %add3A_331, %mul3A_346 : vector<2x400x128xf32>
    %slice3A_348 = vector.extract_strided_slice %reshape3A_76 {offsets = [0, 0, 1920], sizes = [2, 400, 128], strides = [1, 1, 1]} : vector<2x400x2048xf32> to vector<2x400x128xf32>
    %mul3A_349 = vector.broadcast %mul3A_100 : vector<1x400x1xf32> to vector<2x400x128xf32>
    %mul3A_350 = arith.mulf %slice3A_348, %mul3A_349 : vector<2x400x128xf32>
    %add3A_351 = vector.broadcast %sub3A_106 : vector<1x400x1xf32> to vector<2x400x128xf32>
    %add3A_352 = arith.addf %mul3A_350, %add3A_351 : vector<2x400x128xf32>
    %max3A_353 = arith.constant 0.000000e+00 : f32
    %max3A_354 = vector.broadcast %max3A_353 : f32 to vector<2x400x128xf32>
    %max3A_355 = arith.maximumf %add3A_352, %max3A_354 : vector<2x400x128xf32>
    %get3A_356 = arith.constant 0 : index
    %get3A_357 = arith.constant 15 : index
    %get3A_358 = arith.constant 0 : index
    %get3A_359 = arith.constant 0 : index
    %get3A_360 = vector.load %arg2[%get3A_356, %get3A_357, %get3A_358, %get3A_359] : memref<2x16x400x128xf32, #tpu.memory_space<vmem>>, vector<2x1x400x128xf32>
    %get3A_361 = vector.shape_cast %get3A_360 : vector<2x1x400x128xf32> to vector<2x400x128xf32>
    %mul3A_362 = arith.mulf %max3A_355, %get3A_361 : vector<2x400x128xf32>
    %add3A_363 = arith.addf %add3A_347, %mul3A_362 : vector<2x400x128xf32>
    %swap3A = arith.constant 0 : index
    %swap3A_364 = arith.constant 0 : index
    %swap3A_365 = arith.constant 0 : index
    %swap3A_366 = vector.load %arg12[%swap3A, %swap3A_364, %swap3A_365] : memref<2x400x128xf32, #tpu.memory_space<vmem>>, vector<2x400x128xf32>
    tpu.vector_store %arg12[%swap3A, %swap3A_364, %swap3A_365], %add3A_363 {strides = array<i32>} : memref<2x400x128xf32, #tpu.memory_space<vmem>>, vector<2x400x128xf32>,
    return
  }
  func.func @transform_0(%arg0: i32) -> (i32, i32, i32, i32) {
    %c0_i32 = arith.constant 0 : i32
    %c0_i32_0 = arith.constant 0 : i32
    %c0_i32_1 = arith.constant 0 : i32
    %c0_i32_2 = arith.constant 0 : i32
    return %c0_i32, %c0_i32_0, %arg0, %c0_i32_1 : i32, i32, i32, i32
  }
  func.func @transform_1(%arg0: i32) -> (i32, i32, i32, i32) {
    %c0_i32 = arith.constant 0 : i32
    %c0_i32_0 = arith.constant 0 : i32
    %c0_i32_1 = arith.constant 0 : i32
    %c0_i32_2 = arith.constant 0 : i32
    return %c0_i32, %c0_i32_0, %arg0, %c0_i32_1 : i32, i32, i32, i32
  }
  func.func @transform_2(%arg0: i32) -> (i32, i32, i32) {
    %c0_i32 = arith.constant 0 : i32
    %c0_i32_0 = arith.constant 0 : i32
    %c0_i32_1 = arith.constant 0 : i32
    return %c0_i32, %arg0, %c0_i32_0 : i32, i32, i32
  }
  func.func @transform_3(%arg0: i32) -> (i32, i32) {
    %c0_i32 = arith.constant 0 : i32
    %c0_i32_0 = arith.constant 0 : i32
    %c0_i32_1 = arith.constant 0 : i32
    return %c0_i32, %c0_i32_0 : i32, i32
  }
  func.func @transform_4(%arg0: i32) -> (i32, i32) {
    %c0_i32 = arith.constant 0 : i32
    %c0_i32_0 = arith.constant 0 : i32
    %c0_i32_1 = arith.constant 0 : i32
    return %c0_i32, %c0_i32_0 : i32, i32
  }
  func.func @transform_5(%arg0: i32) -> (i32, i32) {
    %c0_i32 = arith.constant 0 : i32
    %c0_i32_0 = arith.constant 0 : i32
    return %arg0, %c0_i32 : i32, i32
  }
  func.func @transform_6(%arg0: i32) -> (i32, i32) {
    %c0_i32 = arith.constant 0 : i32
    %c0_i32_0 = arith.constant 0 : i32
    return %arg0, %c0_i32 : i32, i32
  }
  func.func @transform_7(%arg0: i32) -> (i32, i32) {
    %c0_i32 = arith.constant 0 : i32
    %c0_i32_0 = arith.constant 0 : i32
    %c0_i32_1 = arith.constant 0 : i32
    return %c0_i32, %c0_i32_0 : i32, i32
  }
  func.func @transform_8(%arg0: i32) -> (i32, i32) {
    %c0_i32 = arith.constant 0 : i32
    %c0_i32_0 = arith.constant 0 : i32
    %c0_i32_1 = arith.constant 0 : i32
    return %c0_i32, %c0_i32_0 : i32, i32
  }
  func.func @transform_9(%arg0: i32) -> (i32, i32) {
    %c0_i32 = arith.constant 0 : i32
    %c0_i32_0 = arith.constant 0 : i32
    return %arg0, %c0_i32 : i32, i32
  }
  func.func @transform_10(%arg0: i32) -> (i32, i32) {
    %c0_i32 = arith.constant 0 : i32
    %c0_i32_0 = arith.constant 0 : i32
    return %arg0, %c0_i32 : i32, i32
  }
  func.func @transform_11(%arg0: i32) -> (i32, i32, i32) {
    %c0_i32 = arith.constant 0 : i32
    %c0_i32_0 = arith.constant 0 : i32
    %c0_i32_1 = arith.constant 0 : i32
    return %c0_i32, %arg0, %c0_i32_0 : i32, i32, i32
  }
}

module attributes {stable_mosaic.version = 14 : i64} {
  func.func @_tc_body(%arg0: i32, %arg1: memref<2x2x400x128xf32, #tpu.memory_space<vmem>>, %arg2: memref<2x16x400x128xf32, #tpu.memory_space<vmem>>, %arg3: memref<2x400x16xf32, #tpu.memory_space<vmem>>, %arg4: memref<16x1024xf32, #tpu.memory_space<vmem>>, %arg5: memref<256x1024xbf16, #tpu.memory_space<vmem>>, %arg6: memref<400x1xf32, #tpu.memory_space<vmem>>, %arg7: memref<400x1xf32, #tpu.memory_space<vmem>>, %arg8: memref<2048x1024xbf16, #tpu.memory_space<vmem>>, %arg9: memref<1x2048xf32, #tpu.memory_space<vmem>>, %arg10: memref<400x1xf32, #tpu.memory_space<vmem>>, %arg11: memref<400x1xf32, #tpu.memory_space<vmem>>, %arg12: memref<2x400x128xf32, #tpu.memory_space<vmem>>) attributes {dimension_semantics = [#tpu.dimension_semantics<arbitrary>], iteration_bounds = array<i64: 7>, scalar_prefetch = 0 : i64, scratch_operands = 0 : i64, tpu.core_type = #tpu.core_type<tc>, window_params = [{transform_indices = @transform_0, window_bounds = array<i64: 2, 2, 400, 128>}, {transform_indices = @transform_1, window_bounds = array<i64: 2, 16, 400, 128>}, {transform_indices = @transform_2, window_bounds = array<i64: 2, 400, 16>}, {pipeline_mode = #tpu.pipeline_mode<synchronous>, transform_indices = @transform_3, window_bounds = array<i64: 16, 1024>}, {pipeline_mode = #tpu.pipeline_mode<synchronous>, transform_indices = @transform_4, window_bounds = array<i64: 256, 1024>}, {transform_indices = @transform_5, window_bounds = array<i64: 400, 1>}, {transform_indices = @transform_6, window_bounds = array<i64: 400, 1>}, {pipeline_mode = #tpu.pipeline_mode<synchronous>, transform_indices = @transform_7, window_bounds = array<i64: 2048, 1024>}, {pipeline_mode = #tpu.pipeline_mode<synchronous>, transform_indices = @transform_8, window_bounds = array<i64: 1, 2048>}, {transform_indices = @transform_9, window_bounds = array<i64: 400, 1>}, {transform_indices = @transform_10, window_bounds = array<i64: 400, 1>}, {transform_indices = @transform_11, window_bounds = array<i64: 2, 400, 128>}]} {
    %get3A = arith.constant 0 : index
    %get3A_0 = arith.constant 0 : index
    %get3A_1 = arith.constant 0 : index
    %get3A_2 = vector.load %arg3[%get3A, %get3A_0, %get3A_1] : memref<2x400x16xf32, #tpu.memory_space<vmem>>, vector<2x400x16xf32>
    %reshape3A = vector.shape_cast %get3A_2 : vector<2x400x16xf32> to vector<800x16xf32>
    %get3A_3 = arith.constant 0 : index
    %get3A_4 = arith.constant 0 : index
    %get3A_5 = arith.constant 0 : index
    %get3A_6 = arith.constant 0 : index
    %get3A_7 = vector.load %arg1[%get3A_3, %get3A_4, %get3A_5, %get3A_6] : memref<2x2x400x128xf32, #tpu.memory_space<vmem>>, vector<2x1x400x128xf32>
    %get3A_8 = vector.shape_cast %get3A_7 : vector<2x1x400x128xf32> to vector<2x400x128xf32>
    %reshape3A_9 = vector.shape_cast %get3A_8 : vector<2x400x128xf32> to vector<800x128xf32>
    %convert_element_type3A = arith.truncf %reshape3A_9 : vector<800x128xf32> to vector<800x128xbf16>
    %get3A_10 = arith.constant 0 : index
    %get3A_11 = arith.constant 1 : index
    %get3A_12 = arith.constant 0 : index
    %get3A_13 = arith.constant 0 : index
    %get3A_14 = vector.load %arg1[%get3A_10, %get3A_11, %get3A_12, %get3A_13] : memref<2x2x400x128xf32, #tpu.memory_space<vmem>>, vector<2x1x400x128xf32>
    %get3A_15 = vector.shape_cast %get3A_14 : vector<2x1x400x128xf32> to vector<2x400x128xf32>
    %reshape3A_16 = vector.shape_cast %get3A_15 : vector<2x400x128xf32> to vector<800x128xf32>
    %convert_element_type3A_17 = arith.truncf %reshape3A_16 : vector<800x128xf32> to vector<800x128xbf16>
    %get3A_18 = arith.constant 0 : index
    %get3A_19 = arith.constant 0 : index
    %get3A_20 = vector.load %arg4[%get3A_18, %get3A_19] : memref<16x1024xf32, #tpu.memory_space<vmem>>, vector<16x1024xf32>
    %dot_general3A = arith.constant dense<0.000000e+00> : vector<800x1024xf32>
    %dot_general3A_21 = tpu.matmul %reshape3A, %get3A_20, %dot_general3A {dimension_numbers = #tpu.dot_dimension_numbers<[1], [0], [0], [1], [0, 0, 1, 1], [], []>, transpose_lhs_hint = false} : vector<800x16xf32>, vector<16x1024xf32>, vector<800x1024xf32> -> vector<800x1024xf32>
    %get3A_22 = arith.constant 0 : index
    %get3A_23 = arith.constant 0 : index
    %get3A_24 = vector.load %arg5[%get3A_22, %get3A_23] : memref<256x1024xbf16, #tpu.memory_space<vmem>>, vector<128x1024xbf16>
    %dot_general3A_25 = arith.constant dense<0.000000e+00> : vector<800x1024xf32>
    %dot_general3A_26 = tpu.matmul %convert_element_type3A, %get3A_24, %dot_general3A_25 {dimension_numbers = #tpu.dot_dimension_numbers<[1], [0], [0], [1], [0, 0, 1, 1], [], []>, transpose_lhs_hint = false} : vector<800x128xbf16>, vector<128x1024xbf16>, vector<800x1024xf32> -> vector<800x1024xf32>
    %get3A_27 = arith.constant 128 : index
    %get3A_28 = arith.constant 0 : index
    %get3A_29 = vector.load %arg5[%get3A_27, %get3A_28] : memref<256x1024xbf16, #tpu.memory_space<vmem>>, vector<128x1024xbf16>
    %dot_general3A_30 = arith.constant dense<0.000000e+00> : vector<800x1024xf32>
    %dot_general3A_31 = tpu.matmul %convert_element_type3A_17, %get3A_29, %dot_general3A_30 {dimension_numbers = #tpu.dot_dimension_numbers<[1], [0], [0], [1], [0, 0, 1, 1], [], []>, transpose_lhs_hint = false} : vector<800x128xbf16>, vector<128x1024xbf16>, vector<800x1024xf32> -> vector<800x1024xf32>
    %add3A = arith.addf %dot_general3A_26, %dot_general3A_31 : vector<800x1024xf32>
    %sub3A = arith.subf %dot_general3A_21, %add3A : vector<800x1024xf32>
    %reshape3A_32 = vector.shape_cast %sub3A : vector<800x1024xf32> to vector<2x400x1024xf32>
    %reduce_sum3A = arith.constant dense<0.000000e+00> : vector<400xf32>
    %reduce_sum3A_33 = vector.multi_reduction <add>, %reshape3A_32, %reduce_sum3A [0, 2] : vector<2x400x1024xf32> to vector<400xf32>
    %broadcast_in_dim3A = vector.shape_cast %reduce_sum3A_33 : vector<400xf32> to vector<1x400x1xf32>
    %div3A = arith.constant 2.048000e+03 : f32
    %div3A_34 = vector.broadcast %div3A : f32 to vector<1x400x1xf32>
    %div3A_35 = arith.divf %broadcast_in_dim3A, %div3A_34 : vector<1x400x1xf32>
    %mul3A = arith.mulf %reshape3A_32, %reshape3A_32 : vector<2x400x1024xf32>
    %reduce_sum3A_36 = arith.constant dense<0.000000e+00> : vector<400xf32>
    %reduce_sum3A_37 = vector.multi_reduction <add>, %mul3A, %reduce_sum3A_36 [0, 2] : vector<2x400x1024xf32> to vector<400xf32>
    %broadcast_in_dim3A_38 = vector.shape_cast %reduce_sum3A_37 : vector<400xf32> to vector<1x400x1xf32>
    %div3A_39 = arith.constant 2.048000e+03 : f32
    %div3A_40 = vector.broadcast %div3A_39 : f32 to vector<1x400x1xf32>
    %div3A_41 = arith.divf %broadcast_in_dim3A_38, %div3A_40 : vector<1x400x1xf32>
    %mul3A_42 = arith.mulf %div3A_35, %div3A_35 : vector<1x400x1xf32>
    %sub3A_43 = arith.subf %div3A_41, %mul3A_42 : vector<1x400x1xf32>
    %add3A_44 = arith.constant 9.99999974E-6 : f32
    %add3A_45 = vector.broadcast %add3A_44 : f32 to vector<1x400x1xf32>
    %add3A_46 = arith.addf %sub3A_43, %add3A_45 : vector<1x400x1xf32>
    %rsqrt3A = math.rsqrt %add3A_46 : vector<1x400x1xf32>
    %get3A_47 = arith.constant 0 : index
    %get3A_48 = arith.constant 0 : index
    %get3A_49 = vector.load %arg6[%get3A_47, %get3A_48] : memref<400x1xf32, #tpu.memory_space<vmem>>, vector<400x1xf32>
    %broadcast_in_dim3A_50 = vector.shape_cast %get3A_49 : vector<400x1xf32> to vector<1x400x1xf32>
    %mul3A_51 = arith.mulf %rsqrt3A, %broadcast_in_dim3A_50 : vector<1x400x1xf32>
    %get3A_52 = arith.constant 0 : index
    %get3A_53 = arith.constant 0 : index
    %get3A_54 = vector.load %arg7[%get3A_52, %get3A_53] : memref<400x1xf32, #tpu.memory_space<vmem>>, vector<400x1xf32>
    %broadcast_in_dim3A_55 = vector.shape_cast %get3A_54 : vector<400x1xf32> to vector<1x400x1xf32>
    %mul3A_56 = arith.mulf %div3A_35, %mul3A_51 : vector<1x400x1xf32>
    %sub3A_57 = arith.subf %broadcast_in_dim3A_55, %mul3A_56 : vector<1x400x1xf32>
    %mul3A_58 = vector.broadcast %mul3A_51 : vector<1x400x1xf32> to vector<2x400x1024xf32>
    %mul3A_59 = arith.mulf %reshape3A_32, %mul3A_58 : vector<2x400x1024xf32>
    %add3A_60 = vector.broadcast %sub3A_57 : vector<1x400x1xf32> to vector<2x400x1024xf32>
    %add3A_61 = arith.addf %mul3A_59, %add3A_60 : vector<2x400x1024xf32>
    %max3A = arith.constant 0.000000e+00 : f32
    %max3A_62 = vector.broadcast %max3A : f32 to vector<2x400x1024xf32>
    %max3A_63 = arith.maximumf %add3A_61, %max3A_62 : vector<2x400x1024xf32>
    %convert_element_type3A_64 = arith.truncf %max3A_63 : vector<2x400x1024xf32> to vector<2x400x1024xbf16>
    %reshape3A_65 = vector.shape_cast %convert_element_type3A_64 : vector<2x400x1024xbf16> to vector<800x1024xbf16>
    %get3A_66 = arith.constant 0 : index
    %get3A_67 = arith.constant 0 : index
    %get3A_68 = vector.load %arg8[%get3A_66, %get3A_67] : memref<2048x1024xbf16, #tpu.memory_space<vmem>>, vector<2048x1024xbf16>
    %dot_general3A_69 = arith.constant dense<0.000000e+00> : vector<800x2048xf32>
    %dot_general3A_70 = tpu.matmul %reshape3A_65, %get3A_68, %dot_general3A_69 {dimension_numbers = #tpu.dot_dimension_numbers<[1], [1], [0], [0], [0, 0, 1, 0], [], []>, transpose_lhs_hint = false} : vector<800x1024xbf16>, vector<2048x1024xbf16>, vector<800x2048xf32> -> vector<800x2048xf32>
    %get3A_71 = arith.constant 0 : index
    %get3A_72 = arith.constant 0 : index
    %get3A_73 = vector.load %arg9[%get3A_71, %get3A_72] : memref<1x2048xf32, #tpu.memory_space<vmem>>, vector<1x2048xf32>
    %add3A_74 = vector.broadcast %get3A_73 : vector<1x2048xf32> to vector<800x2048xf32>
    %add3A_75 = arith.addf %dot_general3A_70, %add3A_74 : vector<800x2048xf32>
    %reshape3A_76 = vector.shape_cast %add3A_75 : vector<800x2048xf32> to vector<2x400x2048xf32>
    %reduce_sum3A_77 = arith.constant dense<0.000000e+00> : vector<400xf32>
    %reduce_sum3A_78 = vector.multi_reduction <add>, %reshape3A_76, %reduce_sum3A_77 [0, 2] : vector<2x400x2048xf32> to vector<400xf32>
    %broadcast_in_dim3A_79 = vector.shape_cast %reduce_sum3A_78 : vector<400xf32> to vector<1x400x1xf32>
    %div3A_80 = arith.constant 4.096000e+03 : f32
    %div3A_81 = vector.broadcast %div3A_80 : f32 to vector<1x400x1xf32>
    %div3A_82 = arith.divf %broadcast_in_dim3A_79, %div3A_81 : vector<1x400x1xf32>
    %mul3A_83 = arith.mulf %reshape3A_76, %reshape3A_76 : vector<2x400x2048xf32>
    %reduce_sum3A_84 = arith.constant dense<0.000000e+00> : vector<400xf32>
    %reduce_sum3A_85 = vector.multi_reduction <add>, %mul3A_83, %reduce_sum3A_84 [0, 2] : vector<2x400x2048xf32> to vector<400xf32>
    %broadcast_in_dim3A_86 = vector.shape_cast %reduce_sum3A_85 : vector<400xf32> to vector<1x400x1xf32>
    %div3A_87 = arith.constant 4.096000e+03 : f32
    %div3A_88 = vector.broadcast %div3A_87 : f32 to vector<1x400x1xf32>
    %div3A_89 = arith.divf %broadcast_in_dim3A_86, %div3A_88 : vector<1x400x1xf32>
    %mul3A_90 = arith.mulf %div3A_82, %div3A_82 : vector<1x400x1xf32>
    %sub3A_91 = arith.subf %div3A_89, %mul3A_90 : vector<1x400x1xf32>
    %add3A_92 = arith.constant 9.99999974E-6 : f32
    %add3A_93 = vector.broadcast %add3A_92 : f32 to vector<1x400x1xf32>
    %add3A_94 = arith.addf %sub3A_91, %add3A_93 : vector<1x400x1xf32>
    %rsqrt3A_95 = math.rsqrt %add3A_94 : vector<1x400x1xf32>
    %get3A_96 = arith.constant 0 : index
    %get3A_97 = arith.constant 0 : index
    %get3A_98 = vector.load %arg10[%get3A_96, %get3A_97] : memref<400x1xf32, #tpu.memory_space<vmem>>, vector<400x1xf32>
    %broadcast_in_dim3A_99 = vector.shape_cast %get3A_98 : vector<400x1xf32> to vector<1x400x1xf32>
    %mul3A_100 = arith.mulf %rsqrt3A_95, %broadcast_in_dim3A_99 : vector<1x400x1xf32>
    %get3A_101 = arith.constant 0 : index
    %get3A_102 = arith.constant 0 : index
    %get3A_103 = vector.load %arg11[%get3A_101, %get3A_102] : memref<400x1xf32, #tpu.memory_space<vmem>>, vector<400x1xf32>
    %broadcast_in_dim3A_104 = vector.shape_cast %get3A_103 : vector<400x1xf32> to vector<1x400x1xf32>
    %mul3A_105 = arith.mulf %div3A_82, %mul3A_100 : vector<1x400x1xf32>
    %sub3A_106 = arith.subf %broadcast_in_dim3A_104, %mul3A_105 : vector<1x400x1xf32>
    %broadcast_in_dim3A_107 = arith.constant 0.000000e+00 : f32
    %broadcast_in_dim3A_108 = vector.broadcast %broadcast_in_dim3A_107 : f32 to vector<2x400x128xf32>
    %slice3A = vector.extract_strided_slice %reshape3A_76 {offsets = [0, 0, 0], sizes = [2, 400, 128], strides = [1, 1, 1]} : vector<2x400x2048xf32> to vector<2x400x128xf32>
    %mul3A_109 = vector.broadcast %mul3A_100 : vector<1x400x1xf32> to vector<2x400x128xf32>
    %mul3A_110 = arith.mulf %slice3A, %mul3A_109 : vector<2x400x128xf32>
    %add3A_111 = vector.broadcast %sub3A_106 : vector<1x400x1xf32> to vector<2x400x128xf32>
    %add3A_112 = arith.addf %mul3A_110, %add3A_111 : vector<2x400x128xf32>
    %max3A_113 = arith.constant 0.000000e+00 : f32
    %max3A_114 = vector.broadcast %max3A_113 : f32 to vector<2x400x128xf32>
    %max3A_115 = arith.maximumf %add3A_112, %max3A_114 : vector<2x400x128xf32>
    %get3A_116 = arith.constant 0 : index
    %get3A_117 = arith.constant 0 : index
    %get3A_118 = arith.constant 0 : index
    %get3A_119 = arith.constant 0 : index
    %get3A_120 = vector.load %arg2[%get3A_116, %get3A_117, %get3A_118, %get3A_119] : memref<2x16x400x128xf32, #tpu.memory_space<vmem>>, vector<2x1x400x128xf32>
    %get3A_121 = vector.shape_cast %get3A_120 : vector<2x1x400x128xf32> to vector<2x400x128xf32>
    %mul3A_122 = arith.mulf %max3A_115, %get3A_121 : vector<2x400x128xf32>
    %add3A_123 = arith.addf %broadcast_in_dim3A_108, %mul3A_122 : vector<2x400x128xf32>
    %slice3A_124 = vector.extract_strided_slice %reshape3A_76 {offsets = [0, 0, 128], sizes = [2, 400, 128], strides = [1, 1, 1]} : vector<2x400x2048xf32> to vector<2x400x128xf32>
    %mul3A_125 = vector.broadcast %mul3A_100 : vector<1x400x1xf32> to vector<2x400x128xf32>
    %mul3A_126 = arith.mulf %slice3A_124, %mul3A_125 : vector<2x400x128xf32>
    %add3A_127 = vector.broadcast %sub3A_106 : vector<1x400x1xf32> to vector<2x400x128xf32>
    %add3A_128 = arith.addf %mul3A_126, %add3A_127 : vector<2x400x128xf32>
    %max3A_129 = arith.constant 0.000000e+00 : f32
    %max3A_130 = vector.broadcast %max3A_129 : f32 to vector<2x400x128xf32>
    %max3A_131 = arith.maximumf %add3A_128, %max3A_130 : vector<2x400x128xf32>
    %get3A_132 = arith.constant 0 : index
    %get3A_133 = arith.constant 1 : index
    %get3A_134 = arith.constant 0 : index
    %get3A_135 = arith.constant 0 : index
    %get3A_136 = vector.load %arg2[%get3A_132, %get3A_133, %get3A_134, %get3A_135] : memref<2x16x400x128xf32, #tpu.memory_space<vmem>>, vector<2x1x400x128xf32>
    %get3A_137 = vector.shape_cast %get3A_136 : vector<2x1x400x128xf32> to vector<2x400x128xf32>
    %mul3A_138 = arith.mulf %max3A_131, %get3A_137 : vector<2x400x128xf32>
    %add3A_139 = arith.addf %add3A_123, %mul3A_138 : vector<2x400x128xf32>
    %slice3A_140 = vector.extract_strided_slice %reshape3A_76 {offsets = [0, 0, 256], sizes = [2, 400, 128], strides = [1, 1, 1]} : vector<2x400x2048xf32> to vector<2x400x128xf32>
    %mul3A_141 = vector.broadcast %mul3A_100 : vector<1x400x1xf32> to vector<2x400x128xf32>
    %mul3A_142 = arith.mulf %slice3A_140, %mul3A_141 : vector<2x400x128xf32>
    %add3A_143 = vector.broadcast %sub3A_106 : vector<1x400x1xf32> to vector<2x400x128xf32>
    %add3A_144 = arith.addf %mul3A_142, %add3A_143 : vector<2x400x128xf32>
    %max3A_145 = arith.constant 0.000000e+00 : f32
    %max3A_146 = vector.broadcast %max3A_145 : f32 to vector<2x400x128xf32>
    %max3A_147 = arith.maximumf %add3A_144, %max3A_146 : vector<2x400x128xf32>
    %get3A_148 = arith.constant 0 : index
    %get3A_149 = arith.constant 2 : index
    %get3A_150 = arith.constant 0 : index
    %get3A_151 = arith.constant 0 : index
    %get3A_152 = vector.load %arg2[%get3A_148, %get3A_149, %get3A_150, %get3A_151] : memref<2x16x400x128xf32, #tpu.memory_space<vmem>>, vector<2x1x400x128xf32>
    %get3A_153 = vector.shape_cast %get3A_152 : vector<2x1x400x128xf32> to vector<2x400x128xf32>
    %mul3A_154 = arith.mulf %max3A_147, %get3A_153 : vector<2x400x128xf32>
    %add3A_155 = arith.addf %add3A_139, %mul3A_154 : vector<2x400x128xf32>
    %slice3A_156 = vector.extract_strided_slice %reshape3A_76 {offsets = [0, 0, 384], sizes = [2, 400, 128], strides = [1, 1, 1]} : vector<2x400x2048xf32> to vector<2x400x128xf32>
    %mul3A_157 = vector.broadcast %mul3A_100 : vector<1x400x1xf32> to vector<2x400x128xf32>
    %mul3A_158 = arith.mulf %slice3A_156, %mul3A_157 : vector<2x400x128xf32>
    %add3A_159 = vector.broadcast %sub3A_106 : vector<1x400x1xf32> to vector<2x400x128xf32>
    %add3A_160 = arith.addf %mul3A_158, %add3A_159 : vector<2x400x128xf32>
    %max3A_161 = arith.constant 0.000000e+00 : f32
    %max3A_162 = vector.broadcast %max3A_161 : f32 to vector<2x400x128xf32>
    %max3A_163 = arith.maximumf %add3A_160, %max3A_162 : vector<2x400x128xf32>
    %get3A_164 = arith.constant 0 : index
    %get3A_165 = arith.constant 3 : index
    %get3A_166 = arith.constant 0 : index
    %get3A_167 = arith.constant 0 : index
    %get3A_168 = vector.load %arg2[%get3A_164, %get3A_165, %get3A_166, %get3A_167] : memref<2x16x400x128xf32, #tpu.memory_space<vmem>>, vector<2x1x400x128xf32>
    %get3A_169 = vector.shape_cast %get3A_168 : vector<2x1x400x128xf32> to vector<2x400x128xf32>
    %mul3A_170 = arith.mulf %max3A_163, %get3A_169 : vector<2x400x128xf32>
    %add3A_171 = arith.addf %add3A_155, %mul3A_170 : vector<2x400x128xf32>
    %slice3A_172 = vector.extract_strided_slice %reshape3A_76 {offsets = [0, 0, 512], sizes = [2, 400, 128], strides = [1, 1, 1]} : vector<2x400x2048xf32> to vector<2x400x128xf32>
    %mul3A_173 = vector.broadcast %mul3A_100 : vector<1x400x1xf32> to vector<2x400x128xf32>
    %mul3A_174 = arith.mulf %slice3A_172, %mul3A_173 : vector<2x400x128xf32>
    %add3A_175 = vector.broadcast %sub3A_106 : vector<1x400x1xf32> to vector<2x400x128xf32>
    %add3A_176 = arith.addf %mul3A_174, %add3A_175 : vector<2x400x128xf32>
    %max3A_177 = arith.constant 0.000000e+00 : f32
    %max3A_178 = vector.broadcast %max3A_177 : f32 to vector<2x400x128xf32>
    %max3A_179 = arith.maximumf %add3A_176, %max3A_178 : vector<2x400x128xf32>
    %get3A_180 = arith.constant 0 : index
    %get3A_181 = arith.constant 4 : index
    %get3A_182 = arith.constant 0 : index
    %get3A_183 = arith.constant 0 : index
    %get3A_184 = vector.load %arg2[%get3A_180, %get3A_181, %get3A_182, %get3A_183] : memref<2x16x400x128xf32, #tpu.memory_space<vmem>>, vector<2x1x400x128xf32>
    %get3A_185 = vector.shape_cast %get3A_184 : vector<2x1x400x128xf32> to vector<2x400x128xf32>
    %mul3A_186 = arith.mulf %max3A_179, %get3A_185 : vector<2x400x128xf32>
    %add3A_187 = arith.addf %add3A_171, %mul3A_186 : vector<2x400x128xf32>
    %slice3A_188 = vector.extract_strided_slice %reshape3A_76 {offsets = [0, 0, 640], sizes = [2, 400, 128], strides = [1, 1, 1]} : vector<2x400x2048xf32> to vector<2x400x128xf32>
    %mul3A_189 = vector.broadcast %mul3A_100 : vector<1x400x1xf32> to vector<2x400x128xf32>
    %mul3A_190 = arith.mulf %slice3A_188, %mul3A_189 : vector<2x400x128xf32>
    %add3A_191 = vector.broadcast %sub3A_106 : vector<1x400x1xf32> to vector<2x400x128xf32>
    %add3A_192 = arith.addf %mul3A_190, %add3A_191 : vector<2x400x128xf32>
    %max3A_193 = arith.constant 0.000000e+00 : f32
    %max3A_194 = vector.broadcast %max3A_193 : f32 to vector<2x400x128xf32>
    %max3A_195 = arith.maximumf %add3A_192, %max3A_194 : vector<2x400x128xf32>
    %get3A_196 = arith.constant 0 : index
    %get3A_197 = arith.constant 5 : index
    %get3A_198 = arith.constant 0 : index
    %get3A_199 = arith.constant 0 : index
    %get3A_200 = vector.load %arg2[%get3A_196, %get3A_197, %get3A_198, %get3A_199] : memref<2x16x400x128xf32, #tpu.memory_space<vmem>>, vector<2x1x400x128xf32>
    %get3A_201 = vector.shape_cast %get3A_200 : vector<2x1x400x128xf32> to vector<2x400x128xf32>
    %mul3A_202 = arith.mulf %max3A_195, %get3A_201 : vector<2x400x128xf32>
    %add3A_203 = arith.addf %add3A_187, %mul3A_202 : vector<2x400x128xf32>
    %slice3A_204 = vector.extract_strided_slice %reshape3A_76 {offsets = [0, 0, 768], sizes = [2, 400, 128], strides = [1, 1, 1]} : vector<2x400x2048xf32> to vector<2x400x128xf32>
    %mul3A_205 = vector.broadcast %mul3A_100 : vector<1x400x1xf32> to vector<2x400x128xf32>
    %mul3A_206 = arith.mulf %slice3A_204, %mul3A_205 : vector<2x400x128xf32>
    %add3A_207 = vector.broadcast %sub3A_106 : vector<1x400x1xf32> to vector<2x400x128xf32>
    %add3A_208 = arith.addf %mul3A_206, %add3A_207 : vector<2x400x128xf32>
    %max3A_209 = arith.constant 0.000000e+00 : f32
    %max3A_210 = vector.broadcast %max3A_209 : f32 to vector<2x400x128xf32>
    %max3A_211 = arith.maximumf %add3A_208, %max3A_210 : vector<2x400x128xf32>
    %get3A_212 = arith.constant 0 : index
    %get3A_213 = arith.constant 6 : index
    %get3A_214 = arith.constant 0 : index
    %get3A_215 = arith.constant 0 : index
    %get3A_216 = vector.load %arg2[%get3A_212, %get3A_213, %get3A_214, %get3A_215] : memref<2x16x400x128xf32, #tpu.memory_space<vmem>>, vector<2x1x400x128xf32>
    %get3A_217 = vector.shape_cast %get3A_216 : vector<2x1x400x128xf32> to vector<2x400x128xf32>
    %mul3A_218 = arith.mulf %max3A_211, %get3A_217 : vector<2x400x128xf32>
    %add3A_219 = arith.addf %add3A_203, %mul3A_218 : vector<2x400x128xf32>
    %slice3A_220 = vector.extract_strided_slice %reshape3A_76 {offsets = [0, 0, 896], sizes = [2, 400, 128], strides = [1, 1, 1]} : vector<2x400x2048xf32> to vector<2x400x128xf32>
    %mul3A_221 = vector.broadcast %mul3A_100 : vector<1x400x1xf32> to vector<2x400x128xf32>
    %mul3A_222 = arith.mulf %slice3A_220, %mul3A_221 : vector<2x400x128xf32>
    %add3A_223 = vector.broadcast %sub3A_106 : vector<1x400x1xf32> to vector<2x400x128xf32>
    %add3A_224 = arith.addf %mul3A_222, %add3A_223 : vector<2x400x128xf32>
    %max3A_225 = arith.constant 0.000000e+00 : f32
    %max3A_226 = vector.broadcast %max3A_225 : f32 to vector<2x400x128xf32>
    %max3A_227 = arith.maximumf %add3A_224, %max3A_226 : vector<2x400x128xf32>
    %get3A_228 = arith.constant 0 : index
    %get3A_229 = arith.constant 7 : index
    %get3A_230 = arith.constant 0 : index
    %get3A_231 = arith.constant 0 : index
    %get3A_232 = vector.load %arg2[%get3A_228, %get3A_229, %get3A_230, %get3A_231] : memref<2x16x400x128xf32, #tpu.memory_space<vmem>>, vector<2x1x400x128xf32>
    %get3A_233 = vector.shape_cast %get3A_232 : vector<2x1x400x128xf32> to vector<2x400x128xf32>
    %mul3A_234 = arith.mulf %max3A_227, %get3A_233 : vector<2x400x128xf32>
    %add3A_235 = arith.addf %add3A_219, %mul3A_234 : vector<2x400x128xf32>
    %slice3A_236 = vector.extract_strided_slice %reshape3A_76 {offsets = [0, 0, 1024], sizes = [2, 400, 128], strides = [1, 1, 1]} : vector<2x400x2048xf32> to vector<2x400x128xf32>
    %mul3A_237 = vector.broadcast %mul3A_100 : vector<1x400x1xf32> to vector<2x400x128xf32>
    %mul3A_238 = arith.mulf %slice3A_236, %mul3A_237 : vector<2x400x128xf32>
    %add3A_239 = vector.broadcast %sub3A_106 : vector<1x400x1xf32> to vector<2x400x128xf32>
    %add3A_240 = arith.addf %mul3A_238, %add3A_239 : vector<2x400x128xf32>
    %max3A_241 = arith.constant 0.000000e+00 : f32
    %max3A_242 = vector.broadcast %max3A_241 : f32 to vector<2x400x128xf32>
    %max3A_243 = arith.maximumf %add3A_240, %max3A_242 : vector<2x400x128xf32>
    %get3A_244 = arith.constant 0 : index
    %get3A_245 = arith.constant 8 : index
    %get3A_246 = arith.constant 0 : index
    %get3A_247 = arith.constant 0 : index
    %get3A_248 = vector.load %arg2[%get3A_244, %get3A_245, %get3A_246, %get3A_247] : memref<2x16x400x128xf32, #tpu.memory_space<vmem>>, vector<2x1x400x128xf32>
    %get3A_249 = vector.shape_cast %get3A_248 : vector<2x1x400x128xf32> to vector<2x400x128xf32>
    %mul3A_250 = arith.mulf %max3A_243, %get3A_249 : vector<2x400x128xf32>
    %add3A_251 = arith.addf %add3A_235, %mul3A_250 : vector<2x400x128xf32>
    %slice3A_252 = vector.extract_strided_slice %reshape3A_76 {offsets = [0, 0, 1152], sizes = [2, 400, 128], strides = [1, 1, 1]} : vector<2x400x2048xf32> to vector<2x400x128xf32>
    %mul3A_253 = vector.broadcast %mul3A_100 : vector<1x400x1xf32> to vector<2x400x128xf32>
    %mul3A_254 = arith.mulf %slice3A_252, %mul3A_253 : vector<2x400x128xf32>
    %add3A_255 = vector.broadcast %sub3A_106 : vector<1x400x1xf32> to vector<2x400x128xf32>
    %add3A_256 = arith.addf %mul3A_254, %add3A_255 : vector<2x400x128xf32>
    %max3A_257 = arith.constant 0.000000e+00 : f32
    %max3A_258 = vector.broadcast %max3A_257 : f32 to vector<2x400x128xf32>
    %max3A_259 = arith.maximumf %add3A_256, %max3A_258 : vector<2x400x128xf32>
    %get3A_260 = arith.constant 0 : index
    %get3A_261 = arith.constant 9 : index
    %get3A_262 = arith.constant 0 : index
    %get3A_263 = arith.constant 0 : index
    %get3A_264 = vector.load %arg2[%get3A_260, %get3A_261, %get3A_262, %get3A_263] : memref<2x16x400x128xf32, #tpu.memory_space<vmem>>, vector<2x1x400x128xf32>
    %get3A_265 = vector.shape_cast %get3A_264 : vector<2x1x400x128xf32> to vector<2x400x128xf32>
    %mul3A_266 = arith.mulf %max3A_259, %get3A_265 : vector<2x400x128xf32>
    %add3A_267 = arith.addf %add3A_251, %mul3A_266 : vector<2x400x128xf32>
    %slice3A_268 = vector.extract_strided_slice %reshape3A_76 {offsets = [0, 0, 1280], sizes = [2, 400, 128], strides = [1, 1, 1]} : vector<2x400x2048xf32> to vector<2x400x128xf32>
    %mul3A_269 = vector.broadcast %mul3A_100 : vector<1x400x1xf32> to vector<2x400x128xf32>
    %mul3A_270 = arith.mulf %slice3A_268, %mul3A_269 : vector<2x400x128xf32>
    %add3A_271 = vector.broadcast %sub3A_106 : vector<1x400x1xf32> to vector<2x400x128xf32>
    %add3A_272 = arith.addf %mul3A_270, %add3A_271 : vector<2x400x128xf32>
    %max3A_273 = arith.constant 0.000000e+00 : f32
    %max3A_274 = vector.broadcast %max3A_273 : f32 to vector<2x400x128xf32>
    %max3A_275 = arith.maximumf %add3A_272, %max3A_274 : vector<2x400x128xf32>
    %get3A_276 = arith.constant 0 : index
    %get3A_277 = arith.constant 10 : index
    %get3A_278 = arith.constant 0 : index
    %get3A_279 = arith.constant 0 : index
    %get3A_280 = vector.load %arg2[%get3A_276, %get3A_277, %get3A_278, %get3A_279] : memref<2x16x400x128xf32, #tpu.memory_space<vmem>>, vector<2x1x400x128xf32>
    %get3A_281 = vector.shape_cast %get3A_280 : vector<2x1x400x128xf32> to vector<2x400x128xf32>
    %mul3A_282 = arith.mulf %max3A_275, %get3A_281 : vector<2x400x128xf32>
    %add3A_283 = arith.addf %add3A_267, %mul3A_282 : vector<2x400x128xf32>
    %slice3A_284 = vector.extract_strided_slice %reshape3A_76 {offsets = [0, 0, 1408], sizes = [2, 400, 128], strides = [1, 1, 1]} : vector<2x400x2048xf32> to vector<2x400x128xf32>
    %mul3A_285 = vector.broadcast %mul3A_100 : vector<1x400x1xf32> to vector<2x400x128xf32>
    %mul3A_286 = arith.mulf %slice3A_284, %mul3A_285 : vector<2x400x128xf32>
    %add3A_287 = vector.broadcast %sub3A_106 : vector<1x400x1xf32> to vector<2x400x128xf32>
    %add3A_288 = arith.addf %mul3A_286, %add3A_287 : vector<2x400x128xf32>
    %max3A_289 = arith.constant 0.000000e+00 : f32
    %max3A_290 = vector.broadcast %max3A_289 : f32 to vector<2x400x128xf32>
    %max3A_291 = arith.maximumf %add3A_288, %max3A_290 : vector<2x400x128xf32>
    %get3A_292 = arith.constant 0 : index
    %get3A_293 = arith.constant 11 : index
    %get3A_294 = arith.constant 0 : index
    %get3A_295 = arith.constant 0 : index
    %get3A_296 = vector.load %arg2[%get3A_292, %get3A_293, %get3A_294, %get3A_295] : memref<2x16x400x128xf32, #tpu.memory_space<vmem>>, vector<2x1x400x128xf32>
    %get3A_297 = vector.shape_cast %get3A_296 : vector<2x1x400x128xf32> to vector<2x400x128xf32>
    %mul3A_298 = arith.mulf %max3A_291, %get3A_297 : vector<2x400x128xf32>
    %add3A_299 = arith.addf %add3A_283, %mul3A_298 : vector<2x400x128xf32>
    %slice3A_300 = vector.extract_strided_slice %reshape3A_76 {offsets = [0, 0, 1536], sizes = [2, 400, 128], strides = [1, 1, 1]} : vector<2x400x2048xf32> to vector<2x400x128xf32>
    %mul3A_301 = vector.broadcast %mul3A_100 : vector<1x400x1xf32> to vector<2x400x128xf32>
    %mul3A_302 = arith.mulf %slice3A_300, %mul3A_301 : vector<2x400x128xf32>
    %add3A_303 = vector.broadcast %sub3A_106 : vector<1x400x1xf32> to vector<2x400x128xf32>
    %add3A_304 = arith.addf %mul3A_302, %add3A_303 : vector<2x400x128xf32>
    %max3A_305 = arith.constant 0.000000e+00 : f32
    %max3A_306 = vector.broadcast %max3A_305 : f32 to vector<2x400x128xf32>
    %max3A_307 = arith.maximumf %add3A_304, %max3A_306 : vector<2x400x128xf32>
    %get3A_308 = arith.constant 0 : index
    %get3A_309 = arith.constant 12 : index
    %get3A_310 = arith.constant 0 : index
    %get3A_311 = arith.constant 0 : index
    %get3A_312 = vector.load %arg2[%get3A_308, %get3A_309, %get3A_310, %get3A_311] : memref<2x16x400x128xf32, #tpu.memory_space<vmem>>, vector<2x1x400x128xf32>
    %get3A_313 = vector.shape_cast %get3A_312 : vector<2x1x400x128xf32> to vector<2x400x128xf32>
    %mul3A_314 = arith.mulf %max3A_307, %get3A_313 : vector<2x400x128xf32>
    %add3A_315 = arith.addf %add3A_299, %mul3A_314 : vector<2x400x128xf32>
    %slice3A_316 = vector.extract_strided_slice %reshape3A_76 {offsets = [0, 0, 1664], sizes = [2, 400, 128], strides = [1, 1, 1]} : vector<2x400x2048xf32> to vector<2x400x128xf32>
    %mul3A_317 = vector.broadcast %mul3A_100 : vector<1x400x1xf32> to vector<2x400x128xf32>
    %mul3A_318 = arith.mulf %slice3A_316, %mul3A_317 : vector<2x400x128xf32>
    %add3A_319 = vector.broadcast %sub3A_106 : vector<1x400x1xf32> to vector<2x400x128xf32>
    %add3A_320 = arith.addf %mul3A_318, %add3A_319 : vector<2x400x128xf32>
    %max3A_321 = arith.constant 0.000000e+00 : f32
    %max3A_322 = vector.broadcast %max3A_321 : f32 to vector<2x400x128xf32>
    %max3A_323 = arith.maximumf %add3A_320, %max3A_322 : vector<2x400x128xf32>
    %get3A_324 = arith.constant 0 : index
    %get3A_325 = arith.constant 13 : index
    %get3A_326 = arith.constant 0 : index
    %get3A_327 = arith.constant 0 : index
    %get3A_328 = vector.load %arg2[%get3A_324, %get3A_325, %get3A_326, %get3A_327] : memref<2x16x400x128xf32, #tpu.memory_space<vmem>>, vector<2x1x400x128xf32>
    %get3A_329 = vector.shape_cast %get3A_328 : vector<2x1x400x128xf32> to vector<2x400x128xf32>
    %mul3A_330 = arith.mulf %max3A_323, %get3A_329 : vector<2x400x128xf32>
    %add3A_331 = arith.addf %add3A_315, %mul3A_330 : vector<2x400x128xf32>
    %slice3A_332 = vector.extract_strided_slice %reshape3A_76 {offsets = [0, 0, 1792], sizes = [2, 400, 128], strides = [1, 1, 1]} : vector<2x400x2048xf32> to vector<2x400x128xf32>
    %mul3A_333 = vector.broadcast %mul3A_100 : vector<1x400x1xf32> to vector<2x400x128xf32>
    %mul3A_334 = arith.mulf %slice3A_332, %mul3A_333 : vector<2x400x128xf32>
    %add3A_335 = vector.broadcast %sub3A_106 : vector<1x400x1xf32> to vector<2x400x128xf32>
    %add3A_336 = arith.addf %mul3A_334, %add3A_335 : vector<2x400x128xf32>
    %max3A_337 = arith.constant 0.000000e+00 : f32
    %max3A_338 = vector.broadcast %max3A_337 : f32 to vector<2x400x128xf32>
    %max3A_339 = arith.maximumf %add3A_336, %max3A_338 : vector<2x400x128xf32>
    %get3A_340 = arith.constant 0 : index
    %get3A_341 = arith.constant 14 : index
    %get3A_342 = arith.constant 0 : index
    %get3A_343 = arith.constant 0 : index
    %get3A_344 = vector.load %arg2[%get3A_340, %get3A_341, %get3A_342, %get3A_343] : memref<2x16x400x128xf32, #tpu.memory_space<vmem>>, vector<2x1x400x128xf32>
    %get3A_345 = vector.shape_cast %get3A_344 : vector<2x1x400x128xf32> to vector<2x400x128xf32>
    %mul3A_346 = arith.mulf %max3A_339, %get3A_345 : vector<2x400x128xf32>
    %add3A_347 = arith.addf %add3A_331, %mul3A_346 : vector<2x400x128xf32>
    %slice3A_348 = vector.extract_strided_slice %reshape3A_76 {offsets = [0, 0, 1920], sizes = [2, 400, 128], strides = [1, 1, 1]} : vector<2x400x2048xf32> to vector<2x400x128xf32>
    %mul3A_349 = vector.broadcast %mul3A_100 : vector<1x400x1xf32> to vector<2x400x128xf32>
    %mul3A_350 = arith.mulf %slice3A_348, %mul3A_349 : vector<2x400x128xf32>
    %add3A_351 = vector.broadcast %sub3A_106 : vector<1x400x1xf32> to vector<2x400x128xf32>
    %add3A_352 = arith.addf %mul3A_350, %add3A_351 : vector<2x400x128xf32>
    %max3A_353 = arith.constant 0.000000e+00 : f32
    %max3A_354 = vector.broadcast %max3A_353 : f32 to vector<2x400x128xf32>
    %max3A_355 = arith.maximumf %add3A_352, %max3A_354 : vector<2x400x128xf32>
    %get3A_356 = arith.constant 0 : index
    %get3A_357 = arith.constant 15 : index
    %get3A_358 = arith.constant 0 : index
    %get3A_359 = arith.constant 0 : index
    %get3A_360 = vector.load %arg2[%get3A_356, %get3A_357, %get3A_358, %get3A_359] : memref<2x16x400x128xf32, #tpu.memory_space<vmem>>, vector<2x1x400x128xf32>
    %get3A_361 = vector.shape_cast %get3A_360 : vector<2x1x400x128xf32> to vector<2x400x128xf32>
    %mul3A_362 = arith.mulf %max3A_355, %get3A_361 : vector<2x400x128xf32>
    %add3A_363 = arith.addf %add3A_347, %mul3A_362 : vector<2x400x128xf32>
    %swap3A = arith.constant 0 : index
    %swap3A_364 = arith.constant 0 : index
    %swap3A_365 = arith.constant 0 : index
    %swap3A_366 = vector.load %arg12[%swap3A, %swap3A_364, %swap3A_365] : memref<2x400x128xf32, #tpu.memory_space<vmem>>, vector<2x400x128xf32>
    tpu.vector_store %arg12[%swap3A, %swap3A_364, %swap3A_365], %add3A_363 {strides = array<i32>} : memref<2x400x128xf32, #tpu.memory_space<vmem>>, vector<2x400x128xf32>,
    return
  }
  func.func @transform_0(%arg0: i32) -> (i32, i32, i32, i32) {
    %c0_i32 = arith.constant 0 : i32
    %c0_i32_0 = arith.constant 0 : i32
    %c0_i32_1 = arith.constant 0 : i32
    %c0_i32_2 = arith.constant 0 : i32
    return %c0_i32, %c0_i32_0, %arg0, %c0_i32_1 : i32, i32, i32, i32
  }
  func.func @transform_1(%arg0: i32) -> (i32, i32, i32, i32) {
    %c0_i32 = arith.constant 0 : i32
    %c0_i32_0 = arith.constant 0 : i32
    %c0_i32_1 = arith.constant 0 : i32
    %c0_i32_2 = arith.constant 0 : i32
    return %c0_i32, %c0_i32_0, %arg0, %c0_i32_1 : i32, i32, i32, i32
  }
  func.func @transform_2(%arg0: i32) -> (i32, i32, i32) {
    %c0_i32 = arith.constant 0 : i32
    %c0_i32_0 = arith.constant 0 : i32
    %c0_i32_1 = arith.constant 0 : i32
    return %c0_i32, %arg0, %c0_i32_0 : i32, i32, i32
  }
  func.func @transform_3(%arg0: i32) -> (i32, i32) {
    %c0_i32 = arith.constant 0 : i32
    %c0_i32_0 = arith.constant 0 : i32
    %c0_i32_1 = arith.constant 0 : i32
    return %c0_i32, %c0_i32_0 : i32, i32
  }
  func.func @transform_4(%arg0: i32) -> (i32, i32) {
    %c0_i32 = arith.constant 0 : i32
    %c0_i32_0 = arith.constant 0 : i32
    %c0_i32_1 = arith.constant 0 : i32
    return %c0_i32, %c0_i32_0 : i32, i32
  }
  func.func @transform_5(%arg0: i32) -> (i32, i32) {
    %c0_i32 = arith.constant 0 : i32
    %c0_i32_0 = arith.constant 0 : i32
    return %arg0, %c0_i32 : i32, i32
  }
  func.func @transform_6(%arg0: i32) -> (i32, i32) {
    %c0_i32 = arith.constant 0 : i32
    %c0_i32_0 = arith.constant 0 : i32
    return %arg0, %c0_i32 : i32, i32
  }
  func.func @transform_7(%arg0: i32) -> (i32, i32) {
    %c0_i32 = arith.constant 0 : i32
    %c0_i32_0 = arith.constant 0 : i32
    %c0_i32_1 = arith.constant 0 : i32
    return %c0_i32, %c0_i32_0 : i32, i32
  }
  func.func @transform_8(%arg0: i32) -> (i32, i32) {
    %c0_i32 = arith.constant 0 : i32
    %c0_i32_0 = arith.constant 0 : i32
    %c0_i32_1 = arith.constant 0 : i32
    return %c0_i32, %c0_i32_0 : i32, i32
  }
  func.func @transform_9(%arg0: i32) -> (i32, i32) {
    %c0_i32 = arith.constant 0 : i32
    %c0_i32_0 = arith.constant 0 : i32
    return %arg0, %c0_i32 : i32, i32
  }
  func.func @transform_10(%arg0: i32) -> (i32, i32) {
    %c0_i32 = arith.constant 0 : i32
    %c0_i32_0 = arith.constant 0 : i32
    return %arg0, %c0_i32 : i32, i32
  }
  func.func @transform_11(%arg0: i32) -> (i32, i32, i32) {
    %c0_i32 = arith.constant 0 : i32
    %c0_i32_0 = arith.constant 0 : i32
    %c0_i32_1 = arith.constant 0 : i32
    return %c0_i32, %arg0, %c0_i32_0 : i32, i32, i32
  }
}

</mosaic_0001>

<sc_bundles>
// kernel: kernel.11.cloned.1.call-start
scs
__scs_entry_jumppad:
0x0: {  	(pc) =	sbr.rel $0x88, $3  }
0x1: {  	(tag) =	ssettag $0x0;
	lr =	simm.s32 $0x1  }
0x2: {  	[smem:$0x3F96] =	sst lr;
	_ =	strace $0xD0000000  }
0x3: {  	_ = 	snop  }
0x4: {  	_ = 	snop  }
0x5: {  	_ = 	snop  }
0x6: {  	_ = 	snop  }
0x7: {  	_ = 	snop  }
__scs_overlays_trampoline_lowered:
0x8: {  	[smem:$0x3FA5] =	sst s0  }
0x9: {  	[smem:$0x3FA6] =	sst s1  }
0xa: {  	[smem:$0x3FA7] =	sst s2  }
0xb: {  	[smem:$0x3FA8] =	sst s3  }
0xc: {  	[smem:$0x3FA9] =	sst s4  }
0xd: {  	[smem:$0x3FAA] =	sst s5  }
0xe: {  	[smem:$0x3FAB] =	sst s6  }
0xf: {  	[smem:$0x3FAC] =	sst s7  }
0x10: {  	[smem:$0x3FAD] =	sst s8  }
0x11: {  	[smem:$0x3FAE] =	sst s9;
	s0 =	simm.s32 @!p0 $0x0  }
0x12: {  	s1 =	sld [smem:$0x3F94];
	s0 =	simm.s32 @p0 $0x1  }
0x13: {  	[smem:$0x3FAF] =	sst s0;
	s0 =	simm.s32 @!p1 $0x0  }
0x14: {  	s2 =	sld [smem:$0x3F93];
	s0 =	simm.s32 @p1 $0x1  }
0x15: {  	[smem:$0x3FB0] =	sst s0;
	s0 =	simm.s32 @!p2 $0x0  }
0x16: {  	s3 =	sld [smem:$0x3FDB];
	s0 =	simm.s32 @p2 $0x1  }
0x17: {  	s4 =	simm.s32 $0x1BF5;
	[smem:$0x3FB2] =	sst s0  }
0x18: {  	s0 =	sld [smem:$0x3F95];
	_ =	swait.ge [sflag:s4], $0x0  }
0x19: {  	s7 =	sld [smem:$0x3F96]  }
0x1a: {  	s8 =	sadd.s32 $0xFFFFE003, lr  }
0x1b: {  	s9 =	sadd.s32 $0xFFFFFEF7, lr;
	s5 =	simm.s32 $0xFFFFFFFF;
	p2 =	slt.u32 s8, $0xFFFFF086  }
0x1c: {  	p1 =	slt.u32 s9, $0xF7A;
	s5 =	simm.s32 @!p2 $0x0  }
0x1d: {  	s5 =	simm.s32 @p1 $0x1;
	p0 =	seq.s32 s7, s2  }
0x1e: {  	s7 =	smul.u32 @!p0 $0xF7A, s2;
	p2 =	seq.s32 @!p0 s5, $0x0  }
0x1f: {  	s9 =	smul.u32 $0xF7A, s1;
	s8 =	simm.s32 @!p0 $0x1BF5;
	p2 =	por !p2, p0  }
0x20: {  	[sflag:s8] =	ssyncset.s32 @!p0 $0xFFFFF086;
	s6 =	sadd.s32 @!p0 s3, s7;
	s7 =	simm.s32 @!p0 $0x108  }
0x21: {  	s3 =	sadd.s32 s3, s9;
	s6 =	sadd.s32 @!p0 $0x88, s6;
	s7 =	simm.s32 @p2 $0x1082  }
0x22: {  	[simem:s7], [sflag:s8] =	dma.local @!p0 [hbm:s6], $0xF7A  }
0x23: {  	s9 =	sor.u32 $0xD0000000, s2;
	s6 =	simm.s32 $0x108;
	_ =	swait.ge @!p0 [sflag:s8], $0x0  }
0x24: {  	s3 =	sadd.s32 $0x88, s3;
	s6 =	simm.s32 @!p1 $0x1082;
	[sflag:s4] =	ssyncset.s32 $0xFFFFF086  }
0x25: {  	[simem:s6], [sflag:s4] =	dma.local [hbm:s3], $0xF7A  }
0x26: {  	[smem:$0x3F96] =	sst s1;
	(tag) =	ssettag s2;
	_ =	strace s9  }
0x27: {  	s1 =	sld [smem:$0x3FA6]  }
0x28: {  	s2 =	sld [smem:$0x3FA7]  }
0x29: {  	s4 =	sld [smem:$0x3FA9]  }
0x2a: {  	p0 =	seq.s32 s5, $0x0;
	s5 =	sld [smem:$0x3FAA]  }
0x2b: {  	s6 =	sld [smem:$0x3FAB]  }
0x2c: {  	s7 =	sld [smem:$0x3FAC]  }
0x2d: {  	s3 =	simm.s32 $0x108;
	s8 =	sld [smem:$0x3FAD]  }
0x2e: {  	s3 =	simm.s32 @!p0 $0x1082;
	s9 =	sld [smem:$0x3FAE]  }
0x2f: {  	lr =	sadd.s32 s0, s3;
	s0 =	sld [smem:$0x3FA5]  }
0x30: {  	s3 =	sld [smem:$0x3FA8]  }
0x31: {  	[smem:$0x3FB1] =	sst s10  }
0x32: {  	s10 =	sld [smem:$0x3FAF];
	_ =	sdelay $0x3  }
0x33: {  	p0 =	seq.s32 s10, $0x1;
	s10 =	sld [smem:$0x3FB1];
	_ =	sdelay $0x3  }
0x34: {  	[smem:$0x3FB1] =	sst s10  }
0x35: {  	s10 =	sld [smem:$0x3FB0];
	_ =	sdelay $0x3  }
0x36: {  	p1 =	seq.s32 s10, $0x1;
	s10 =	sld [smem:$0x3FB1];
	_ =	sdelay $0x3  }
0x37: {  	[smem:$0x3FB1] =	sst s10  }
0x38: {  	s10 =	sld [smem:$0x3FB2]  }
0x39: {  	_ = 	snop;
	(pc) =	sbr.ind lr, $3  }
0x3a: {  	_ = 	snop  }
0x3b: {  	_ = 	snop  }
0x3c: {  	p2 =	seq.s32 s10, $0x1;
	s10 =	sld [smem:$0x3FB1]  }
0x3d: {  	_ =	shalt  }
0x3e: {  	_ =	shalt  }
0x3f: {  	_ =	shalt  }
0x40: {  	_ =	shalt  }
0x41: {  	_ =	shalt  }
0x42: {  	_ =	shalt  }
0x43: {  	_ =	shalt  }
0x44: {  	_ =	shalt  }
0x45: {  	_ =	shalt  }
0x46: {  	_ =	shalt  }
0x47: {  	_ =	shalt  }
0x48: {  	_ =	shalt  }
0x49: {  	_ =	shalt  }
0x4a: {  	_ =	shalt  }
0x4b: {  	_ =	shalt  }
0x4c: {  	_ =	shalt  }
0x4d: {  	_ =	shalt  }
0x4e: {  	_ =	shalt  }
0x4f: {  	_ =	shalt  }
0x50: {  	_ =	shalt  }
0x51: {  	_ =	shalt  }
0x52: {  	_ =	shalt  }
0x53: {  	_ =	shalt  }
0x54: {  	_ =	shalt  }
0x55: {  	_ =	shalt  }
0x56: {  	_ =	shalt  }
0x57: {  	_ =	shalt  }
0x58: {  	_ =	shalt  }
0x59: {  	_ =	shalt  }
0x5a: {  	_ =	shalt  }
0x5b: {  	_ =	shalt  }
0x5c: {  	_ =	shalt  }
0x5d: {  	_ =	shalt  }
0x5e: {  	_ =	shalt  }
0x5f: {  	_ =	shalt  }
0x60: {  	_ =	shalt  }
0x61: {  	_ =	shalt  }
0x62: {  	_ =	shalt  }
0x63: {  	_ =	shalt  }
0x64: {  	_ =	shalt  }
0x65: {  	_ =	shalt  }
0x66: {  	_ =	shalt  }
0x67: {  	_ =	shalt  }
0x68: {  	_ =	shalt  }
0x69: {  	_ =	shalt  }
0x6a: {  	_ =	shalt  }
0x6b: {  	_ =	shalt  }
0x6c: {  	_ =	shalt  }
0x6d: {  	_ =	shalt  }
0x6e: {  	_ =	shalt  }
0x6f: {  	_ =	shalt  }
0x70: {  	_ =	shalt  }
0x71: {  	_ =	shalt  }
0x72: {  	_ =	shalt  }
0x73: {  	_ =	shalt  }
0x74: {  	_ =	shalt  }
0x75: {  	_ =	shalt  }
0x76: {  	_ =	shalt  }
0x77: {  	_ =	shalt  }
0x78: {  	_ =	shalt  }
0x79: {  	_ =	shalt  }
0x7a: {  	_ =	shalt  }
0x7b: {  	_ =	shalt  }
0x7c: {  	_ =	shalt  }
0x7d: {  	_ =	shalt  }
0x7e: {  	_ =	shalt  }
0x7f: {  	_ =	shalt  }
0x80: {  	_ =	shalt  }
0x81: {  	_ =	shalt  }
0x82: {  	_ =	shalt  }
0x83: {  	_ =	shalt  }
0x84: {  	_ =	shalt  }
0x85: {  	_ =	shalt  }
0x86: {  	_ =	shalt  }
0x87: {  	_ =	shalt  }
.Lfunc_end0:
.L_simem_size_0:
called_computation.1_lowered:
.L_overlay_start_0:
0x88: {  	s2 =	sld [smem:$0x3FD9]  }
0x89: {  	s3 =	sld [smem:$0x3FFE];
	_ =	sdelay $0x1  }
0x8a: {  	s1 =	srdreg.scid  }
0x8b: {  	s0 =	sand.u32 $0x1, s1  }
0x8c: {  	s14 =	sshll.u32 s0, $0xA;
	s2 =	sadd.s32 s3, s2  }
0x8d: {  	s2 =	sadd.s32 s2, s14  }
0x8e: {  	[smem:$0x3FBD] =	sst s2  }
0x8f: {  	_ = 	snop  }
0x90: {  	s2 =	sld [smem:$0x3FD0];
	_ =	sdelay $0x2  }
0x91: {  	s4 =	simm.s32 $0xC;
	s5 =	simm.s32 $0x10;
	s15 =	sld [smem:$0x3FC9]  }
0x92: {  	[smem:s5], [sflag:s4] =	dma.local [hbm:s2], $0x1  }
0x93: {  	_ =	swait.eq [sflag:s4], $0x1  }
0x94: {  	[sflag:s4] =	ssyncset.done $0x0  }
0x95: {  	[sflag:s4] =	ssyncadd.s32 $0xFFFFFFFF  }
0x96: {  	s16 =	sld [smem:$0x12];
	(tm) =	ssettm $0x1  }
0x97: {  	s17 =	sld [smem:$0x3FFB];
	_ =	sdelay $0x3  }
0x98: {  	_ =	strace s17  }
0x99: {  	s4 =	sld [smem:$0x3FFC];
	_ =	sdelay $0x3  }
0x9a: {  	_ =	strace s4  }
0x9b: {  	s4 =	sld [smem:$0x3FFD];
	_ =	sdelay $0x3  }
0x9c: {  	_ =	strace s4  }
0x9d: {  	_ =	strace $0x8FFFFFFF  }
0x9e: {  	s18 =	sld [smem:$0x3FDB];
	_ =	sdelay $0x1  }
0x9f: {  	s19 =	simm.s32 $_scs_section_size  }
0xa0: {  	s6 =	simm.s32 $_size__tile_overlayer_lowered;
	s7 =	simm.s32 $_tile_overlayer_lowered  }
0xa1: {  	s22 =	simm.s32 $0x1BFF;
	s21 =	sshll.u32 s7, $0x1;
	s4 =	sadd.s32 s19, s18  }
0xa2: {  	s8 =	simm.s32 $0x0;
	s20 =	sshll.u32 s6, $0x1;
	s6 =	sadd.s32 s21, s4  }
0xa3: {  	[timem:s8], [sflag:s22] =	dma.local [hbm:s6], s20  }
0xa4: {  	_ =	swait.ge [sflag:s22], s20  }
0xa5: {  	s5 =	ssub.s32 $0x0, s20;
	[sflag:s22] =	ssyncset.done $0x0  }
0xa6: {  	[sflag:s22] =	ssyncadd.s32 s5;
	_ =	sdelay $0x1  }
0xa7: {  	s23 =	simm.s32 $0x1B8B  }
0xa8: {  	_ =	swait.ge [sflag:s23], $0x1  }
0xa9: {  	[sflag:s23] =	ssyncset.done $0x0  }
0xaa: {  	s25 =	simm.s32 $0x1B8E;
	s24 =	sld [smem:$0x3FFE];
	[sflag:s23] =	ssyncadd.s32 $0xFFFFFFFF  }
0xab: {  	s26 =	simm.s32 $execute0_lowered;
	[smem:$0x3FD2] =	sst s25  }
0xac: {  	s6 =	sshll.u32 s26, $0x1;
	_ =	strace $0x80000046;
	[dreg:$0x1] =	wrdreg $0xFFFFFFFF  }
0xad: {  	s28 =	simm.s32 $_size_execute0_lowered;
	s4 =	sadd.s32 s4, s6;
	[dreg:$0x0] =	wrdreg $0x0  }
0xae: {  	s6 =	sshll.u32 s28, $0x1;
	[dreg:$0x2] =	wrdreg s4  }
0xaf: {  	[dreg:$0x3] =	wrdreg s6  }
0xb0: {  	[dreg:$0x4] =	wrdreg $0xC0  }
0xb1: {  	_ =	task [dreg:s8], $0x5FFFF  }
0xb2: {  	[dreg:$0x1] =	wrdreg $0xFFFFFFFF  }
0xb3: {  	[dreg:$0x0] =	wrdreg $0x60  }
0xb4: {  	[dreg:$0x2] =	wrdreg s15  }
0xb5: {  	[dreg:$0x3] =	wrdreg s16  }
0xb6: {  	[dreg:$0x4] =	wrdreg s24  }
0xb7: {  	[dreg:$0x5] =	wrdreg $0xA  }
0xb8: {  	_ =	task.clear_ibuf [dreg:s8], $0x6FFFF;
	_ =	strace $0x90000046  }
0xb9: {  	s29 =	simm.s32 $0xA;
	_ =	strace $0x80000048  }
0xba: {  	_ =	swait.ge [sflag:s29], $0x1  }
0xbb: {  	[sflag:s29] =	ssyncadd.s32 $0xFFFFFFFF  }
0xbc: {  	_ =	strace $0x90000048  }
0xbd: {  	_ =	sfence  }
0xbe: {  	s30 =	sld [smem:$0x0];
	_ =	sdelay $0x2  }
0xbf: {  	s31 =	sshll.u32 s1, $0xD;
	s1 =	sshrl.u32 s1, $0x2  }
0xc0: {  	s3 =	sand.u32 $0x4000, s31;
	s1 =	sadd.s32 s1, s30  }
0xc1: {  	s0 =	sor.u32 s3, s0;
	s1 =	sshll.u32 s1, $0x11  }
0xc2: {  	s0 =	sor.u32 s1, s0  }
0xc3: {  	s0 =	sadd.s32 $0x8F2B, s0  }
0xc4: {  	[sflag:s0] =	ssyncadd.remote.s32 $0x1  }
0xc5: {  	_ =	sfence.sel $0xFFFF  }
0xc6: {  	[dreg:$0x0] =	wrdreg $0xFFFFFFFF;
	(pc) =	sbr.abs _section_cstart, $3  }
0xc7: {  	[dreg:$0x1] =	wrdreg $0xFFFFFFFF  }
0xc8: {  	_ =	task.clear_ibuf [dreg:s8], $0x2FFFF;
	_ =	strace $0x9FFFFFFF  }
0xc9: {  	(tm) =	ssettm $0x7FFFFFFF  }
tec
execute0_lowered:
.L_overlay_start_1:
0x0: {  	(tag) =	ssettag $0x1  }
0x1: {  	s1 =	rddreg [dreg:$0x0]  }
0x2: {  	s0 =	srdreg.scid;
	s3 =	rddreg [dreg:$0x1]  }
0x3: {  	s13 =	stileid.u32;
	s5 =	rddreg [dreg:$0x2]  }
0x4: {  	s4 =	simm.s32 $0x0;
	s17 =	simm.s32 $0xE10;
	s11 =	smul.u32 $0x1C20, s13  }
0x5: {  	s18 =	simm.s32 $0x48;
	s19 =	simm.s32 $0x1C20;
	s24 =	smul.u32 $0x3840, s13  }
0x6: {  	s30 =	simm.s32 $0x0;
	s0 =	sand.u32 $0x1, s0;
	s26 =	smul.u32 $0x1C200, s13  }
0x7: {  	s2 =	sshll.u32 s13, $0x1;
	[smem:$0x7FF] =	sst s4;
	s12 =	smul.u32 $0xE10, s0  }
0x8: {  	s15 =	sadd.s32 $0xD800, s5;
	s2 =	sor.u32 s0, s2;
	s25 =	smul.u32 $0x1C20, s0  }
0x9: {  	_ =	strace $0x80000047;
	s7 =	ssub.s32 $0x2, s0;
	s0 =	smul.u32 $0xE100, s0  }
0xa: {  	s2 =	smul.u32 $0xE10, s2;
	s8 =	sshrl.u32 s7, $0x1;
	s28 =	sadd.s32 s26, s15  }
0xb: {  	s26 =	simm.s32 $0x4;
	s7 =	ssub.s32 s7, s8;
	s12 =	sadd.s32 s12, s11  }
0xc: {  	s13 =	sadd.s32 s0, s28;
	s6 =	sshrl.u32 s2, $0x3;
	s9 =	sadd.s32 $0xD80, s2  }
0xd: {  	s2 =	sadd.s32 $0xDC8, s2;
	s11 =	smax.u32 s7, $0x1;
	s12 =	sadd.s32 $0x48, s12  }
0xe: {  	s6 =	sadd.s32 s6, s5;
	s5 =	sadd.s32 $0x1CF800, s5;
	s20 =	sshll.u32 s9, $0x4  }
0xf: {  	s22 =	sshll.u32 s9, $0x1;
	s23 =	sshll.u32 s2, $0x4;
	s2 =	sshll.u32 s2, $0x1  }
0x10: {  	s16 =	sshrl.u32 s12, $0x3;
	s10 =	sadd.s32 $0x9E00, s6;
	s6 =	sadd.s32 $0x6400, s6  }
0x11: {  	s21 =	sadd.s32 s15, s20;
	s9 =	sadd.s32 s15, s23;
	s29 =	sshll.u32 s16, $0x4  }
0x12: {  	s31 =	sshll.u32 s16, $0x7;
	s16 =	simm.s32 $0x5;
	[dreg:$0x4] =	wrdreg s10  }
0x13: {  	s20 =	simm.s32 $0x6420;
	s23 =	simm.s32 $0x1;
	[dreg:$0x5] =	wrdreg s6  }
0x14: {  	[dreg:$0x6] =	wrdreg s21;
	s6 =	sadd.s32 s5, s22;
	s10 =	sadd.s32 s5, s2  }
0x15: {  	s14 =	sadd.s32 s29, s5;
	s15 =	sadd.s32 s31, s15;
	s21 =	simm.s32 $0x4020  }
0x16: {  	s22 =	simm.s32 $0x68A0;
	[dreg:$0x7] =	wrdreg s6;
	s6 =	sadd.s32 s24, s5  }
0x17: {  	s24 =	simm.s32 $0x3;
	s12 =	sadd.s32 s25, s6;
	s25 =	simm.s32 $0x2  }
.LBB2_1:
0x18: {  	s0 =	rddreg [dreg:$0x4]  }
0x19: {  	[tilespmem:s4], [sflag:$0x5] =	stream.linear.gather [hbm4b:s0+s4], $0xE10, $0x38;
	[tilespmem:$0x6D20] =	vst v63  }
0x1a: {  	_ =	swait.ge [sflag:s16], $0xE10  }
0x1b: {  	[sflag:s16] =	ssyncset.done $0x0  }
0x1c: {  	s2 =	rddreg [dreg:$0x5];
	[sflag:s16] =	ssyncadd.s32 $0xFFFFF1F0  }
0x1d: {  	[tilespmem:s17], [sflag:$0x5] =	stream.linear.gather [hbm4b:s2+s4], $0xE10, $0x38;
	[tilespmem:$0x6D20] =	vst v63  }
0x1e: {  	_ =	swait.ge [sflag:s16], $0xE10  }
0x1f: {  	[sflag:s16] =	ssyncset.done $0x0  }
0x20: {  	[sflag:s16] =	ssyncadd.s32 $0xFFFFF1F0  }
0x21: {  	[tilespmem:s19], [sflag:$0x1] =	stream.indirect.gather [hbm4b:s1+s18], $0x80, s4, s18, $0xb8;
	[tilespmem:$0x6D20] =	vst v63  }
0x22: {  	_ = 	snop  }
0x23: {  	[tilespmem:s20], [sflag:$0x3] =	stream.indirect.gather [hbm4b:s3+s18], $0x10, s17, s18, $0xb8;
	[tilespmem:$0x6D20] =	vst v63  }
0x24: {  	s5 =	simm.s32 $0x48  }
0x25: {  	[tilespmem:s21], [sflag:$0x2] =	stream.indirect.gather [hbm4b:s1+s18], $0x80, s5, s18, $0xb8;
	[tilespmem:$0x6D20] =	vst v63  }
0x26: {  	s6 =	simm.s32 $0xE58  }
0x27: {  	[tilespmem:s22], [sflag:$0x4] =	stream.indirect.gather [hbm4b:s3+s18], $0x10, s6, s18, $0xb8;
	[tilespmem:$0x6D20] =	vst v63  }
0x28: {  	_ =	swait.ge [sflag:s23], $0x2400  }
0x29: {  	[sflag:s23] =	ssyncset.done $0x0  }
0x2a: {  	[sflag:s23] =	ssyncadd.s32 $0xFFFFDC00  }
0x2b: {  	_ =	swait.ge [sflag:s24], $0x480  }
0x2c: {  	[sflag:s24] =	ssyncset.done $0x0  }
0x2d: {  	[sflag:s24] =	ssyncadd.s32 $0xFFFFFB80  }
0x2e: {  	[hbm4b:s13+s4] =	stream.linear.scatter [tilespmem:s19], [sflag:$0x5], $0x2400, $0x38;
	[tilespmem:$0x6D20] =	vst v63  }
0x2f: {  	_ =	swait.ge [sflag:s16], $0x2400  }
0x30: {  	[sflag:s16] =	ssyncset.done $0x0  }
0x31: {  	[sflag:s16] =	ssyncadd.s32 $0xFFFFDC00  }
0x32: {  	[hbm4b:s12+s4] =	stream.linear.scatter [tilespmem:s20], [sflag:$0x5], $0x480, $0x38;
	[tilespmem:$0x6D20] =	vst v63  }
0x33: {  	_ =	swait.ge [sflag:s16], $0x480  }
0x34: {  	[sflag:s16] =	ssyncset.done $0x0  }
0x35: {  	s7 =	simm.s32 $0x90;
	[sflag:s16] =	ssyncadd.s32 $0xFFFFFB80  }
0x36: {  	[tilespmem:s19], [sflag:$0x1] =	stream.indirect.gather [hbm4b:s1+s18], $0x80, s7, s18, $0xb8;
	[tilespmem:$0x6D20] =	vst v63  }
0x37: {  	s8 =	simm.s32 $0xEA0  }
0x38: {  	[tilespmem:s20], [sflag:$0x3] =	stream.indirect.gather [hbm4b:s3+s18], $0x10, s8, s18, $0xb8;
	[tilespmem:$0x6D20] =	vst v63  }
0x39: {  	_ =	swait.ge [sflag:s25], $0x2400  }
0x3a: {  	[sflag:s25] =	ssyncset.done $0x0  }
0x3b: {  	[sflag:s25] =	ssyncadd.s32 $0xFFFFDC00  }
0x3c: {  	_ =	swait.ge [sflag:s26], $0x480  }
0x3d: {  	[sflag:s26] =	ssyncset.done $0x0  }
0x3e: {  	[sflag:s26] =	ssyncadd.s32 $0xFFFFFB80  }
0x3f: {  	[hbm4b:s15+s4] =	stream.linear.scatter [tilespmem:s21], [sflag:$0x5], $0x2400, $0x38;
	[tilespmem:$0x6D20] =	vst v63  }
0x40: {  	_ =	swait.ge [sflag:s16], $0x2400  }
0x41: {  	[sflag:s16] =	ssyncset.done $0x0  }
0x42: {  	s31 =	sadd.s32 $0x900, s15;
	s29 =	simm.s32 $0x90;
	[sflag:s16] =	ssyncadd.s32 $0xFFFFDC00  }
0x43: {  	[hbm4b:s14+s4] =	stream.linear.scatter [tilespmem:s22], [sflag:$0x5], $0x480, $0x38;
	[tilespmem:$0x6D20] =	vst v63  }
0x44: {  	s28 =	sadd.s32 $0x120, s12;
	s0 =	sadd.s32 $0x900, s13;
	_ =	swait.ge [sflag:s16], $0x480  }
0x45: {  	s2 =	sadd.s32 $0x120, s14;
	s5 =	simm.s32 $0x480;
	[sflag:s16] =	ssyncset.done $0x0  }
.LBB2_2:
0x46: {  	s8 =	sadd.s32 $0x48, s29  }
0x47: {  	[sflag:s16] =	ssyncadd.s32 $0xFFFFFB80;
	s6 =	smov.u32 s5;
	s7 =	sadd.s32 $0x240, s5  }
0x48: {  	[tilespmem:s21], [sflag:$0x2] =	stream.indirect.gather [hbm4b:s1+s18], $0x80, s8, s18, $0xb8;
	[tilespmem:$0x6D20] =	vst v63  }
0x49: {  	p0 =	sne.s32 s5, $0x33C0;
	s5 =	sadd.s32 $0xE58, s29  }
0x4a: {  	[tilespmem:s22], [sflag:$0x4] =	stream.indirect.gather [hbm4b:s3+s18], $0x10, s5, s18, $0xb8;
	[tilespmem:$0x6D20] =	vst v63  }
0x4b: {  	_ =	swait.ge [sflag:s23], $0x2400  }
0x4c: {  	[sflag:s23] =	ssyncset.done $0x0  }
0x4d: {  	[sflag:s23] =	ssyncadd.s32 $0xFFFFDC00  }
0x4e: {  	_ =	swait.ge [sflag:s24], $0x480  }
0x4f: {  	[sflag:s24] =	ssyncset.done $0x0  }
0x50: {  	[sflag:s24] =	ssyncadd.s32 $0xFFFFFB80  }
0x51: {  	[hbm4b:s0+s4] =	stream.linear.scatter [tilespmem:s19], [sflag:$0x5], $0x2400, $0x38;
	[tilespmem:$0x6D20] =	vst v63  }
0x52: {  	_ =	swait.ge [sflag:s16], $0x2400  }
0x53: {  	[sflag:s16] =	ssyncset.done $0x0  }
0x54: {  	[sflag:s16] =	ssyncadd.s32 $0xFFFFDC00  }
0x55: {  	[hbm4b:s28+s4] =	stream.linear.scatter [tilespmem:s20], [sflag:$0x5], $0x480, $0x38;
	[tilespmem:$0x6D20] =	vst v63  }
0x56: {  	_ =	swait.ge [sflag:s16], $0x480  }
0x57: {  	[sflag:s16] =	ssyncset.done $0x0  }
0x58: {  	s5 =	sadd.s32 $0x90, s29;
	[sflag:s16] =	ssyncadd.s32 $0xFFFFFB80  }
0x59: {  	[tilespmem:s19], [sflag:$0x1] =	stream.indirect.gather [hbm4b:s1+s18], $0x80, s5, s18, $0xb8;
	[tilespmem:$0x6D20] =	vst v63  }
0x5a: {  	s5 =	sadd.s32 $0xEA0, s29  }
0x5b: {  	[tilespmem:s20], [sflag:$0x3] =	stream.indirect.gather [hbm4b:s3+s18], $0x10, s5, s18, $0xb8;
	[tilespmem:$0x6D20] =	vst v63  }
0x5c: {  	_ =	swait.ge [sflag:s25], $0x2400  }
0x5d: {  	[sflag:s25] =	ssyncset.done $0x0  }
0x5e: {  	[sflag:s25] =	ssyncadd.s32 $0xFFFFDC00  }
0x5f: {  	_ =	swait.ge [sflag:s26], $0x480  }
0x60: {  	[sflag:s26] =	ssyncset.done $0x0  }
0x61: {  	[sflag:s26] =	ssyncadd.s32 $0xFFFFFB80  }
0x62: {  	[hbm4b:s31+s4] =	stream.linear.scatter [tilespmem:s21], [sflag:$0x5], $0x2400, $0x38;
	[tilespmem:$0x6D20] =	vst v63  }
0x63: {  	_ =	swait.ge [sflag:s16], $0x2400  }
.Ltmp0:
0x64: {  	[sflag:s16] =	ssyncset.done $0x0;
	(pc) =	sbr.rel @p0 .LBB2_2-.Ltmp0, $4  }
0x65: {  	s0 =	sadd.s32 $0x900, s0;
	s31 =	sadd.s32 $0x900, s31;
	[sflag:s16] =	ssyncadd.s32 $0xFFFFDC00  }
0x66: {  	[hbm4b:s2+s4] =	stream.linear.scatter [tilespmem:s22], [sflag:$0x5], $0x480, $0x38;
	[tilespmem:$0x6D20] =	vst v63  }
0x67: {  	s28 =	sadd.s32 $0x120, s28;
	s2 =	sadd.s32 $0x120, s2;
	_ =	swait.ge [sflag:s16], $0x480  }
0x68: {  	s29 =	sshra.s32 s6, $0x2;
	s5 =	smov.u32 s7;
	[sflag:s16] =	ssyncset.done $0x0  }
0x69: {  	s5 =	sadd.s32 $0x48, s29;
	[sflag:s16] =	ssyncadd.s32 $0xFFFFFB80  }
0x6a: {  	[tilespmem:s21], [sflag:$0x2] =	stream.indirect.gather [hbm4b:s1+s18], $0x80, s5, s18, $0xb8;
	[tilespmem:$0x6D20] =	vst v63  }
0x6b: {  	s8 =	sadd.s32 $0xE58, s29  }
0x6c: {  	[tilespmem:s22], [sflag:$0x4] =	stream.indirect.gather [hbm4b:s3+s18], $0x10, s8, s18, $0xb8;
	[tilespmem:$0x6D20] =	vst v63  }
0x6d: {  	_ =	swait.ge [sflag:s23], $0x2400  }
0x6e: {  	[sflag:s23] =	ssyncset.done $0x0  }
0x6f: {  	[sflag:s23] =	ssyncadd.s32 $0xFFFFDC00  }
0x70: {  	_ =	swait.ge [sflag:s24], $0x480  }
0x71: {  	[sflag:s24] =	ssyncset.done $0x0  }
0x72: {  	[sflag:s24] =	ssyncadd.s32 $0xFFFFFB80  }
0x73: {  	[hbm4b:s0+s4] =	stream.linear.scatter [tilespmem:s19], [sflag:$0x5], $0x2400, $0x38;
	[tilespmem:$0x6D20] =	vst v63  }
0x74: {  	_ =	swait.ge [sflag:s16], $0x2400  }
0x75: {  	[sflag:s16] =	ssyncset.done $0x0  }
0x76: {  	[sflag:s16] =	ssyncadd.s32 $0xFFFFDC00  }
0x77: {  	[hbm4b:s28+s4] =	stream.linear.scatter [tilespmem:s20], [sflag:$0x5], $0x480, $0x38;
	[tilespmem:$0x6D20] =	vst v63  }
0x78: {  	_ =	swait.ge [sflag:s16], $0x480  }
0x79: {  	[sflag:s16] =	ssyncset.done $0x0  }
0x7a: {  	s6 =	sadd.s32 $0x90, s29;
	[sflag:s16] =	ssyncadd.s32 $0xFFFFFB80  }
0x7b: {  	[tilespmem:s19], [sflag:$0x1] =	stream.indirect.gather [hbm4b:s1+s18], $0x80, s6, s18, $0xb8;
	[tilespmem:$0x6D20] =	vst v63  }
0x7c: {  	s7 =	sadd.s32 $0xEA0, s29  }
0x7d: {  	[tilespmem:s20], [sflag:$0x3] =	stream.indirect.gather [hbm4b:s3+s18], $0x10, s7, s18, $0xb8;
	[tilespmem:$0x6D20] =	vst v63  }
0x7e: {  	_ =	swait.ge [sflag:s25], $0x2400  }
0x7f: {  	[sflag:s25] =	ssyncset.done $0x0  }
0x80: {  	[sflag:s25] =	ssyncadd.s32 $0xFFFFDC00  }
0x81: {  	_ =	swait.ge [sflag:s26], $0x480  }
0x82: {  	[sflag:s26] =	ssyncset.done $0x0  }
0x83: {  	[sflag:s26] =	ssyncadd.s32 $0xFFFFFB80  }
0x84: {  	[hbm4b:s31+s4] =	stream.linear.scatter [tilespmem:s21], [sflag:$0x5], $0x2400, $0x38;
	[tilespmem:$0x6D20] =	vst v63  }
0x85: {  	_ =	swait.ge [sflag:s16], $0x2400  }
0x86: {  	[sflag:s16] =	ssyncset.done $0x0  }
0x87: {  	[sflag:s16] =	ssyncadd.s32 $0xFFFFDC00  }
0x88: {  	[hbm4b:s2+s4] =	stream.linear.scatter [tilespmem:s22], [sflag:$0x5], $0x480, $0x38;
	[tilespmem:$0x6D20] =	vst v63  }
0x89: {  	_ =	swait.ge [sflag:s16], $0x480  }
0x8a: {  	[sflag:s16] =	ssyncset.done $0x0  }
0x8b: {  	s8 =	simm.s32 $0xDC8;
	[sflag:s16] =	ssyncadd.s32 $0xFFFFFB80  }
0x8c: {  	[tilespmem:s21], [sflag:$0x2] =	stream.indirect.gather [hbm4b:s1+s18], $0x80, s8, s18, $0xb8;
	[tilespmem:$0x6D20] =	vst v63  }
0x8d: {  	s28 =	simm.s32 $0x1BD8  }
0x8e: {  	[tilespmem:s22], [sflag:$0x4] =	stream.indirect.gather [hbm4b:s3+s18], $0x10, s28, s18, $0xb8;
	[tilespmem:$0x6D20] =	vst v63  }
0x8f: {  	_ =	swait.ge [sflag:s23], $0x2400  }
0x90: {  	[sflag:s23] =	ssyncset.done $0x0  }
0x91: {  	[sflag:s23] =	ssyncadd.s32 $0xFFFFDC00  }
0x92: {  	_ =	swait.ge [sflag:s24], $0x480  }
0x93: {  	[sflag:s24] =	ssyncset.done $0x0  }
0x94: {  	s29 =	rddreg [dreg:$0x6];
	[sflag:s24] =	ssyncadd.s32 $0xFFFFFB80  }
0x95: {  	[hbm4b:s29+s4] =	stream.linear.scatter [tilespmem:s19], [sflag:$0x5], $0x2400, $0x38;
	[tilespmem:$0x6D20] =	vst v63  }
0x96: {  	_ =	swait.ge [sflag:s16], $0x2400  }
0x97: {  	[sflag:s16] =	ssyncset.done $0x0  }
0x98: {  	s31 =	rddreg [dreg:$0x7];
	[sflag:s16] =	ssyncadd.s32 $0xFFFFDC00  }
0x99: {  	[hbm4b:s31+s4] =	stream.linear.scatter [tilespmem:s20], [sflag:$0x5], $0x480, $0x38;
	[tilespmem:$0x6D20] =	vst v63  }
0x9a: {  	_ =	swait.ge [sflag:s16], $0x480  }
0x9b: {  	[sflag:s16] =	ssyncset.done $0x0  }
0x9c: {  	[sflag:s16] =	ssyncadd.s32 $0xFFFFFB80  }
0x9d: {  	_ =	swait.ge [sflag:s25], $0x2400  }
0x9e: {  	[sflag:s25] =	ssyncset.done $0x0  }
0x9f: {  	[sflag:s25] =	ssyncadd.s32 $0xFFFFDC00  }
0xa0: {  	_ =	swait.ge [sflag:s26], $0x480  }
0xa1: {  	[sflag:s26] =	ssyncset.done $0x0  }
0xa2: {  	[sflag:s26] =	ssyncadd.s32 $0xFFFFFB80  }
0xa3: {  	[hbm4b:s9+s4] =	stream.linear.scatter [tilespmem:s21], [sflag:$0x5], $0x2400, $0x38;
	[tilespmem:$0x6D20] =	vst v63  }
0xa4: {  	s30 =	sadd.s32 $0x1, s30;
	_ =	swait.ge [sflag:s16], $0x2400  }
0xa5: {  	p0 =	sne.s32 s30, s11;
	[sflag:s16] =	ssyncset.done $0x0  }
.Ltmp1:
0xa6: {  	[sflag:s16] =	ssyncadd.s32 $0xFFFFDC00;
	(pc) =	sbr.rel @p0 .LBB2_1-.Ltmp1, $4  }
0xa7: {  	[hbm4b:s10+s4] =	stream.linear.scatter [tilespmem:s22], [sflag:$0x5], $0x480, $0x38;
	[tilespmem:$0x6D20] =	vst v63  }
0xa8: {  	_ =	swait.ge [sflag:s16], $0x480  }
0xa9: {  	[sflag:s16] =	ssyncset.done $0x0  }
0xaa: {  	[sflag:s16] =	ssyncadd.s32 $0xFFFFFB80  }
0xab: {  	_ =	sfence.sel $0x180000  }
0xac: {  	[bflag:$0x0] =	sbarrier.arrive $0xFFFF  }
0xad: {  	_ =	strace $0x90000047  }
0xae: {  	s0 =	stileid.u32;
	[bflag:$0x2] =	sbarrier.arrive $0xFFFF  }
0xaf: {  	p0 =	sne.s32 s0, $0x0;
	s0 =	rddreg [dreg:$0x3]  }
0xb0: {  	s0 =	sadd.s32 @!p0 $0x100000, s0  }
0xb1: {  	[sflag:s0] =	ssyncadd.tile.s32 @!p0 $0x1;
	_ =	shalt  }
.Lfunc_end2:
_tile_overlayer_lowered:
.L_overlay_start_2:
0xb2: {  	(tag) =	ssettag $0x2  }
0xb3: {  	s0 =	rddreg [dreg:$0x0];
	s2 =	stileid.u32  }
0xb4: {  	s1 =	rddreg [dreg:$0x1];
	p0 =	sne.s32 s2, $0x0  }
0xb5: {  	s3 =	rddreg [dreg:$0x2];
	[bflag:$0x3] =	sbarrier.arrive $0xFFFF;
	s2 =	simm.s32 @!p0 $0x1C05  }
0xb6: {  	[timem:s3], [sflag:s2] =	dma.local @!p0 [hbm:s0], s1  }
0xb7: {  	s0 =	simm.s32 @!p0 $0x5  }
0xb8: {  	_ =	swait.ge @!p0 [sflag:s0], s1  }
0xb9: {  	s1 =	ssub.s32 @!p0 $0x0, s1;
	[sflag:s0] =	ssyncset.done @!p0 $0x0  }
0xba: {  	[sflag:s0] =	ssyncadd.s32 @!p0 s1  }
0xbb: {  	[bflag:$0x3] =	sbarrier.arrive $0xFFFF  }
0xbc: {  	_ =	shalt  }

// kernel: kernel.14.cloned.1.call-start
scs
__scs_entry_jumppad:
0x0: {  	(pc) =	sbr.rel $0x88, $3  }
0x1: {  	(tag) =	ssettag $0x0;
	lr =	simm.s32 $0x1  }
0x2: {  	[smem:$0x3F96] =	sst lr;
	_ =	strace $0xD0000000  }
0x3: {  	_ = 	snop  }
0x4: {  	_ = 	snop  }
0x5: {  	_ = 	snop  }
0x6: {  	_ = 	snop  }
0x7: {  	_ = 	snop  }
__scs_overlays_trampoline_lowered:
0x8: {  	[smem:$0x3FA5] =	sst s0  }
0x9: {  	[smem:$0x3FA6] =	sst s1  }
0xa: {  	[smem:$0x3FA7] =	sst s2  }
0xb: {  	[smem:$0x3FA8] =	sst s3  }
0xc: {  	[smem:$0x3FA9] =	sst s4  }
0xd: {  	[smem:$0x3FAA] =	sst s5  }
0xe: {  	[smem:$0x3FAB] =	sst s6  }
0xf: {  	[smem:$0x3FAC] =	sst s7  }
0x10: {  	[smem:$0x3FAD] =	sst s8  }
0x11: {  	[smem:$0x3FAE] =	sst s9;
	s0 =	simm.s32 @!p0 $0x0  }
0x12: {  	s1 =	sld [smem:$0x3F94];
	s0 =	simm.s32 @p0 $0x1  }
0x13: {  	[smem:$0x3FAF] =	sst s0;
	s0 =	simm.s32 @!p1 $0x0  }
0x14: {  	s2 =	sld [smem:$0x3F93];
	s0 =	simm.s32 @p1 $0x1  }
0x15: {  	[smem:$0x3FB0] =	sst s0;
	s0 =	simm.s32 @!p2 $0x0  }
0x16: {  	s3 =	sld [smem:$0x3FDB];
	s0 =	simm.s32 @p2 $0x1  }
0x17: {  	s4 =	simm.s32 $0x1BF5;
	[smem:$0x3FB2] =	sst s0  }
0x18: {  	s0 =	sld [smem:$0x3F95];
	_ =	swait.ge [sflag:s4], $0x0  }
0x19: {  	s7 =	sld [smem:$0x3F96]  }
0x1a: {  	s8 =	sadd.s32 $0xFFFFE003, lr  }
0x1b: {  	s9 =	sadd.s32 $0xFFFFFEF7, lr;
	s5 =	simm.s32 $0xFFFFFFFF;
	p2 =	slt.u32 s8, $0xFFFFF086  }
0x1c: {  	p1 =	slt.u32 s9, $0xF7A;
	s5 =	simm.s32 @!p2 $0x0  }
0x1d: {  	s5 =	simm.s32 @p1 $0x1;
	p0 =	seq.s32 s7, s2  }
0x1e: {  	s7 =	smul.u32 @!p0 $0xF7A, s2;
	p2 =	seq.s32 @!p0 s5, $0x0  }
0x1f: {  	s9 =	smul.u32 $0xF7A, s1;
	s8 =	simm.s32 @!p0 $0x1BF5;
	p2 =	por !p2, p0  }
0x20: {  	[sflag:s8] =	ssyncset.s32 @!p0 $0xFFFFF086;
	s6 =	sadd.s32 @!p0 s3, s7;
	s7 =	simm.s32 @!p0 $0x108  }
0x21: {  	s3 =	sadd.s32 s3, s9;
	s6 =	sadd.s32 @!p0 $0x88, s6;
	s7 =	simm.s32 @p2 $0x1082  }
0x22: {  	[simem:s7], [sflag:s8] =	dma.local @!p0 [hbm:s6], $0xF7A  }
0x23: {  	s9 =	sor.u32 $0xD0000000, s2;
	s6 =	simm.s32 $0x108;
	_ =	swait.ge @!p0 [sflag:s8], $0x0  }
0x24: {  	s3 =	sadd.s32 $0x88, s3;
	s6 =	simm.s32 @!p1 $0x1082;
	[sflag:s4] =	ssyncset.s32 $0xFFFFF086  }
0x25: {  	[simem:s6], [sflag:s4] =	dma.local [hbm:s3], $0xF7A  }
0x26: {  	[smem:$0x3F96] =	sst s1;
	(tag) =	ssettag s2;
	_ =	strace s9  }
0x27: {  	s1 =	sld [smem:$0x3FA6]  }
0x28: {  	s2 =	sld [smem:$0x3FA7]  }
0x29: {  	s4 =	sld [smem:$0x3FA9]  }
0x2a: {  	p0 =	seq.s32 s5, $0x0;
	s5 =	sld [smem:$0x3FAA]  }
0x2b: {  	s6 =	sld [smem:$0x3FAB]  }
0x2c: {  	s7 =	sld [smem:$0x3FAC]  }
0x2d: {  	s3 =	simm.s32 $0x108;
	s8 =	sld [smem:$0x3FAD]  }
0x2e: {  	s3 =	simm.s32 @!p0 $0x1082;
	s9 =	sld [smem:$0x3FAE]  }
0x2f: {  	lr =	sadd.s32 s0, s3;
	s0 =	sld [smem:$0x3FA5]  }
0x30: {  	s3 =	sld [smem:$0x3FA8]  }
0x31: {  	[smem:$0x3FB1] =	sst s10  }
0x32: {  	s10 =	sld [smem:$0x3FAF];
	_ =	sdelay $0x3  }
0x33: {  	p0 =	seq.s32 s10, $0x1;
	s10 =	sld [smem:$0x3FB1];
	_ =	sdelay $0x3  }
0x34: {  	[smem:$0x3FB1] =	sst s10  }
0x35: {  	s10 =	sld [smem:$0x3FB0];
	_ =	sdelay $0x3  }
0x36: {  	p1 =	seq.s32 s10, $0x1;
	s10 =	sld [smem:$0x3FB1];
	_ =	sdelay $0x3  }
0x37: {  	[smem:$0x3FB1] =	sst s10  }
0x38: {  	s10 =	sld [smem:$0x3FB2]  }
0x39: {  	_ = 	snop;
	(pc) =	sbr.ind lr, $3  }
0x3a: {  	_ = 	snop  }
0x3b: {  	_ = 	snop  }
0x3c: {  	p2 =	seq.s32 s10, $0x1;
	s10 =	sld [smem:$0x3FB1]  }
0x3d: {  	_ =	shalt  }
0x3e: {  	_ =	shalt  }
0x3f: {  	_ =	shalt  }
0x40: {  	_ =	shalt  }
0x41: {  	_ =	shalt  }
0x42: {  	_ =	shalt  }
0x43: {  	_ =	shalt  }
0x44: {  	_ =	shalt  }
0x45: {  	_ =	shalt  }
0x46: {  	_ =	shalt  }
0x47: {  	_ =	shalt  }
0x48: {  	_ =	shalt  }
0x49: {  	_ =	shalt  }
0x4a: {  	_ =	shalt  }
0x4b: {  	_ =	shalt  }
0x4c: {  	_ =	shalt  }
0x4d: {  	_ =	shalt  }
0x4e: {  	_ =	shalt  }
0x4f: {  	_ =	shalt  }
0x50: {  	_ =	shalt  }
0x51: {  	_ =	shalt  }
0x52: {  	_ =	shalt  }
0x53: {  	_ =	shalt  }
0x54: {  	_ =	shalt  }
0x55: {  	_ =	shalt  }
0x56: {  	_ =	shalt  }
0x57: {  	_ =	shalt  }
0x58: {  	_ =	shalt  }
0x59: {  	_ =	shalt  }
0x5a: {  	_ =	shalt  }
0x5b: {  	_ =	shalt  }
0x5c: {  	_ =	shalt  }
0x5d: {  	_ =	shalt  }
0x5e: {  	_ =	shalt  }
0x5f: {  	_ =	shalt  }
0x60: {  	_ =	shalt  }
0x61: {  	_ =	shalt  }
0x62: {  	_ =	shalt  }
0x63: {  	_ =	shalt  }
0x64: {  	_ =	shalt  }
0x65: {  	_ =	shalt  }
0x66: {  	_ =	shalt  }
0x67: {  	_ =	shalt  }
0x68: {  	_ =	shalt  }
0x69: {  	_ =	shalt  }
0x6a: {  	_ =	shalt  }
0x6b: {  	_ =	shalt  }
0x6c: {  	_ =	shalt  }
0x6d: {  	_ =	shalt  }
0x6e: {  	_ =	shalt  }
0x6f: {  	_ =	shalt  }
0x70: {  	_ =	shalt  }
0x71: {  	_ =	shalt  }
0x72: {  	_ =	shalt  }
0x73: {  	_ =	shalt  }
0x74: {  	_ =	shalt  }
0x75: {  	_ =	shalt  }
0x76: {  	_ =	shalt  }
0x77: {  	_ =	shalt  }
0x78: {  	_ =	shalt  }
0x79: {  	_ =	shalt  }
0x7a: {  	_ =	shalt  }
0x7b: {  	_ =	shalt  }
0x7c: {  	_ =	shalt  }
0x7d: {  	_ =	shalt  }
0x7e: {  	_ =	shalt  }
0x7f: {  	_ =	shalt  }
0x80: {  	_ =	shalt  }
0x81: {  	_ =	shalt  }
0x82: {  	_ =	shalt  }
0x83: {  	_ =	shalt  }
0x84: {  	_ =	shalt  }
0x85: {  	_ =	shalt  }
0x86: {  	_ =	shalt  }
0x87: {  	_ =	shalt  }
.Lfunc_end0:
.L_simem_size_0:
called_computation.2_lowered:
.L_overlay_start_0:
0x88: {  	s2 =	sld [smem:$0x3FD9]  }
0x89: {  	s3 =	sld [smem:$0x3FFE];
	_ =	sdelay $0x1  }
0x8a: {  	s1 =	srdreg.scid  }
0x8b: {  	s0 =	sand.u32 $0x1, s1  }
0x8c: {  	s15 =	sshll.u32 s0, $0xA;
	s2 =	sadd.s32 s3, s2  }
0x8d: {  	s2 =	sadd.s32 s2, s15  }
0x8e: {  	[smem:$0x3FBD] =	sst s2  }
0x8f: {  	_ = 	snop  }
0x90: {  	s16 =	sld [smem:$0x3FD0];
	_ =	sdelay $0x2  }
0x91: {  	s4 =	simm.s32 $0xC;
	s5 =	simm.s32 $0x10;
	s2 =	sld [smem:$0x3FC9]  }
0x92: {  	[smem:s5], [sflag:s4] =	dma.local [hbm:s16], $0x1  }
0x93: {  	_ =	swait.eq [sflag:s4], $0x1  }
0x94: {  	[sflag:s4] =	ssyncset.done $0x0  }
0x95: {  	[sflag:s4] =	ssyncadd.s32 $0xFFFFFFFF  }
0x96: {  	s17 =	sld [smem:$0x12];
	(tm) =	ssettm $0x1  }
0x97: {  	s18 =	sld [smem:$0x3FFB];
	_ =	sdelay $0x3  }
0x98: {  	_ =	strace s18  }
0x99: {  	s3 =	sld [smem:$0x3FFC];
	_ =	sdelay $0x3  }
0x9a: {  	_ =	strace s3  }
0x9b: {  	s3 =	sld [smem:$0x3FFD];
	_ =	sdelay $0x3  }
0x9c: {  	_ =	strace s3  }
0x9d: {  	_ =	strace $0x8FFFFFFF  }
0x9e: {  	s19 =	sld [smem:$0x3FDB];
	_ =	sdelay $0x1  }
0x9f: {  	s20 =	simm.s32 $_scs_section_size  }
0xa0: {  	s6 =	simm.s32 $_size__tile_overlayer_lowered;
	s7 =	simm.s32 $_tile_overlayer_lowered  }
0xa1: {  	s8 =	simm.s32 $0x1BFF;
	s21 =	sshll.u32 s7, $0x1;
	s5 =	sadd.s32 s20, s19  }
0xa2: {  	s22 =	simm.s32 $0x0;
	s6 =	sshll.u32 s6, $0x1;
	s7 =	sadd.s32 s21, s5  }
0xa3: {  	[timem:s22], [sflag:s8] =	dma.local [hbm:s7], s6  }
0xa4: {  	_ =	swait.ge [sflag:s8], s6  }
0xa5: {  	s6 =	ssub.s32 $0x0, s6;
	[sflag:s8] =	ssyncset.done $0x0  }
0xa6: {  	[sflag:s8] =	ssyncadd.s32 s6;
	_ =	sdelay $0x1  }
0xa7: {  	s23 =	simm.s32 $0x1B8B  }
0xa8: {  	_ =	swait.ge [sflag:s23], $0x1  }
0xa9: {  	[sflag:s23] =	ssyncset.done $0x0  }
0xaa: {  	[sflag:s23] =	ssyncadd.s32 $0xFFFFFFFF  }
0xab: {  	s6 =	sld [smem:$0x0]  }
0xac: {  	s7 =	sand.u32 $0xFFFFFFFE, s1  }
0xad: {  	p0 =	sne.s32 s1, s7  }
0xae: {  	s7 =	sshll.u32 @p0 s7, $0xE  }
0xaf: {  	s7 =	sadd.s32 @p0 $0x11B8D, s7;
	s8 =	sshll.u32 @p0 s6, $0x11  }
0xb0: {  	s7 =	sor.u32 @p0 s8, s7  }
0xb1: {  	[sflag:s7] =	ssyncadd.remote.s32 @p0 $0x1;
	_ =	sdelay $0x1  }
0xb2: {  	s7 =	simm.s32 @p0 $0x1B8D  }
0xb3: {  	_ =	swait.eq @p0 [sflag:s7], $0x1  }
0xb4: {  	[sflag:s7] =	ssyncadd.s32 @p0 $0xFFFFFFFF  }
0xb5: {  	s8 =	sshll.u32 @!p0 s1, $0xE  }
0xb6: {  	s8 =	sor.u32 @!p0 $0x4000, s8;
	s7 =	simm.s32 @!p0 $0x1B8D  }
0xb7: {  	s6 =	sshll.u32 @!p0 s6, $0x11;
	s8 =	sadd.s32 @!p0 $0x11B8D, s8;
	_ =	swait.eq @!p0 [sflag:s7], $0x1  }
0xb8: {  	s6 =	sor.u32 @!p0 s6, s8;
	[sflag:s7] =	ssyncadd.s32 @!p0 $0xFFFFFFFF  }
0xb9: {  	s25 =	simm.s32 $0x1B8E;
	s24 =	sld [smem:$0x3FFE];
	[sflag:s6] =	ssyncadd.remote.s32 @!p0 $0x1  }
0xba: {  	s26 =	simm.s32 $execute0_lowered;
	[smem:$0x3FD2] =	sst s25  }
0xbb: {  	s7 =	sshll.u32 s26, $0x1;
	_ =	strace $0x80000049;
	[dreg:$0x1] =	wrdreg $0xFFFFFFFF  }
0xbc: {  	s28 =	simm.s32 $_size_execute0_lowered;
	s5 =	sadd.s32 s5, s7;
	[dreg:$0x0] =	wrdreg $0x0  }
0xbd: {  	s7 =	sshll.u32 s28, $0x1;
	[dreg:$0x2] =	wrdreg s5  }
0xbe: {  	[dreg:$0x3] =	wrdreg s7  }
0xbf: {  	[dreg:$0x4] =	wrdreg $0xC0  }
0xc0: {  	_ =	task [dreg:s22], $0x5FFFF  }
0xc1: {  	[dreg:$0x1] =	wrdreg $0xFFFFFFFF  }
0xc2: {  	[dreg:$0x0] =	wrdreg $0x60  }
0xc3: {  	[dreg:$0x2] =	wrdreg s2  }
0xc4: {  	[dreg:$0x3] =	wrdreg s17  }
0xc5: {  	[dreg:$0x4] =	wrdreg s24  }
0xc6: {  	[dreg:$0x5] =	wrdreg $0xB  }
0xc7: {  	_ =	task.clear_ibuf [dreg:s22], $0x6FFFF;
	_ =	strace $0x90000049  }
0xc8: {  	s29 =	simm.s32 $0xB;
	_ =	strace $0x8000004B  }
0xc9: {  	_ =	swait.ge [sflag:s29], $0x1  }
0xca: {  	[sflag:s29] =	ssyncadd.s32 $0xFFFFFFFF  }
0xcb: {  	_ =	strace $0x9000004B  }
0xcc: {  	_ =	sfence  }
0xcd: {  	s30 =	sld [smem:$0x0];
	_ =	sdelay $0x2  }
0xce: {  	s31 =	sshll.u32 s1, $0xD;
	s1 =	sshrl.u32 s1, $0x2  }
0xcf: {  	s4 =	sand.u32 $0x4000, s31;
	s1 =	sadd.s32 s1, s30  }
0xd0: {  	s0 =	sor.u32 s4, s0;
	s1 =	sshll.u32 s1, $0x11  }
0xd1: {  	s0 =	sor.u32 s1, s0  }
0xd2: {  	s0 =	sadd.s32 $0x8F2B, s0  }
0xd3: {  	[sflag:s0] =	ssyncadd.remote.s32 $0x1  }
0xd4: {  	_ =	sfence.sel $0xFFFF  }
0xd5: {  	[dreg:$0x0] =	wrdreg $0xFFFFFFFF;
	(pc) =	sbr.abs _section_cstart, $3  }
0xd6: {  	[dreg:$0x1] =	wrdreg $0xFFFFFFFF  }
0xd7: {  	_ =	task.clear_ibuf [dreg:s22], $0x2FFFF;
	_ =	strace $0x9FFFFFFF  }
0xd8: {  	(tm) =	ssettm $0x7FFFFFFF  }
0xd9: {  	_ =	shalt  }
tec
execute0_lowered:
.L_overlay_start_1:
0x0: {  	(tag) =	ssettag $0x1  }
0x1: {  	s1 =	rddreg [dreg:$0x0]  }
0x2: {  	s0 =	srdreg.scid;
	s3 =	rddreg [dreg:$0x1]  }
0x3: {  	s13 =	stileid.u32;
	s5 =	rddreg [dreg:$0x2]  }
0x4: {  	s4 =	simm.s32 $0x0;
	s17 =	simm.s32 $0xE10;
	s11 =	smul.u32 $0x1C20, s13  }
0x5: {  	s18 =	simm.s32 $0x48;
	s19 =	simm.s32 $0x1C20;
	s24 =	smul.u32 $0x3840, s13  }
0x6: {  	s30 =	simm.s32 $0x0;
	s0 =	sand.u32 $0x1, s0;
	s26 =	smul.u32 $0x1C200, s13  }
0x7: {  	s2 =	sshll.u32 s13, $0x1;
	[smem:$0x7FF] =	sst s4;
	s12 =	smul.u32 $0xE10, s0  }
0x8: {  	s15 =	sadd.s32 $0x20F000, s5;
	s2 =	sor.u32 s0, s2;
	s25 =	smul.u32 $0x1C20, s0  }
0x9: {  	_ =	strace $0x8000004A;
	s7 =	ssub.s32 $0x2, s0;
	s0 =	smul.u32 $0xE100, s0  }
0xa: {  	s2 =	smul.u32 $0xE10, s2;
	s8 =	sshrl.u32 s7, $0x1;
	s28 =	sadd.s32 s26, s15  }
0xb: {  	s26 =	simm.s32 $0x4;
	s7 =	ssub.s32 s7, s8;
	s12 =	sadd.s32 s12, s11  }
0xc: {  	s13 =	sadd.s32 s0, s28;
	s6 =	sshrl.u32 s2, $0x3;
	s9 =	sadd.s32 $0xD80, s2  }
0xd: {  	s2 =	sadd.s32 $0xDC8, s2;
	s11 =	smax.u32 s7, $0x1;
	s12 =	sadd.s32 $0x48, s12  }
0xe: {  	s6 =	sadd.s32 s6, s5;
	s5 =	sadd.s32 $0x3D1000, s5;
	s20 =	sshll.u32 s9, $0x4  }
0xf: {  	s22 =	sshll.u32 s9, $0x1;
	s23 =	sshll.u32 s2, $0x4;
	s2 =	sshll.u32 s2, $0x1  }
0x10: {  	s16 =	sshrl.u32 s12, $0x3;
	s10 =	sadd.s32 $0x20B600, s6;
	s6 =	sadd.s32 $0x207C00, s6  }
0x11: {  	s21 =	sadd.s32 s15, s20;
	s9 =	sadd.s32 s15, s23;
	s29 =	sshll.u32 s16, $0x4  }
0x12: {  	s31 =	sshll.u32 s16, $0x7;
	s16 =	simm.s32 $0x5;
	[dreg:$0x4] =	wrdreg s10  }
0x13: {  	s20 =	simm.s32 $0x6420;
	s23 =	simm.s32 $0x1;
	[dreg:$0x5] =	wrdreg s6  }
0x14: {  	[dreg:$0x6] =	wrdreg s21;
	s6 =	sadd.s32 s5, s22;
	s10 =	sadd.s32 s5, s2  }
0x15: {  	s14 =	sadd.s32 s29, s5;
	s15 =	sadd.s32 s31, s15;
	s21 =	simm.s32 $0x4020  }
0x16: {  	s22 =	simm.s32 $0x68A0;
	[dreg:$0x7] =	wrdreg s6;
	s6 =	sadd.s32 s24, s5  }
0x17: {  	s24 =	simm.s32 $0x3;
	s12 =	sadd.s32 s25, s6;
	s25 =	simm.s32 $0x2  }
.LBB2_1:
0x18: {  	s0 =	rddreg [dreg:$0x4]  }
0x19: {  	[tilespmem:s4], [sflag:$0x5] =	stream.linear.gather [hbm4b:s0+s4], $0xE10, $0x38;
	[tilespmem:$0x6D20] =	vst v63  }
0x1a: {  	_ =	swait.ge [sflag:s16], $0xE10  }
0x1b: {  	[sflag:s16] =	ssyncset.done $0x0  }
0x1c: {  	s2 =	rddreg [dreg:$0x5];
	[sflag:s16] =	ssyncadd.s32 $0xFFFFF1F0  }
0x1d: {  	[tilespmem:s17], [sflag:$0x5] =	stream.linear.gather [hbm4b:s2+s4], $0xE10, $0x38;
	[tilespmem:$0x6D20] =	vst v63  }
0x1e: {  	_ =	swait.ge [sflag:s16], $0xE10  }
0x1f: {  	[sflag:s16] =	ssyncset.done $0x0  }
0x20: {  	[sflag:s16] =	ssyncadd.s32 $0xFFFFF1F0  }
0x21: {  	[tilespmem:s19], [sflag:$0x1] =	stream.indirect.gather [hbm4b:s1+s18], $0x80, s4, s18, $0xb8;
	[tilespmem:$0x6D20] =	vst v63  }
0x22: {  	_ = 	snop  }
0x23: {  	[tilespmem:s20], [sflag:$0x3] =	stream.indirect.gather [hbm4b:s3+s18], $0x10, s17, s18, $0xb8;
	[tilespmem:$0x6D20] =	vst v63  }
0x24: {  	s5 =	simm.s32 $0x48  }
0x25: {  	[tilespmem:s21], [sflag:$0x2] =	stream.indirect.gather [hbm4b:s1+s18], $0x80, s5, s18, $0xb8;
	[tilespmem:$0x6D20] =	vst v63  }
0x26: {  	s6 =	simm.s32 $0xE58  }
0x27: {  	[tilespmem:s22], [sflag:$0x4] =	stream.indirect.gather [hbm4b:s3+s18], $0x10, s6, s18, $0xb8;
	[tilespmem:$0x6D20] =	vst v63  }
0x28: {  	_ =	swait.ge [sflag:s23], $0x2400  }
0x29: {  	[sflag:s23] =	ssyncset.done $0x0  }
0x2a: {  	[sflag:s23] =	ssyncadd.s32 $0xFFFFDC00  }
0x2b: {  	_ =	swait.ge [sflag:s24], $0x480  }
0x2c: {  	[sflag:s24] =	ssyncset.done $0x0  }
0x2d: {  	[sflag:s24] =	ssyncadd.s32 $0xFFFFFB80  }
0x2e: {  	[hbm4b:s13+s4] =	stream.linear.scatter [tilespmem:s19], [sflag:$0x5], $0x2400, $0x38;
	[tilespmem:$0x6D20] =	vst v63  }
0x2f: {  	_ =	swait.ge [sflag:s16], $0x2400  }
0x30: {  	[sflag:s16] =	ssyncset.done $0x0  }
0x31: {  	[sflag:s16] =	ssyncadd.s32 $0xFFFFDC00  }
0x32: {  	[hbm4b:s12+s4] =	stream.linear.scatter [tilespmem:s20], [sflag:$0x5], $0x480, $0x38;
	[tilespmem:$0x6D20] =	vst v63  }
0x33: {  	_ =	swait.ge [sflag:s16], $0x480  }
0x34: {  	[sflag:s16] =	ssyncset.done $0x0  }
0x35: {  	s7 =	simm.s32 $0x90;
	[sflag:s16] =	ssyncadd.s32 $0xFFFFFB80  }
0x36: {  	[tilespmem:s19], [sflag:$0x1] =	stream.indirect.gather [hbm4b:s1+s18], $0x80, s7, s18, $0xb8;
	[tilespmem:$0x6D20] =	vst v63  }
0x37: {  	s8 =	simm.s32 $0xEA0  }
0x38: {  	[tilespmem:s20], [sflag:$0x3] =	stream.indirect.gather [hbm4b:s3+s18], $0x10, s8, s18, $0xb8;
	[tilespmem:$0x6D20] =	vst v63  }
0x39: {  	_ =	swait.ge [sflag:s25], $0x2400  }
0x3a: {  	[sflag:s25] =	ssyncset.done $0x0  }
0x3b: {  	[sflag:s25] =	ssyncadd.s32 $0xFFFFDC00  }
0x3c: {  	_ =	swait.ge [sflag:s26], $0x480  }
0x3d: {  	[sflag:s26] =	ssyncset.done $0x0  }
0x3e: {  	[sflag:s26] =	ssyncadd.s32 $0xFFFFFB80  }
0x3f: {  	[hbm4b:s15+s4] =	stream.linear.scatter [tilespmem:s21], [sflag:$0x5], $0x2400, $0x38;
	[tilespmem:$0x6D20] =	vst v63  }
0x40: {  	_ =	swait.ge [sflag:s16], $0x2400  }
0x41: {  	[sflag:s16] =	ssyncset.done $0x0  }
0x42: {  	s31 =	sadd.s32 $0x900, s15;
	s29 =	simm.s32 $0x90;
	[sflag:s16] =	ssyncadd.s32 $0xFFFFDC00  }
0x43: {  	[hbm4b:s14+s4] =	stream.linear.scatter [tilespmem:s22], [sflag:$0x5], $0x480, $0x38;
	[tilespmem:$0x6D20] =	vst v63  }
0x44: {  	s28 =	sadd.s32 $0x120, s12;
	s0 =	sadd.s32 $0x900, s13;
	_ =	swait.ge [sflag:s16], $0x480  }
0x45: {  	s2 =	sadd.s32 $0x120, s14;
	s5 =	simm.s32 $0x480;
	[sflag:s16] =	ssyncset.done $0x0  }
.LBB2_2:
0x46: {  	s8 =	sadd.s32 $0x48, s29  }
0x47: {  	[sflag:s16] =	ssyncadd.s32 $0xFFFFFB80;
	s6 =	smov.u32 s5;
	s7 =	sadd.s32 $0x240, s5  }
0x48: {  	[tilespmem:s21], [sflag:$0x2] =	stream.indirect.gather [hbm4b:s1+s18], $0x80, s8, s18, $0xb8;
	[tilespmem:$0x6D20] =	vst v63  }
0x49: {  	p0 =	sne.s32 s5, $0x33C0;
	s5 =	sadd.s32 $0xE58, s29  }
0x4a: {  	[tilespmem:s22], [sflag:$0x4] =	stream.indirect.gather [hbm4b:s3+s18], $0x10, s5, s18, $0xb8;
	[tilespmem:$0x6D20] =	vst v63  }
0x4b: {  	_ =	swait.ge [sflag:s23], $0x2400  }
0x4c: {  	[sflag:s23] =	ssyncset.done $0x0  }
0x4d: {  	[sflag:s23] =	ssyncadd.s32 $0xFFFFDC00  }
0x4e: {  	_ =	swait.ge [sflag:s24], $0x480  }
0x4f: {  	[sflag:s24] =	ssyncset.done $0x0  }
0x50: {  	[sflag:s24] =	ssyncadd.s32 $0xFFFFFB80  }
0x51: {  	[hbm4b:s0+s4] =	stream.linear.scatter [tilespmem:s19], [sflag:$0x5], $0x2400, $0x38;
	[tilespmem:$0x6D20] =	vst v63  }
0x52: {  	_ =	swait.ge [sflag:s16], $0x2400  }
0x53: {  	[sflag:s16] =	ssyncset.done $0x0  }
0x54: {  	[sflag:s16] =	ssyncadd.s32 $0xFFFFDC00  }
0x55: {  	[hbm4b:s28+s4] =	stream.linear.scatter [tilespmem:s20], [sflag:$0x5], $0x480, $0x38;
	[tilespmem:$0x6D20] =	vst v63  }
0x56: {  	_ =	swait.ge [sflag:s16], $0x480  }
0x57: {  	[sflag:s16] =	ssyncset.done $0x0  }
0x58: {  	s5 =	sadd.s32 $0x90, s29;
	[sflag:s16] =	ssyncadd.s32 $0xFFFFFB80  }
0x59: {  	[tilespmem:s19], [sflag:$0x1] =	stream.indirect.gather [hbm4b:s1+s18], $0x80, s5, s18, $0xb8;
	[tilespmem:$0x6D20] =	vst v63  }
0x5a: {  	s5 =	sadd.s32 $0xEA0, s29  }
0x5b: {  	[tilespmem:s20], [sflag:$0x3] =	stream.indirect.gather [hbm4b:s3+s18], $0x10, s5, s18, $0xb8;
	[tilespmem:$0x6D20] =	vst v63  }
0x5c: {  	_ =	swait.ge [sflag:s25], $0x2400  }
0x5d: {  	[sflag:s25] =	ssyncset.done $0x0  }
0x5e: {  	[sflag:s25] =	ssyncadd.s32 $0xFFFFDC00  }
0x5f: {  	_ =	swait.ge [sflag:s26], $0x480  }
0x60: {  	[sflag:s26] =	ssyncset.done $0x0  }
0x61: {  	[sflag:s26] =	ssyncadd.s32 $0xFFFFFB80  }
0x62: {  	[hbm4b:s31+s4] =	stream.linear.scatter [tilespmem:s21], [sflag:$0x5], $0x2400, $0x38;
	[tilespmem:$0x6D20] =	vst v63  }
0x63: {  	_ =	swait.ge [sflag:s16], $0x2400  }
.Ltmp0:
0x64: {  	[sflag:s16] =	ssyncset.done $0x0;
	(pc) =	sbr.rel @p0 .LBB2_2-.Ltmp0, $4  }
0x65: {  	s0 =	sadd.s32 $0x900, s0;
	s31 =	sadd.s32 $0x900, s31;
	[sflag:s16] =	ssyncadd.s32 $0xFFFFDC00  }
0x66: {  	[hbm4b:s2+s4] =	stream.linear.scatter [tilespmem:s22], [sflag:$0x5], $0x480, $0x38;
	[tilespmem:$0x6D20] =	vst v63  }
0x67: {  	s28 =	sadd.s32 $0x120, s28;
	s2 =	sadd.s32 $0x120, s2;
	_ =	swait.ge [sflag:s16], $0x480  }
0x68: {  	s29 =	sshra.s32 s6, $0x2;
	s5 =	smov.u32 s7;
	[sflag:s16] =	ssyncset.done $0x0  }
0x69: {  	s5 =	sadd.s32 $0x48, s29;
	[sflag:s16] =	ssyncadd.s32 $0xFFFFFB80  }
0x6a: {  	[tilespmem:s21], [sflag:$0x2] =	stream.indirect.gather [hbm4b:s1+s18], $0x80, s5, s18, $0xb8;
	[tilespmem:$0x6D20] =	vst v63  }
0x6b: {  	s8 =	sadd.s32 $0xE58, s29  }
0x6c: {  	[tilespmem:s22], [sflag:$0x4] =	stream.indirect.gather [hbm4b:s3+s18], $0x10, s8, s18, $0xb8;
	[tilespmem:$0x6D20] =	vst v63  }
0x6d: {  	_ =	swait.ge [sflag:s23], $0x2400  }
0x6e: {  	[sflag:s23] =	ssyncset.done $0x0  }
0x6f: {  	[sflag:s23] =	ssyncadd.s32 $0xFFFFDC00  }
0x70: {  	_ =	swait.ge [sflag:s24], $0x480  }
0x71: {  	[sflag:s24] =	ssyncset.done $0x0  }
0x72: {  	[sflag:s24] =	ssyncadd.s32 $0xFFFFFB80  }
0x73: {  	[hbm4b:s0+s4] =	stream.linear.scatter [tilespmem:s19], [sflag:$0x5], $0x2400, $0x38;
	[tilespmem:$0x6D20] =	vst v63  }
0x74: {  	_ =	swait.ge [sflag:s16], $0x2400  }
0x75: {  	[sflag:s16] =	ssyncset.done $0x0  }
0x76: {  	[sflag:s16] =	ssyncadd.s32 $0xFFFFDC00  }
0x77: {  	[hbm4b:s28+s4] =	stream.linear.scatter [tilespmem:s20], [sflag:$0x5], $0x480, $0x38;
	[tilespmem:$0x6D20] =	vst v63  }
0x78: {  	_ =	swait.ge [sflag:s16], $0x480  }
0x79: {  	[sflag:s16] =	ssyncset.done $0x0  }
0x7a: {  	s6 =	sadd.s32 $0x90, s29;
	[sflag:s16] =	ssyncadd.s32 $0xFFFFFB80  }
0x7b: {  	[tilespmem:s19], [sflag:$0x1] =	stream.indirect.gather [hbm4b:s1+s18], $0x80, s6, s18, $0xb8;
	[tilespmem:$0x6D20] =	vst v63  }
0x7c: {  	s7 =	sadd.s32 $0xEA0, s29  }
0x7d: {  	[tilespmem:s20], [sflag:$0x3] =	stream.indirect.gather [hbm4b:s3+s18], $0x10, s7, s18, $0xb8;
	[tilespmem:$0x6D20] =	vst v63  }
0x7e: {  	_ =	swait.ge [sflag:s25], $0x2400  }
0x7f: {  	[sflag:s25] =	ssyncset.done $0x0  }
0x80: {  	[sflag:s25] =	ssyncadd.s32 $0xFFFFDC00  }
0x81: {  	_ =	swait.ge [sflag:s26], $0x480  }
0x82: {  	[sflag:s26] =	ssyncset.done $0x0  }
0x83: {  	[sflag:s26] =	ssyncadd.s32 $0xFFFFFB80  }
0x84: {  	[hbm4b:s31+s4] =	stream.linear.scatter [tilespmem:s21], [sflag:$0x5], $0x2400, $0x38;
	[tilespmem:$0x6D20] =	vst v63  }
0x85: {  	_ =	swait.ge [sflag:s16], $0x2400  }
0x86: {  	[sflag:s16] =	ssyncset.done $0x0  }
0x87: {  	[sflag:s16] =	ssyncadd.s32 $0xFFFFDC00  }
0x88: {  	[hbm4b:s2+s4] =	stream.linear.scatter [tilespmem:s22], [sflag:$0x5], $0x480, $0x38;
	[tilespmem:$0x6D20] =	vst v63  }
0x89: {  	_ =	swait.ge [sflag:s16], $0x480  }
0x8a: {  	[sflag:s16] =	ssyncset.done $0x0  }
0x8b: {  	s8 =	simm.s32 $0xDC8;
	[sflag:s16] =	ssyncadd.s32 $0xFFFFFB80  }
0x8c: {  	[tilespmem:s21], [sflag:$0x2] =	stream.indirect.gather [hbm4b:s1+s18], $0x80, s8, s18, $0xb8;
	[tilespmem:$0x6D20] =	vst v63  }
0x8d: {  	s28 =	simm.s32 $0x1BD8  }
0x8e: {  	[tilespmem:s22], [sflag:$0x4] =	stream.indirect.gather [hbm4b:s3+s18], $0x10, s28, s18, $0xb8;
	[tilespmem:$0x6D20] =	vst v63  }
0x8f: {  	_ =	swait.ge [sflag:s23], $0x2400  }
0x90: {  	[sflag:s23] =	ssyncset.done $0x0  }
0x91: {  	[sflag:s23] =	ssyncadd.s32 $0xFFFFDC00  }
0x92: {  	_ =	swait.ge [sflag:s24], $0x480  }
0x93: {  	[sflag:s24] =	ssyncset.done $0x0  }
0x94: {  	s29 =	rddreg [dreg:$0x6];
	[sflag:s24] =	ssyncadd.s32 $0xFFFFFB80  }
0x95: {  	[hbm4b:s29+s4] =	stream.linear.scatter [tilespmem:s19], [sflag:$0x5], $0x2400, $0x38;
	[tilespmem:$0x6D20] =	vst v63  }
0x96: {  	_ =	swait.ge [sflag:s16], $0x2400  }
0x97: {  	[sflag:s16] =	ssyncset.done $0x0  }
0x98: {  	s31 =	rddreg [dreg:$0x7];
	[sflag:s16] =	ssyncadd.s32 $0xFFFFDC00  }
0x99: {  	[hbm4b:s31+s4] =	stream.linear.scatter [tilespmem:s20], [sflag:$0x5], $0x480, $0x38;
	[tilespmem:$0x6D20] =	vst v63  }
0x9a: {  	_ =	swait.ge [sflag:s16], $0x480  }
0x9b: {  	[sflag:s16] =	ssyncset.done $0x0  }
0x9c: {  	[sflag:s16] =	ssyncadd.s32 $0xFFFFFB80  }
0x9d: {  	_ =	swait.ge [sflag:s25], $0x2400  }
0x9e: {  	[sflag:s25] =	ssyncset.done $0x0  }
0x9f: {  	[sflag:s25] =	ssyncadd.s32 $0xFFFFDC00  }
0xa0: {  	_ =	swait.ge [sflag:s26], $0x480  }
0xa1: {  	[sflag:s26] =	ssyncset.done $0x0  }
0xa2: {  	[sflag:s26] =	ssyncadd.s32 $0xFFFFFB80  }
0xa3: {  	[hbm4b:s9+s4] =	stream.linear.scatter [tilespmem:s21], [sflag:$0x5], $0x2400, $0x38;
	[tilespmem:$0x6D20] =	vst v63  }
0xa4: {  	s30 =	sadd.s32 $0x1, s30;
	_ =	swait.ge [sflag:s16], $0x2400  }
0xa5: {  	p0 =	sne.s32 s30, s11;
	[sflag:s16] =	ssyncset.done $0x0  }
.Ltmp1:
0xa6: {  	[sflag:s16] =	ssyncadd.s32 $0xFFFFDC00;
	(pc) =	sbr.rel @p0 .LBB2_1-.Ltmp1, $4  }
0xa7: {  	[hbm4b:s10+s4] =	stream.linear.scatter [tilespmem:s22], [sflag:$0x5], $0x480, $0x38;
	[tilespmem:$0x6D20] =	vst v63  }
0xa8: {  	_ =	swait.ge [sflag:s16], $0x480  }
0xa9: {  	[sflag:s16] =	ssyncset.done $0x0  }
0xaa: {  	[sflag:s16] =	ssyncadd.s32 $0xFFFFFB80  }
0xab: {  	_ =	sfence.sel $0x180000  }
0xac: {  	[bflag:$0x0] =	sbarrier.arrive $0xFFFF  }
0xad: {  	_ =	strace $0x9000004A  }
0xae: {  	s0 =	stileid.u32;
	[bflag:$0x2] =	sbarrier.arrive $0xFFFF  }
0xaf: {  	p0 =	sne.s32 s0, $0x0;
	s0 =	rddreg [dreg:$0x3]  }
0xb0: {  	s0 =	sadd.s32 @!p0 $0x100000, s0  }
0xb1: {  	[sflag:s0] =	ssyncadd.tile.s32 @!p0 $0x1;
	_ =	shalt  }
.Lfunc_end2:
_tile_overlayer_lowered:
.L_overlay_start_2:
0xb2: {  	(tag) =	ssettag $0x2  }
0xb3: {  	s0 =	rddreg [dreg:$0x0];
	s2 =	stileid.u32  }
0xb4: {  	s1 =	rddreg [dreg:$0x1];
	p0 =	sne.s32 s2, $0x0  }
0xb5: {  	s3 =	rddreg [dreg:$0x2];
	[bflag:$0x3] =	sbarrier.arrive $0xFFFF;
	s2 =	simm.s32 @!p0 $0x1C05  }
0xb6: {  	[timem:s3], [sflag:s2] =	dma.local @!p0 [hbm:s0], s1  }
0xb7: {  	s0 =	simm.s32 @!p0 $0x5  }
0xb8: {  	_ =	swait.ge @!p0 [sflag:s0], s1  }
0xb9: {  	s1 =	ssub.s32 @!p0 $0x0, s1;
	[sflag:s0] =	ssyncset.done @!p0 $0x0  }
0xba: {  	[sflag:s0] =	ssyncadd.s32 @!p0 s1  }
0xbb: {  	[bflag:$0x3] =	sbarrier.arrive $0xFFFF  }
0xbc: {  	_ =	shalt  }

// kernel: kernel.8.cloned.1.call-start
scs
__scs_entry_jumppad:
0x0: {  	(pc) =	sbr.rel $0x88, $3  }
0x1: {  	(tag) =	ssettag $0x0;
	lr =	simm.s32 $0x1  }
0x2: {  	[smem:$0x3F96] =	sst lr;
	_ =	strace $0xD0000000  }
0x3: {  	_ = 	snop  }
0x4: {  	_ = 	snop  }
0x5: {  	_ = 	snop  }
0x6: {  	_ = 	snop  }
0x7: {  	_ = 	snop  }
__scs_overlays_trampoline_lowered:
0x8: {  	[smem:$0x3FA5] =	sst s0  }
0x9: {  	[smem:$0x3FA6] =	sst s1  }
0xa: {  	[smem:$0x3FA7] =	sst s2  }
0xb: {  	[smem:$0x3FA8] =	sst s3  }
0xc: {  	[smem:$0x3FA9] =	sst s4  }
0xd: {  	[smem:$0x3FAA] =	sst s5  }
0xe: {  	[smem:$0x3FAB] =	sst s6  }
0xf: {  	[smem:$0x3FAC] =	sst s7  }
0x10: {  	[smem:$0x3FAD] =	sst s8  }
0x11: {  	[smem:$0x3FAE] =	sst s9;
	s0 =	simm.s32 @!p0 $0x0  }
0x12: {  	s1 =	sld [smem:$0x3F94];
	s0 =	simm.s32 @p0 $0x1  }
0x13: {  	[smem:$0x3FAF] =	sst s0;
	s0 =	simm.s32 @!p1 $0x0  }
0x14: {  	s2 =	sld [smem:$0x3F93];
	s0 =	simm.s32 @p1 $0x1  }
0x15: {  	[smem:$0x3FB0] =	sst s0;
	s0 =	simm.s32 @!p2 $0x0  }
0x16: {  	s3 =	sld [smem:$0x3FDB];
	s0 =	simm.s32 @p2 $0x1  }
0x17: {  	s4 =	simm.s32 $0x1BF5;
	[smem:$0x3FB2] =	sst s0  }
0x18: {  	s0 =	sld [smem:$0x3F95];
	_ =	swait.ge [sflag:s4], $0x0  }
0x19: {  	s7 =	sld [smem:$0x3F96]  }
0x1a: {  	s8 =	sadd.s32 $0xFFFFE003, lr  }
0x1b: {  	s9 =	sadd.s32 $0xFFFFFEF7, lr;
	s5 =	simm.s32 $0xFFFFFFFF;
	p2 =	slt.u32 s8, $0xFFFFF086  }
0x1c: {  	p1 =	slt.u32 s9, $0xF7A;
	s5 =	simm.s32 @!p2 $0x0  }
0x1d: {  	s5 =	simm.s32 @p1 $0x1;
	p0 =	seq.s32 s7, s2  }
0x1e: {  	s7 =	smul.u32 @!p0 $0xF7A, s2;
	p2 =	seq.s32 @!p0 s5, $0x0  }
0x1f: {  	s9 =	smul.u32 $0xF7A, s1;
	s8 =	simm.s32 @!p0 $0x1BF5;
	p2 =	por !p2, p0  }
0x20: {  	[sflag:s8] =	ssyncset.s32 @!p0 $0xFFFFF086;
	s6 =	sadd.s32 @!p0 s3, s7;
	s7 =	simm.s32 @!p0 $0x108  }
0x21: {  	s3 =	sadd.s32 s3, s9;
	s6 =	sadd.s32 @!p0 $0x88, s6;
	s7 =	simm.s32 @p2 $0x1082  }
0x22: {  	[simem:s7], [sflag:s8] =	dma.local @!p0 [hbm:s6], $0xF7A  }
0x23: {  	s9 =	sor.u32 $0xD0000000, s2;
	s6 =	simm.s32 $0x108;
	_ =	swait.ge @!p0 [sflag:s8], $0x0  }
0x24: {  	s3 =	sadd.s32 $0x88, s3;
	s6 =	simm.s32 @!p1 $0x1082;
	[sflag:s4] =	ssyncset.s32 $0xFFFFF086  }
0x25: {  	[simem:s6], [sflag:s4] =	dma.local [hbm:s3], $0xF7A  }
0x26: {  	[smem:$0x3F96] =	sst s1;
	(tag) =	ssettag s2;
	_ =	strace s9  }
0x27: {  	s1 =	sld [smem:$0x3FA6]  }
0x28: {  	s2 =	sld [smem:$0x3FA7]  }
0x29: {  	s4 =	sld [smem:$0x3FA9]  }
0x2a: {  	p0 =	seq.s32 s5, $0x0;
	s5 =	sld [smem:$0x3FAA]  }
0x2b: {  	s6 =	sld [smem:$0x3FAB]  }
0x2c: {  	s7 =	sld [smem:$0x3FAC]  }
0x2d: {  	s3 =	simm.s32 $0x108;
	s8 =	sld [smem:$0x3FAD]  }
0x2e: {  	s3 =	simm.s32 @!p0 $0x1082;
	s9 =	sld [smem:$0x3FAE]  }
0x2f: {  	lr =	sadd.s32 s0, s3;
	s0 =	sld [smem:$0x3FA5]  }
0x30: {  	s3 =	sld [smem:$0x3FA8]  }
0x31: {  	[smem:$0x3FB1] =	sst s10  }
0x32: {  	s10 =	sld [smem:$0x3FAF];
	_ =	sdelay $0x3  }
0x33: {  	p0 =	seq.s32 s10, $0x1;
	s10 =	sld [smem:$0x3FB1];
	_ =	sdelay $0x3  }
0x34: {  	[smem:$0x3FB1] =	sst s10  }
0x35: {  	s10 =	sld [smem:$0x3FB0];
	_ =	sdelay $0x3  }
0x36: {  	p1 =	seq.s32 s10, $0x1;
	s10 =	sld [smem:$0x3FB1];
	_ =	sdelay $0x3  }
0x37: {  	[smem:$0x3FB1] =	sst s10  }
0x38: {  	s10 =	sld [smem:$0x3FB2]  }
0x39: {  	_ = 	snop;
	(pc) =	sbr.ind lr, $3  }
0x3a: {  	_ = 	snop  }
0x3b: {  	_ = 	snop  }
0x3c: {  	p2 =	seq.s32 s10, $0x1;
	s10 =	sld [smem:$0x3FB1]  }
0x3d: {  	_ =	shalt  }
0x3e: {  	_ =	shalt  }
0x3f: {  	_ =	shalt  }
0x40: {  	_ =	shalt  }
0x41: {  	_ =	shalt  }
0x42: {  	_ =	shalt  }
0x43: {  	_ =	shalt  }
0x44: {  	_ =	shalt  }
0x45: {  	_ =	shalt  }
0x46: {  	_ =	shalt  }
0x47: {  	_ =	shalt  }
0x48: {  	_ =	shalt  }
0x49: {  	_ =	shalt  }
0x4a: {  	_ =	shalt  }
0x4b: {  	_ =	shalt  }
0x4c: {  	_ =	shalt  }
0x4d: {  	_ =	shalt  }
0x4e: {  	_ =	shalt  }
0x4f: {  	_ =	shalt  }
0x50: {  	_ =	shalt  }
0x51: {  	_ =	shalt  }
0x52: {  	_ =	shalt  }
0x53: {  	_ =	shalt  }
0x54: {  	_ =	shalt  }
0x55: {  	_ =	shalt  }
0x56: {  	_ =	shalt  }
0x57: {  	_ =	shalt  }
0x58: {  	_ =	shalt  }
0x59: {  	_ =	shalt  }
0x5a: {  	_ =	shalt  }
0x5b: {  	_ =	shalt  }
0x5c: {  	_ =	shalt  }
0x5d: {  	_ =	shalt  }
0x5e: {  	_ =	shalt  }
0x5f: {  	_ =	shalt  }
0x60: {  	_ =	shalt  }
0x61: {  	_ =	shalt  }
0x62: {  	_ =	shalt  }
0x63: {  	_ =	shalt  }
0x64: {  	_ =	shalt  }
0x65: {  	_ =	shalt  }
0x66: {  	_ =	shalt  }
0x67: {  	_ =	shalt  }
0x68: {  	_ =	shalt  }
0x69: {  	_ =	shalt  }
0x6a: {  	_ =	shalt  }
0x6b: {  	_ =	shalt  }
0x6c: {  	_ =	shalt  }
0x6d: {  	_ =	shalt  }
0x6e: {  	_ =	shalt  }
0x6f: {  	_ =	shalt  }
0x70: {  	_ =	shalt  }
0x71: {  	_ =	shalt  }
0x72: {  	_ =	shalt  }
0x73: {  	_ =	shalt  }
0x74: {  	_ =	shalt  }
0x75: {  	_ =	shalt  }
0x76: {  	_ =	shalt  }
0x77: {  	_ =	shalt  }
0x78: {  	_ =	shalt  }
0x79: {  	_ =	shalt  }
0x7a: {  	_ =	shalt  }
0x7b: {  	_ =	shalt  }
0x7c: {  	_ =	shalt  }
0x7d: {  	_ =	shalt  }
0x7e: {  	_ =	shalt  }
0x7f: {  	_ =	shalt  }
0x80: {  	_ =	shalt  }
0x81: {  	_ =	shalt  }
0x82: {  	_ =	shalt  }
0x83: {  	_ =	shalt  }
0x84: {  	_ =	shalt  }
0x85: {  	_ =	shalt  }
0x86: {  	_ =	shalt  }
0x87: {  	_ =	shalt  }
.Lfunc_end0:
.L_simem_size_0:
called_computation_lowered:
.L_overlay_start_0:
0x88: {  	s2 =	sld [smem:$0x3FD9]  }
0x89: {  	s3 =	sld [smem:$0x3FFE];
	_ =	sdelay $0x1  }
0x8a: {  	s1 =	srdreg.scid  }
0x8b: {  	s0 =	sand.u32 $0x1, s1  }
0x8c: {  	s15 =	sshll.u32 s0, $0xA;
	s2 =	sadd.s32 s3, s2  }
0x8d: {  	s2 =	sadd.s32 s2, s15  }
0x8e: {  	[smem:$0x3FBD] =	sst s2  }
0x8f: {  	_ = 	snop  }
0x90: {  	s16 =	sld [smem:$0x3FD0];
	_ =	sdelay $0x2  }
0x91: {  	s4 =	simm.s32 $0xC;
	s5 =	simm.s32 $0x10;
	s2 =	sld [smem:$0x3FC9]  }
0x92: {  	[smem:s5], [sflag:s4] =	dma.local [hbm:s16], $0x1  }
0x93: {  	_ =	swait.eq [sflag:s4], $0x1  }
0x94: {  	[sflag:s4] =	ssyncset.done $0x0  }
0x95: {  	[sflag:s4] =	ssyncadd.s32 $0xFFFFFFFF  }
0x96: {  	s17 =	sld [smem:$0x12];
	(tm) =	ssettm $0x1  }
0x97: {  	s18 =	sld [smem:$0x3FFB];
	_ =	sdelay $0x3  }
0x98: {  	_ =	strace s18  }
0x99: {  	s3 =	sld [smem:$0x3FFC];
	_ =	sdelay $0x3  }
0x9a: {  	_ =	strace s3  }
0x9b: {  	s3 =	sld [smem:$0x3FFD];
	_ =	sdelay $0x3  }
0x9c: {  	_ =	strace s3  }
0x9d: {  	_ =	strace $0x8FFFFFFF  }
0x9e: {  	s19 =	sld [smem:$0x3FDB];
	_ =	sdelay $0x1  }
0x9f: {  	s20 =	simm.s32 $_scs_section_size  }
0xa0: {  	s6 =	simm.s32 $_size__tile_overlayer_lowered;
	s7 =	simm.s32 $_tile_overlayer_lowered  }
0xa1: {  	s8 =	simm.s32 $0x1BFF;
	s21 =	sshll.u32 s7, $0x1;
	s5 =	sadd.s32 s20, s19  }
0xa2: {  	s22 =	simm.s32 $0x0;
	s6 =	sshll.u32 s6, $0x1;
	s7 =	sadd.s32 s21, s5  }
0xa3: {  	[timem:s22], [sflag:s8] =	dma.local [hbm:s7], s6  }
0xa4: {  	_ =	swait.ge [sflag:s8], s6  }
0xa5: {  	s6 =	ssub.s32 $0x0, s6;
	[sflag:s8] =	ssyncset.done $0x0  }
0xa6: {  	[sflag:s8] =	ssyncadd.s32 s6;
	_ =	sdelay $0x1  }
0xa7: {  	s23 =	simm.s32 $0x1B8B  }
0xa8: {  	_ =	swait.ge [sflag:s23], $0x1  }
0xa9: {  	[sflag:s23] =	ssyncset.done $0x0  }
0xaa: {  	[sflag:s23] =	ssyncadd.s32 $0xFFFFFFFF  }
0xab: {  	s6 =	sld [smem:$0x0]  }
0xac: {  	s7 =	sand.u32 $0xFFFFFFFE, s1  }
0xad: {  	p0 =	sne.s32 s1, s7  }
0xae: {  	s7 =	sshll.u32 @p0 s7, $0xE  }
0xaf: {  	s7 =	sadd.s32 @p0 $0x11B8D, s7;
	s8 =	sshll.u32 @p0 s6, $0x11  }
0xb0: {  	s7 =	sor.u32 @p0 s8, s7  }
0xb1: {  	[sflag:s7] =	ssyncadd.remote.s32 @p0 $0x1;
	_ =	sdelay $0x1  }
0xb2: {  	s7 =	simm.s32 @p0 $0x1B8D  }
0xb3: {  	_ =	swait.eq @p0 [sflag:s7], $0x1  }
0xb4: {  	[sflag:s7] =	ssyncadd.s32 @p0 $0xFFFFFFFF  }
0xb5: {  	s8 =	sshll.u32 @!p0 s1, $0xE  }
0xb6: {  	s8 =	sor.u32 @!p0 $0x4000, s8;
	s7 =	simm.s32 @!p0 $0x1B8D  }
0xb7: {  	s6 =	sshll.u32 @!p0 s6, $0x11;
	s8 =	sadd.s32 @!p0 $0x11B8D, s8;
	_ =	swait.eq @!p0 [sflag:s7], $0x1  }
0xb8: {  	s6 =	sor.u32 @!p0 s6, s8;
	[sflag:s7] =	ssyncadd.s32 @!p0 $0xFFFFFFFF  }
0xb9: {  	s25 =	simm.s32 $0x1B8E;
	s24 =	sld [smem:$0x3FFE];
	[sflag:s6] =	ssyncadd.remote.s32 @!p0 $0x1  }
0xba: {  	s26 =	simm.s32 $execute0_lowered;
	[smem:$0x3FD2] =	sst s25  }
0xbb: {  	s7 =	sshll.u32 s26, $0x1;
	_ =	strace $0x8000004C;
	[dreg:$0x1] =	wrdreg $0xFFFFFFFF  }
0xbc: {  	s28 =	simm.s32 $_size_execute0_lowered;
	s5 =	sadd.s32 s5, s7;
	[dreg:$0x0] =	wrdreg $0x0  }
0xbd: {  	s7 =	sshll.u32 s28, $0x1;
	[dreg:$0x2] =	wrdreg s5  }
0xbe: {  	[dreg:$0x3] =	wrdreg s7  }
0xbf: {  	[dreg:$0x4] =	wrdreg $0xC0  }
0xc0: {  	_ =	task [dreg:s22], $0x5FFFF  }
0xc1: {  	[dreg:$0x1] =	wrdreg $0xFFFFFFFF  }
0xc2: {  	[dreg:$0x0] =	wrdreg $0x60  }
0xc3: {  	[dreg:$0x2] =	wrdreg s2  }
0xc4: {  	[dreg:$0x3] =	wrdreg s17  }
0xc5: {  	[dreg:$0x4] =	wrdreg s24  }
0xc6: {  	[dreg:$0x5] =	wrdreg $0x9  }
0xc7: {  	_ =	task.clear_ibuf [dreg:s22], $0x6FFFF;
	_ =	strace $0x9000004C  }
0xc8: {  	s29 =	simm.s32 $0x9;
	_ =	strace $0x8000004E  }
0xc9: {  	_ =	swait.ge [sflag:s29], $0x1  }
0xca: {  	[sflag:s29] =	ssyncadd.s32 $0xFFFFFFFF  }
0xcb: {  	_ =	strace $0x9000004E  }
0xcc: {  	_ =	sfence  }
0xcd: {  	s30 =	sld [smem:$0x0];
	_ =	sdelay $0x2  }
0xce: {  	s31 =	sshll.u32 s1, $0xD;
	s1 =	sshrl.u32 s1, $0x2  }
0xcf: {  	s4 =	sand.u32 $0x4000, s31;
	s1 =	sadd.s32 s1, s30  }
0xd0: {  	s0 =	sor.u32 s4, s0;
	s1 =	sshll.u32 s1, $0x11  }
0xd1: {  	s0 =	sor.u32 s1, s0  }
0xd2: {  	s0 =	sadd.s32 $0x8F2B, s0  }
0xd3: {  	[sflag:s0] =	ssyncadd.remote.s32 $0x1  }
0xd4: {  	_ =	sfence.sel $0xFFFF  }
0xd5: {  	[dreg:$0x0] =	wrdreg $0xFFFFFFFF;
	(pc) =	sbr.abs _section_cstart, $3  }
0xd6: {  	[dreg:$0x1] =	wrdreg $0xFFFFFFFF  }
0xd7: {  	_ =	task.clear_ibuf [dreg:s22], $0x2FFFF;
	_ =	strace $0x9FFFFFFF  }
0xd8: {  	(tm) =	ssettm $0x7FFFFFFF  }
0xd9: {  	_ =	shalt  }
tec
execute0_lowered:
.L_overlay_start_1:
0x0: {  	(tag) =	ssettag $0x1  }
0x1: {  	s1 =	rddreg [dreg:$0x0]  }
0x2: {  	s0 =	srdreg.scid;
	s3 =	rddreg [dreg:$0x1]  }
0x3: {  	s13 =	stileid.u32;
	s5 =	rddreg [dreg:$0x2]  }
0x4: {  	s4 =	simm.s32 $0x0;
	s17 =	simm.s32 $0xAF0;
	s11 =	smul.u32 $0x15E0, s13  }
0x5: {  	s18 =	simm.s32 $0x38;
	s19 =	simm.s32 $0x15E0;
	s24 =	smul.u32 $0x2BC0, s13  }
0x6: {  	s30 =	simm.s32 $0x0;
	s0 =	sand.u32 $0x1, s0;
	s26 =	smul.u32 $0x15E00, s13  }
0x7: {  	s2 =	sshll.u32 s13, $0x1;
	[smem:$0x7FF] =	sst s4;
	s12 =	smul.u32 $0xAF0, s0  }
0x8: {  	s15 =	sadd.s32 $0x43A800, s5;
	s2 =	sor.u32 s0, s2;
	s25 =	smul.u32 $0x15E0, s0  }
0x9: {  	_ =	strace $0x8000004D;
	s7 =	ssub.s32 $0x2, s0;
	s0 =	smul.u32 $0xAF00, s0  }
0xa: {  	s2 =	smul.u32 $0xAF0, s2;
	s8 =	sshrl.u32 s7, $0x1;
	s28 =	sadd.s32 s26, s15  }
0xb: {  	s26 =	simm.s32 $0x4;
	s7 =	ssub.s32 s7, s8;
	s12 =	sadd.s32 s12, s11  }
0xc: {  	s13 =	sadd.s32 s0, s28;
	s6 =	sshrl.u32 s2, $0x3;
	s9 =	sadd.s32 $0xA80, s2  }
0xd: {  	s2 =	sadd.s32 $0xAB8, s2;
	s11 =	smax.u32 s7, $0x1;
	s12 =	sadd.s32 $0x38, s12  }
0xe: {  	s6 =	sadd.s32 s6, s5;
	s5 =	sadd.s32 $0x40EC00, s5;
	s20 =	sshll.u32 s9, $0x4  }
0xf: {  	s22 =	sshll.u32 s9, $0x1;
	s23 =	sshll.u32 s2, $0x4;
	s2 =	sshll.u32 s2, $0x1  }
0x10: {  	s16 =	sshrl.u32 s12, $0x3;
	s10 =	sadd.s32 $0x40C000, s6;
	s6 =	sadd.s32 $0x409400, s6  }
0x11: {  	s21 =	sadd.s32 s15, s20;
	s9 =	sadd.s32 s15, s23;
	s29 =	sshll.u32 s16, $0x4  }
0x12: {  	s31 =	sshll.u32 s16, $0x7;
	s16 =	simm.s32 $0x5;
	[dreg:$0x4] =	wrdreg s10  }
0x13: {  	s20 =	simm.s32 $0x4DE0;
	s23 =	simm.s32 $0x1;
	[dreg:$0x5] =	wrdreg s6  }
0x14: {  	[dreg:$0x6] =	wrdreg s21;
	s6 =	sadd.s32 s5, s22;
	s10 =	sadd.s32 s5, s2  }
0x15: {  	s14 =	sadd.s32 s29, s5;
	s15 =	sadd.s32 s31, s15;
	s21 =	simm.s32 $0x31E0  }
0x16: {  	s22 =	simm.s32 $0x5160;
	[dreg:$0x7] =	wrdreg s6;
	s6 =	sadd.s32 s24, s5  }
0x17: {  	s24 =	simm.s32 $0x3;
	s12 =	sadd.s32 s25, s6;
	s25 =	simm.s32 $0x2  }
.LBB2_1:
0x18: {  	s0 =	rddreg [dreg:$0x4]  }
0x19: {  	[tilespmem:s4], [sflag:$0x5] =	stream.linear.gather [hbm4b:s0+s4], $0xAF0, $0x38;
	[tilespmem:$0x54E0] =	vst v63  }
0x1a: {  	_ =	swait.ge [sflag:s16], $0xAF0  }
0x1b: {  	[sflag:s16] =	ssyncset.done $0x0  }
0x1c: {  	s2 =	rddreg [dreg:$0x5];
	[sflag:s16] =	ssyncadd.s32 $0xFFFFF510  }
0x1d: {  	[tilespmem:s17], [sflag:$0x5] =	stream.linear.gather [hbm4b:s2+s4], $0xAF0, $0x38;
	[tilespmem:$0x54E0] =	vst v63  }
0x1e: {  	_ =	swait.ge [sflag:s16], $0xAF0  }
0x1f: {  	[sflag:s16] =	ssyncset.done $0x0  }
0x20: {  	[sflag:s16] =	ssyncadd.s32 $0xFFFFF510  }
0x21: {  	[tilespmem:s19], [sflag:$0x1] =	stream.indirect.gather [hbm4b:s1+s18], $0x80, s4, s18, $0xb8;
	[tilespmem:$0x54E0] =	vst v63  }
0x22: {  	_ = 	snop  }
0x23: {  	[tilespmem:s20], [sflag:$0x3] =	stream.indirect.gather [hbm4b:s3+s18], $0x10, s17, s18, $0xb8;
	[tilespmem:$0x54E0] =	vst v63  }
0x24: {  	s5 =	simm.s32 $0x38  }
0x25: {  	[tilespmem:s21], [sflag:$0x2] =	stream.indirect.gather [hbm4b:s1+s18], $0x80, s5, s18, $0xb8;
	[tilespmem:$0x54E0] =	vst v63  }
0x26: {  	s6 =	simm.s32 $0xB28  }
0x27: {  	[tilespmem:s22], [sflag:$0x4] =	stream.indirect.gather [hbm4b:s3+s18], $0x10, s6, s18, $0xb8;
	[tilespmem:$0x54E0] =	vst v63  }
0x28: {  	_ =	swait.ge [sflag:s23], $0x1C00  }
0x29: {  	[sflag:s23] =	ssyncset.done $0x0  }
0x2a: {  	[sflag:s23] =	ssyncadd.s32 $0xFFFFE400  }
0x2b: {  	_ =	swait.ge [sflag:s24], $0x380  }
0x2c: {  	[sflag:s24] =	ssyncset.done $0x0  }
0x2d: {  	[sflag:s24] =	ssyncadd.s32 $0xFFFFFC80  }
0x2e: {  	[hbm4b:s13+s4] =	stream.linear.scatter [tilespmem:s19], [sflag:$0x5], $0x1C00, $0x38;
	[tilespmem:$0x54E0] =	vst v63  }
0x2f: {  	_ =	swait.ge [sflag:s16], $0x1C00  }
0x30: {  	[sflag:s16] =	ssyncset.done $0x0  }
0x31: {  	[sflag:s16] =	ssyncadd.s32 $0xFFFFE400  }
0x32: {  	[hbm4b:s12+s4] =	stream.linear.scatter [tilespmem:s20], [sflag:$0x5], $0x380, $0x38;
	[tilespmem:$0x54E0] =	vst v63  }
0x33: {  	_ =	swait.ge [sflag:s16], $0x380  }
0x34: {  	[sflag:s16] =	ssyncset.done $0x0  }
0x35: {  	s7 =	simm.s32 $0x70;
	[sflag:s16] =	ssyncadd.s32 $0xFFFFFC80  }
0x36: {  	[tilespmem:s19], [sflag:$0x1] =	stream.indirect.gather [hbm4b:s1+s18], $0x80, s7, s18, $0xb8;
	[tilespmem:$0x54E0] =	vst v63  }
0x37: {  	s8 =	simm.s32 $0xB60  }
0x38: {  	[tilespmem:s20], [sflag:$0x3] =	stream.indirect.gather [hbm4b:s3+s18], $0x10, s8, s18, $0xb8;
	[tilespmem:$0x54E0] =	vst v63  }
0x39: {  	_ =	swait.ge [sflag:s25], $0x1C00  }
0x3a: {  	[sflag:s25] =	ssyncset.done $0x0  }
0x3b: {  	[sflag:s25] =	ssyncadd.s32 $0xFFFFE400  }
0x3c: {  	_ =	swait.ge [sflag:s26], $0x380  }
0x3d: {  	[sflag:s26] =	ssyncset.done $0x0  }
0x3e: {  	[sflag:s26] =	ssyncadd.s32 $0xFFFFFC80  }
0x3f: {  	[hbm4b:s15+s4] =	stream.linear.scatter [tilespmem:s21], [sflag:$0x5], $0x1C00, $0x38;
	[tilespmem:$0x54E0] =	vst v63  }
0x40: {  	_ =	swait.ge [sflag:s16], $0x1C00  }
0x41: {  	[sflag:s16] =	ssyncset.done $0x0  }
0x42: {  	s31 =	sadd.s32 $0x700, s15;
	s29 =	simm.s32 $0x70;
	[sflag:s16] =	ssyncadd.s32 $0xFFFFE400  }
0x43: {  	[hbm4b:s14+s4] =	stream.linear.scatter [tilespmem:s22], [sflag:$0x5], $0x380, $0x38;
	[tilespmem:$0x54E0] =	vst v63  }
0x44: {  	s28 =	sadd.s32 $0xE0, s12;
	s0 =	sadd.s32 $0x700, s13;
	_ =	swait.ge [sflag:s16], $0x380  }
0x45: {  	s2 =	sadd.s32 $0xE0, s14;
	s5 =	simm.s32 $0x380;
	[sflag:s16] =	ssyncset.done $0x0  }
.LBB2_2:
0x46: {  	s8 =	sadd.s32 $0x38, s29  }
0x47: {  	[sflag:s16] =	ssyncadd.s32 $0xFFFFFC80;
	s6 =	smov.u32 s5;
	s7 =	sadd.s32 $0x1C0, s5  }
0x48: {  	[tilespmem:s21], [sflag:$0x2] =	stream.indirect.gather [hbm4b:s1+s18], $0x80, s8, s18, $0xb8;
	[tilespmem:$0x54E0] =	vst v63  }
0x49: {  	p0 =	sne.s32 s5, $0x2840;
	s5 =	sadd.s32 $0xB28, s29  }
0x4a: {  	[tilespmem:s22], [sflag:$0x4] =	stream.indirect.gather [hbm4b:s3+s18], $0x10, s5, s18, $0xb8;
	[tilespmem:$0x54E0] =	vst v63  }
0x4b: {  	_ =	swait.ge [sflag:s23], $0x1C00  }
0x4c: {  	[sflag:s23] =	ssyncset.done $0x0  }
0x4d: {  	[sflag:s23] =	ssyncadd.s32 $0xFFFFE400  }
0x4e: {  	_ =	swait.ge [sflag:s24], $0x380  }
0x4f: {  	[sflag:s24] =	ssyncset.done $0x0  }
0x50: {  	[sflag:s24] =	ssyncadd.s32 $0xFFFFFC80  }
0x51: {  	[hbm4b:s0+s4] =	stream.linear.scatter [tilespmem:s19], [sflag:$0x5], $0x1C00, $0x38;
	[tilespmem:$0x54E0] =	vst v63  }
0x52: {  	_ =	swait.ge [sflag:s16], $0x1C00  }
0x53: {  	[sflag:s16] =	ssyncset.done $0x0  }
0x54: {  	[sflag:s16] =	ssyncadd.s32 $0xFFFFE400  }
0x55: {  	[hbm4b:s28+s4] =	stream.linear.scatter [tilespmem:s20], [sflag:$0x5], $0x380, $0x38;
	[tilespmem:$0x54E0] =	vst v63  }
0x56: {  	_ =	swait.ge [sflag:s16], $0x380  }
0x57: {  	[sflag:s16] =	ssyncset.done $0x0  }
0x58: {  	s5 =	sadd.s32 $0x70, s29;
	[sflag:s16] =	ssyncadd.s32 $0xFFFFFC80  }
0x59: {  	[tilespmem:s19], [sflag:$0x1] =	stream.indirect.gather [hbm4b:s1+s18], $0x80, s5, s18, $0xb8;
	[tilespmem:$0x54E0] =	vst v63  }
0x5a: {  	s5 =	sadd.s32 $0xB60, s29  }
0x5b: {  	[tilespmem:s20], [sflag:$0x3] =	stream.indirect.gather [hbm4b:s3+s18], $0x10, s5, s18, $0xb8;
	[tilespmem:$0x54E0] =	vst v63  }
0x5c: {  	_ =	swait.ge [sflag:s25], $0x1C00  }
0x5d: {  	[sflag:s25] =	ssyncset.done $0x0  }
0x5e: {  	[sflag:s25] =	ssyncadd.s32 $0xFFFFE400  }
0x5f: {  	_ =	swait.ge [sflag:s26], $0x380  }
0x60: {  	[sflag:s26] =	ssyncset.done $0x0  }
0x61: {  	[sflag:s26] =	ssyncadd.s32 $0xFFFFFC80  }
0x62: {  	[hbm4b:s31+s4] =	stream.linear.scatter [tilespmem:s21], [sflag:$0x5], $0x1C00, $0x38;
	[tilespmem:$0x54E0] =	vst v63  }
0x63: {  	_ =	swait.ge [sflag:s16], $0x1C00  }
.Ltmp0:
0x64: {  	[sflag:s16] =	ssyncset.done $0x0;
	(pc) =	sbr.rel @p0 .LBB2_2-.Ltmp0, $4  }
0x65: {  	s0 =	sadd.s32 $0x700, s0;
	s31 =	sadd.s32 $0x700, s31;
	[sflag:s16] =	ssyncadd.s32 $0xFFFFE400  }
0x66: {  	[hbm4b:s2+s4] =	stream.linear.scatter [tilespmem:s22], [sflag:$0x5], $0x380, $0x38;
	[tilespmem:$0x54E0] =	vst v63  }
0x67: {  	s28 =	sadd.s32 $0xE0, s28;
	s2 =	sadd.s32 $0xE0, s2;
	_ =	swait.ge [sflag:s16], $0x380  }
0x68: {  	s29 =	sshra.s32 s6, $0x2;
	s5 =	smov.u32 s7;
	[sflag:s16] =	ssyncset.done $0x0  }
0x69: {  	s5 =	sadd.s32 $0x38, s29;
	[sflag:s16] =	ssyncadd.s32 $0xFFFFFC80  }
0x6a: {  	[tilespmem:s21], [sflag:$0x2] =	stream.indirect.gather [hbm4b:s1+s18], $0x80, s5, s18, $0xb8;
	[tilespmem:$0x54E0] =	vst v63  }
0x6b: {  	s8 =	sadd.s32 $0xB28, s29  }
0x6c: {  	[tilespmem:s22], [sflag:$0x4] =	stream.indirect.gather [hbm4b:s3+s18], $0x10, s8, s18, $0xb8;
	[tilespmem:$0x54E0] =	vst v63  }
0x6d: {  	_ =	swait.ge [sflag:s23], $0x1C00  }
0x6e: {  	[sflag:s23] =	ssyncset.done $0x0  }
0x6f: {  	[sflag:s23] =	ssyncadd.s32 $0xFFFFE400  }
0x70: {  	_ =	swait.ge [sflag:s24], $0x380  }
0x71: {  	[sflag:s24] =	ssyncset.done $0x0  }
0x72: {  	[sflag:s24] =	ssyncadd.s32 $0xFFFFFC80  }
0x73: {  	[hbm4b:s0+s4] =	stream.linear.scatter [tilespmem:s19], [sflag:$0x5], $0x1C00, $0x38;
	[tilespmem:$0x54E0] =	vst v63  }
0x74: {  	_ =	swait.ge [sflag:s16], $0x1C00  }
0x75: {  	[sflag:s16] =	ssyncset.done $0x0  }
0x76: {  	[sflag:s16] =	ssyncadd.s32 $0xFFFFE400  }
0x77: {  	[hbm4b:s28+s4] =	stream.linear.scatter [tilespmem:s20], [sflag:$0x5], $0x380, $0x38;
	[tilespmem:$0x54E0] =	vst v63  }
0x78: {  	_ =	swait.ge [sflag:s16], $0x380  }
0x79: {  	[sflag:s16] =	ssyncset.done $0x0  }
0x7a: {  	s6 =	sadd.s32 $0x70, s29;
	[sflag:s16] =	ssyncadd.s32 $0xFFFFFC80  }
0x7b: {  	[tilespmem:s19], [sflag:$0x1] =	stream.indirect.gather [hbm4b:s1+s18], $0x80, s6, s18, $0xb8;
	[tilespmem:$0x54E0] =	vst v63  }
0x7c: {  	s7 =	sadd.s32 $0xB60, s29  }
0x7d: {  	[tilespmem:s20], [sflag:$0x3] =	stream.indirect.gather [hbm4b:s3+s18], $0x10, s7, s18, $0xb8;
	[tilespmem:$0x54E0] =	vst v63  }
0x7e: {  	_ =	swait.ge [sflag:s25], $0x1C00  }
0x7f: {  	[sflag:s25] =	ssyncset.done $0x0  }
0x80: {  	[sflag:s25] =	ssyncadd.s32 $0xFFFFE400  }
0x81: {  	_ =	swait.ge [sflag:s26], $0x380  }
0x82: {  	[sflag:s26] =	ssyncset.done $0x0  }
0x83: {  	[sflag:s26] =	ssyncadd.s32 $0xFFFFFC80  }
0x84: {  	[hbm4b:s31+s4] =	stream.linear.scatter [tilespmem:s21], [sflag:$0x5], $0x1C00, $0x38;
	[tilespmem:$0x54E0] =	vst v63  }
0x85: {  	_ =	swait.ge [sflag:s16], $0x1C00  }
0x86: {  	[sflag:s16] =	ssyncset.done $0x0  }
0x87: {  	[sflag:s16] =	ssyncadd.s32 $0xFFFFE400  }
0x88: {  	[hbm4b:s2+s4] =	stream.linear.scatter [tilespmem:s22], [sflag:$0x5], $0x380, $0x38;
	[tilespmem:$0x54E0] =	vst v63  }
0x89: {  	_ =	swait.ge [sflag:s16], $0x380  }
0x8a: {  	[sflag:s16] =	ssyncset.done $0x0  }
0x8b: {  	s8 =	simm.s32 $0xAB8;
	[sflag:s16] =	ssyncadd.s32 $0xFFFFFC80  }
0x8c: {  	[tilespmem:s21], [sflag:$0x2] =	stream.indirect.gather [hbm4b:s1+s18], $0x80, s8, s18, $0xb8;
	[tilespmem:$0x54E0] =	vst v63  }
0x8d: {  	s28 =	simm.s32 $0x15A8  }
0x8e: {  	[tilespmem:s22], [sflag:$0x4] =	stream.indirect.gather [hbm4b:s3+s18], $0x10, s28, s18, $0xb8;
	[tilespmem:$0x54E0] =	vst v63  }
0x8f: {  	_ =	swait.ge [sflag:s23], $0x1C00  }
0x90: {  	[sflag:s23] =	ssyncset.done $0x0  }
0x91: {  	[sflag:s23] =	ssyncadd.s32 $0xFFFFE400  }
0x92: {  	_ =	swait.ge [sflag:s24], $0x380  }
0x93: {  	[sflag:s24] =	ssyncset.done $0x0  }
0x94: {  	s29 =	rddreg [dreg:$0x6];
	[sflag:s24] =	ssyncadd.s32 $0xFFFFFC80  }
0x95: {  	[hbm4b:s29+s4] =	stream.linear.scatter [tilespmem:s19], [sflag:$0x5], $0x1C00, $0x38;
	[tilespmem:$0x54E0] =	vst v63  }
0x96: {  	_ =	swait.ge [sflag:s16], $0x1C00  }
0x97: {  	[sflag:s16] =	ssyncset.done $0x0  }
0x98: {  	s31 =	rddreg [dreg:$0x7];
	[sflag:s16] =	ssyncadd.s32 $0xFFFFE400  }
0x99: {  	[hbm4b:s31+s4] =	stream.linear.scatter [tilespmem:s20], [sflag:$0x5], $0x380, $0x38;
	[tilespmem:$0x54E0] =	vst v63  }
0x9a: {  	_ =	swait.ge [sflag:s16], $0x380  }
0x9b: {  	[sflag:s16] =	ssyncset.done $0x0  }
0x9c: {  	[sflag:s16] =	ssyncadd.s32 $0xFFFFFC80  }
0x9d: {  	_ =	swait.ge [sflag:s25], $0x1C00  }
0x9e: {  	[sflag:s25] =	ssyncset.done $0x0  }
0x9f: {  	[sflag:s25] =	ssyncadd.s32 $0xFFFFE400  }
0xa0: {  	_ =	swait.ge [sflag:s26], $0x380  }
0xa1: {  	[sflag:s26] =	ssyncset.done $0x0  }
0xa2: {  	[sflag:s26] =	ssyncadd.s32 $0xFFFFFC80  }
0xa3: {  	[hbm4b:s9+s4] =	stream.linear.scatter [tilespmem:s21], [sflag:$0x5], $0x1C00, $0x38;
	[tilespmem:$0x54E0] =	vst v63  }
0xa4: {  	s30 =	sadd.s32 $0x1, s30;
	_ =	swait.ge [sflag:s16], $0x1C00  }
0xa5: {  	p0 =	sne.s32 s30, s11;
	[sflag:s16] =	ssyncset.done $0x0  }
.Ltmp1:
0xa6: {  	[sflag:s16] =	ssyncadd.s32 $0xFFFFE400;
	(pc) =	sbr.rel @p0 .LBB2_1-.Ltmp1, $4  }
0xa7: {  	[hbm4b:s10+s4] =	stream.linear.scatter [tilespmem:s22], [sflag:$0x5], $0x380, $0x38;
	[tilespmem:$0x54E0] =	vst v63  }
0xa8: {  	_ =	swait.ge [sflag:s16], $0x380  }
0xa9: {  	[sflag:s16] =	ssyncset.done $0x0  }
0xaa: {  	[sflag:s16] =	ssyncadd.s32 $0xFFFFFC80  }
0xab: {  	_ =	sfence.sel $0x180000  }
0xac: {  	[bflag:$0x0] =	sbarrier.arrive $0xFFFF  }
0xad: {  	_ =	strace $0x9000004D  }
0xae: {  	s0 =	stileid.u32;
	[bflag:$0x2] =	sbarrier.arrive $0xFFFF  }
0xaf: {  	p0 =	sne.s32 s0, $0x0;
	s0 =	rddreg [dreg:$0x3]  }
0xb0: {  	s0 =	sadd.s32 @!p0 $0x100000, s0  }
0xb1: {  	[sflag:s0] =	ssyncadd.tile.s32 @!p0 $0x1;
	_ =	shalt  }
.Lfunc_end2:
_tile_overlayer_lowered:
.L_overlay_start_2:
0xb2: {  	(tag) =	ssettag $0x2  }
0xb3: {  	s0 =	rddreg [dreg:$0x0];
	s2 =	stileid.u32  }
0xb4: {  	s1 =	rddreg [dreg:$0x1];
	p0 =	sne.s32 s2, $0x0  }
0xb5: {  	s3 =	rddreg [dreg:$0x2];
	[bflag:$0x3] =	sbarrier.arrive $0xFFFF;
	s2 =	simm.s32 @!p0 $0x1C05  }
0xb6: {  	[timem:s3], [sflag:s2] =	dma.local @!p0 [hbm:s0], s1  }
0xb7: {  	s0 =	simm.s32 @!p0 $0x5  }
0xb8: {  	_ =	swait.ge @!p0 [sflag:s0], s1  }
0xb9: {  	s1 =	ssub.s32 @!p0 $0x0, s1;
	[sflag:s0] =	ssyncset.done @!p0 $0x0  }
0xba: {  	[sflag:s0] =	ssyncadd.s32 @!p0 s1  }
0xbb: {  	[bflag:$0x3] =	sbarrier.arrive $0xFFFF  }
0xbc: {  	_ =	shalt  }

</sc_bundles>
